<compile_context>
chip_gen: v7x
topology: tpu7x:2x2x1
jax: 0.10.2.dev20260603
libtpu: 0.0.44.dev20260713+nightly
codegen_flags: <defaults>
</compile_context>

<pallas_src>
import jax
import jax.numpy as jnp
from jax import lax
from jax.experimental import pallas as pl
from jax.experimental.pallas import tpu as pltpu
from jax.experimental.pallas import tpu_sc as plsc

_CONF_THRES = 0.5
_IOU_THRES = 0.45
_B = 512


def _iou_tile(rx1, ry1, rx2, ry2, ar, cx1, cy1, cx2, cy2, ac):
    dx = jnp.clip(jnp.minimum(rx2, cx2) - jnp.maximum(rx1, cx1), 0.0)
    dy = jnp.clip(jnp.minimum(ry2, cy2) - jnp.maximum(ry1, cy1), 0.0)
    inter = dx * dy
    return inter / (ar + ac - inter + 1e-9)


def _nms_body(br, bt, sc, keep_c, area_c):
    np_ = keep_c.shape[1]
    nb = np_ // _B

    valid = jnp.where(sc[...] > _CONF_THRES, 1.0, 0.0)
    keep_c[...] = valid
    area_c[...] = (bt[2:3, :] - bt[0:1, :]) * (bt[3:4, :] - bt[1:2, :])

    nv = jnp.sum(valid).astype(jnp.int32)
    nb_eff = jnp.minimum((nv + _B - 1) // _B, nb)

    tri_u = (
        jax.lax.broadcasted_iota(jnp.int32, (_B, _B), 0)
        < jax.lax.broadcasted_iota(jnp.int32, (_B, _B), 1)
    )

    def suppress_counts(kc, ovm):
        return jax.lax.dot_general(
            kc, ovm, (((1,), (0,)), ((), ())),
            preferred_element_type=jnp.float32,
        )

    def block_step(k, _):
        kb = k * _B
        bx1r = br[pl.ds(kb, _B), 0:1]
        by1r = br[pl.ds(kb, _B), 1:2]
        bx2r = br[pl.ds(kb, _B), 2:3]
        by2r = br[pl.ds(kb, _B), 3:4]
        bx1c = bt[0:1, pl.ds(kb, _B)]
        by1c = bt[1:2, pl.ds(kb, _B)]
        bx2c = bt[2:3, pl.ds(kb, _B)]
        by2c = bt[3:4, pl.ds(kb, _B)]
        bac = (bx2c - bx1c) * (by2c - by1c)
        bar = (bx2r - bx1r) * (by2r - by1r)

        iou_kk = _iou_tile(
            bx1r, by1r, bx2r, by2r, bar, bx1c, by1c, bx2c, by2c, bac
        )
        ovu = jnp.where((iou_kk > _IOU_THRES) & tri_u, 1.0, 0.0)

        valb_c = keep_c[:, pl.ds(kb, _B)]

        def cond(carry):
            return carry[1] > 0

        def body(carry):
            kc, _ = carry
            sup_c = suppress_counts(kc, ovu)
            kc_new = valb_c * (1.0 - jnp.where(sup_c > 0.0, 1.0, 0.0))
            changed = (jnp.sum(jnp.abs(kc_new - kc)) > 0.0).astype(jnp.int32)
            return kc_new, changed

        kc_f, _ = jax.lax.while_loop(cond, body, (valb_c, jnp.int32(1)))
        keep_c[:, pl.ds(kb, _B)] = kc_f

        def tail_step(j, _):
            jb = j * _B
            cx1 = bt[0:1, pl.ds(jb, _B)]
            cy1 = bt[1:2, pl.ds(jb, _B)]
            cx2 = bt[2:3, pl.ds(jb, _B)]
            cy2 = bt[3:4, pl.ds(jb, _B)]
            cac = area_c[:, pl.ds(jb, _B)]

            iou_kj = _iou_tile(
                bx1r, by1r, bx2r, by2r, bar, cx1, cy1, cx2, cy2, cac
            )
            ovm = jnp.where(iou_kj > _IOU_THRES, 1.0, 0.0)
            sup_c = suppress_counts(kc_f, ovm) > 0.0
            keep_c[:, pl.ds(jb, _B)] *= 1.0 - sup_c.astype(jnp.float32)
            return 0

        jax.lax.fori_loop(k + 1, nb_eff, tail_step, 0)
        return 0

    jax.lax.fori_loop(0, nb_eff, block_step, 0)


def _make_sc_gather(n, np_):
    r = 256
    nw = np_ // r
    assert np_ % r == 0 and nw <= 32
    last = n // r
    rem = n - last * r
    assert rem % 8 == 0 and (last + (1 if rem else 0)) == nw

    def body(boxes_hbm, order_hbm, negs_hbm, br_hbm, bt_hbm, sp_hbm,
             tbl_v, idx_v, br_v, bt_v, sv_v):
        wid = lax.axis_index("s") * 2 + lax.axis_index("c")

        @pl.when(wid < nw)
        def _():
            base = wid * r
            pltpu.sync_copy(boxes_hbm, tbl_v)

            @pl.when(wid < last)
            def _():
                pltpu.sync_copy(order_hbm.at[pl.ds(base, r)], idx_v)
                pltpu.sync_copy(negs_hbm.at[pl.ds(base, r)], sv_v)

            if rem:

                @pl.when(wid == last)
                def _():
                    for i in range(r // 16):
                        idx_v[pl.ds(i * 16, 16)] = jnp.zeros((16,), jnp.int32)
                        sv_v[pl.ds(i * 16, 16)] = jnp.zeros((16,), jnp.float32)
                    pltpu.sync_copy(
                        order_hbm.at[pl.ds(last * r, rem)],
                        idx_v.at[pl.ds(0, rem)],
                    )
                    pltpu.sync_copy(
                        negs_hbm.at[pl.ds(last * r, rem)],
                        sv_v.at[pl.ds(0, rem)],
                    )

            for i in range(r // 16):
                idx16 = idx_v[pl.ds(i * 16, 16)]
                flat_row = (lax.iota(jnp.int32, 16) + (i * 16)) * 4
                sv_v[pl.ds(i * 16, 16)] = -sv_v[pl.ds(i * 16, 16)]
                for c in range(4):
                    vals = plsc.load_gather(tbl_v, [idx16 * 4 + c])
                    bt_v[c, pl.ds(i * 16, 16)] = vals
                    plsc.store_scatter(br_v, [flat_row + c], vals)
            pltpu.sync_copy(br_v, br_hbm.at[pl.ds(base * 4, r * 4)])
            pltpu.sync_copy(bt_v, bt_hbm.at[:, pl.ds(base, r)])
            pltpu.sync_copy(sv_v, sp_hbm.at[pl.ds(base, r)])

    return pl.kernel(
        body,
        out_type=(
            jax.ShapeDtypeStruct((np_ * 4,), jnp.float32),
            jax.ShapeDtypeStruct((4, np_), jnp.float32),
            jax.ShapeDtypeStruct((np_,), jnp.float32),
        ),
        mesh=plsc.VectorSubcoreMesh(core_axis_name="c", subcore_axis_name="s"),
        compiler_params=pltpu.CompilerParams(needs_layout_passes=False),
        scratch_types=[
            pltpu.VMEM((n * 4,), jnp.float32),
            pltpu.VMEM((r,), jnp.int32),
            pltpu.VMEM((r * 4,), jnp.float32),
            pltpu.VMEM((4, r), jnp.float32),
            pltpu.VMEM((r,), jnp.float32),
        ],
    )


def kernel(boxes, scores):
    n = scores.shape[0]
    np_ = ((n + _B - 1) // _B) * _B

    neg_s, order = jax.lax.sort_key_val(-scores, jnp.arange(n, dtype=jnp.int32))

    boxes_pf, boxes_t, sp = _make_sc_gather(n, np_)(
        boxes.reshape(-1), order, neg_s
    )
    boxes_p = boxes_pf.reshape(np_, 4)
    scores_p = sp.reshape(1, np_)

    keep_s = pl.pallas_call(
        _nms_body,
        out_shape=jax.ShapeDtypeStruct((1, np_), jnp.float32),
        scratch_shapes=[pltpu.VMEM((1, np_), jnp.float32)],
    )(boxes_p, boxes_t, scores_p)[0, :n]

    kf = jnp.zeros((n,), jnp.float32).at[order].set(keep_s)
    det5 = jnp.concatenate([boxes, scores[:, None]], axis=1)
    return det5 * kf[:, None]

# --- scband reference (transcript-rebuilt; emitter-appended) ---
"""Pipeline reference for scband-det-face-40011915329708 (READ-ONLY COPY).

The authoritative reference and input builder live on the scoring server;
editing this copy changes nothing except your own understanding.
"""

import jax, jax.numpy as jnp
import numpy as np

N = 5000
CONF_THRES = 0.5
IOU_THRES = 0.45


def setup_inputs(seed: int = 0) -> dict:
    key = jax.random.key(seed)
    k1, k2, k3 = jax.random.split(key, 3)
    # realistic boxes in xyxy format inside a ~1024px canvas
    xy = jax.random.uniform(k1, (N, 2), dtype=jnp.float32) * 1000.0
    wh = jax.random.uniform(k2, (N, 2), dtype=jnp.float32) * 100.0 + 2.0
    boxes = jnp.concatenate([xy, xy + wh], axis=1)  # [N,4] x1,y1,x2,y2
    scores = jax.random.uniform(k3, (N,), dtype=jnp.float32)
    return {"boxes": boxes, "scores": scores}


def _greedy_nms_keep(boxes, scores, valid, iou_thres):
    # score-descending order (torchvision.ops.nms semantics)
    order = jnp.argsort(-scores)
    b = boxes[order]
    v = valid[order]
    n = b.shape[0]
    area = (b[:, 2] - b[:, 0]) * (b[:, 3] - b[:, 1])
    lt = jnp.maximum(b[:, None, :2], b[None, :, :2])
    rb = jnp.minimum(b[:, None, 2:], b[None, :, 2:])
    inter = jnp.clip(rb - lt, 0.0).prod(-1)
    iou = inter / (area[:, None] + area[None, :] - inter + 1e-9)
    idx = jnp.arange(n)

    def body(i, keep):
        # box i (if still kept) suppresses all lower-scored overlapping boxes
        sup = (iou[i] > iou_thres) & keep[i] & (idx > i)
        return keep & (~sup)

    keep_sorted = jax.lax.fori_loop(0, n, body, v)
    # map back to original order
    keep = jnp.zeros((n,), dtype=bool).at[order].set(keep_sorted)
    return keep


def reference(boxes, scores):
    # conf-threshold filtering done as a mask (fixed shapes for jit-friendliness)
    valid = scores > CONF_THRES
    keep = _greedy_nms_keep(boxes, scores, valid, IOU_THRES)
    kf = keep.astype(boxes.dtype)
    det = jnp.concatenate([boxes * kf[:, None], (scores * kf)[:, None]], axis=1)  # [N,5]
    return det

if __name__ == "__main__":
    import jax
    _d = setup_inputs()
    print(jax.jit(kernel)(*tuple(_d.values())))

</pallas_src>

<mosaic_0001>
#map = affine_map<(d0, d1) -> (0)>
#map1 = affine_map<(d0, d1) -> (0, 0)>
module attributes {stable_mosaic.version = 14 : i64} {
  func.func @body(%arg0: i32, %arg1: i32, %arg2: memref<20000xf32, #tpu.memory_space<hbm>>, %arg3: memref<5000xi32, #tpu.memory_space<hbm>>, %arg4: memref<5000xf32, #tpu.memory_space<hbm>>, %arg5: memref<20480xf32, #tpu.memory_space<hbm>>, %arg6: memref<4x5120xf32, #tpu.memory_space<hbm>>, %arg7: memref<5120xf32, #tpu.memory_space<hbm>>, %arg8: memref<20000xf32, #tpu.memory_space<vmem>>, %arg9: memref<256xi32, #tpu.memory_space<vmem>>, %arg10: memref<1024xf32, #tpu.memory_space<vmem>>, %arg11: memref<4x256xf32, #tpu.memory_space<vmem>>, %arg12: memref<256xf32, #tpu.memory_space<vmem>>) attributes {dimension_semantics = [#tpu.dimension_semantics<core_parallel>, #tpu.dimension_semantics<subcore_parallel>], iteration_bounds = array<i64: 2, 16>, scalar_prefetch = 0 : i64, scratch_operands = 5 : i64, tpu.core_type = #tpu.core_type<sc_vector_subcore>, window_params = [{transform_indices = #map}, {transform_indices = #map}, {transform_indices = #map}, {transform_indices = #map}, {transform_indices = #map1}, {transform_indices = #map}]} {
    %mul3A = arith.constant 2 : i32
    %mul3A_0 = arith.muli %arg1, %mul3A : i32
    %add3A = arith.addi %mul3A_0, %arg0 : i32
    %lt3A = arith.constant 20 : i32
    %lt3A_1 = arith.cmpi slt, %add3A, %lt3A : i32
    %convert_element_type3A = arith.extui %lt3A_1 : i1 to i32
    %cond3A = arith.constant 0 : i32
    %cond3A_2 = arith.cmpi ne, %convert_element_type3A, %cond3A : i32
    scf.if %cond3A_2 {
      %mul3A_3 = arith.constant 256 : i32
      %mul3A_4 = arith.muli %add3A, %mul3A_3 : i32
      "tpu.region"() ({
        %run_scoped3A = tpu.sem_alloc : memref<!tpu.dma_semaphore, #tpu.memory_space<semaphore_mem>>
        tpu.enqueue_dma source(%arg2 : memref<20000xf32, #tpu.memory_space<hbm>>) target(%arg8 : memref<20000xf32, #tpu.memory_space<vmem>>) target_semaphore(%run_scoped3A : memref<!tpu.dma_semaphore, #tpu.memory_space<semaphore_mem>>)
        tpu.wait_dma2 semaphore(%run_scoped3A : memref<!tpu.dma_semaphore, #tpu.memory_space<semaphore_mem>>) src(%arg2 : memref<20000xf32, #tpu.memory_space<hbm>>) dst(%arg8 : memref<20000xf32, #tpu.memory_space<vmem>>)
        tpu.yield
      }) : () -> ()
      %lt3A_5 = arith.constant 19 : i32
      %lt3A_6 = arith.cmpi slt, %add3A, %lt3A_5 : i32
      %convert_element_type3A_7 = arith.extui %lt3A_6 : i1 to i32
      %cond3A_8 = arith.constant 0 : i32
      %cond3A_9 = arith.cmpi ne, %convert_element_type3A_7, %cond3A_8 : i32
      scf.if %cond3A_9 {
        "tpu.region"() ({
          %run_scoped3A = tpu.sem_alloc : memref<!tpu.dma_semaphore, #tpu.memory_space<semaphore_mem>>
          %dma_start3A = tpu.memref_slice %arg3[%mul3A_4] : memref<5000xi32, #tpu.memory_space<hbm>> -> memref<256xi32, #tpu.memory_space<hbm>>
          %dma_start3A_1163 = tpu.memref_slice %arg3[%mul3A_4] : memref<5000xi32, #tpu.memory_space<hbm>> -> memref<256xi32, #tpu.memory_space<hbm>>
          tpu.enqueue_dma source(%dma_start3A_1163 : memref<256xi32, #tpu.memory_space<hbm>>) target(%arg9 : memref<256xi32, #tpu.memory_space<vmem>>) target_semaphore(%run_scoped3A : memref<!tpu.dma_semaphore, #tpu.memory_space<semaphore_mem>>)
          %dma_wait3A = tpu.memref_slice %arg3[%mul3A_4] : memref<5000xi32, #tpu.memory_space<hbm>> -> memref<256xi32, #tpu.memory_space<hbm>>
          %dma_wait3A_1164 = tpu.memref_slice %arg3[%mul3A_4] : memref<5000xi32, #tpu.memory_space<hbm>> -> memref<256xi32, #tpu.memory_space<hbm>>
          tpu.wait_dma2 semaphore(%run_scoped3A : memref<!tpu.dma_semaphore, #tpu.memory_space<semaphore_mem>>) src(%dma_wait3A_1164 : memref<256xi32, #tpu.memory_space<hbm>>) dst(%arg9 : memref<256xi32, #tpu.memory_space<vmem>>)
          tpu.yield
        }) : () -> ()
        "tpu.region"() ({
          %run_scoped3A = tpu.sem_alloc : memref<!tpu.dma_semaphore, #tpu.memory_space<semaphore_mem>>
          %dma_start3A = tpu.memref_slice %arg4[%mul3A_4] : memref<5000xf32, #tpu.memory_space<hbm>> -> memref<256xf32, #tpu.memory_space<hbm>>
          %dma_start3A_1163 = tpu.memref_slice %arg4[%mul3A_4] : memref<5000xf32, #tpu.memory_space<hbm>> -> memref<256xf32, #tpu.memory_space<hbm>>
          tpu.enqueue_dma source(%dma_start3A_1163 : memref<256xf32, #tpu.memory_space<hbm>>) target(%arg12 : memref<256xf32, #tpu.memory_space<vmem>>) target_semaphore(%run_scoped3A : memref<!tpu.dma_semaphore, #tpu.memory_space<semaphore_mem>>)
          %dma_wait3A = tpu.memref_slice %arg4[%mul3A_4] : memref<5000xf32, #tpu.memory_space<hbm>> -> memref<256xf32, #tpu.memory_space<hbm>>
          %dma_wait3A_1164 = tpu.memref_slice %arg4[%mul3A_4] : memref<5000xf32, #tpu.memory_space<hbm>> -> memref<256xf32, #tpu.memory_space<hbm>>
          tpu.wait_dma2 semaphore(%run_scoped3A : memref<!tpu.dma_semaphore, #tpu.memory_space<semaphore_mem>>) src(%dma_wait3A_1164 : memref<256xf32, #tpu.memory_space<hbm>>) dst(%arg12 : memref<256xf32, #tpu.memory_space<vmem>>)
          tpu.yield
        }) : () -> ()
      } else {
      }
      %eq3A = arith.constant 19 : i32
      %eq3A_10 = arith.cmpi eq, %add3A, %eq3A : i32
      %convert_element_type3A_11 = arith.extui %eq3A_10 : i1 to i32
      %cond3A_12 = arith.constant 0 : i32
      %cond3A_13 = arith.cmpi ne, %convert_element_type3A_11, %cond3A_12 : i32
      scf.if %cond3A_13 {
        %broadcast_in_dim3A = arith.constant 0 : i32
        %broadcast_in_dim3A_1163 = vector.broadcast %broadcast_in_dim3A : i32 to vector<16xi32>
        %swap3A_1164 = arith.constant 0 : index
        %swap3A_1165 = tpu.vector_load %arg9[%swap3A_1164] {strides = array<i32>} : memref<256xi32, #tpu.memory_space<vmem>>, vector<16xi32>,
        tpu.vector_store %arg9[%swap3A_1164], %broadcast_in_dim3A_1163 {strides = array<i32>} : memref<256xi32, #tpu.memory_space<vmem>>, vector<16xi32>,
        %broadcast_in_dim3A_1166 = arith.constant 0.000000e+00 : f32
        %broadcast_in_dim3A_1167 = vector.broadcast %broadcast_in_dim3A_1166 : f32 to vector<16xf32>
        %swap3A_1168 = arith.constant 0 : index
        %swap3A_1169 = tpu.vector_load %arg12[%swap3A_1168] {strides = array<i32>} : memref<256xf32, #tpu.memory_space<vmem>>, vector<16xf32>,
        tpu.vector_store %arg12[%swap3A_1168], %broadcast_in_dim3A_1167 {strides = array<i32>} : memref<256xf32, #tpu.memory_space<vmem>>, vector<16xf32>,
        %broadcast_in_dim3A_1170 = arith.constant 0 : i32
        %broadcast_in_dim3A_1171 = vector.broadcast %broadcast_in_dim3A_1170 : i32 to vector<16xi32>
        %swap3A_1172 = arith.constant 16 : index
        %swap3A_1173 = tpu.vector_load %arg9[%swap3A_1172] {strides = array<i32>} : memref<256xi32, #tpu.memory_space<vmem>>, vector<16xi32>,
        tpu.vector_store %arg9[%swap3A_1172], %broadcast_in_dim3A_1171 {strides = array<i32>} : memref<256xi32, #tpu.memory_space<vmem>>, vector<16xi32>,
        %broadcast_in_dim3A_1174 = arith.constant 0.000000e+00 : f32
        %broadcast_in_dim3A_1175 = vector.broadcast %broadcast_in_dim3A_1174 : f32 to vector<16xf32>
        %swap3A_1176 = arith.constant 16 : index
        %swap3A_1177 = tpu.vector_load %arg12[%swap3A_1176] {strides = array<i32>} : memref<256xf32, #tpu.memory_space<vmem>>, vector<16xf32>,
        tpu.vector_store %arg12[%swap3A_1176], %broadcast_in_dim3A_1175 {strides = array<i32>} : memref<256xf32, #tpu.memory_space<vmem>>, vector<16xf32>,
        %broadcast_in_dim3A_1178 = arith.constant 0 : i32
        %broadcast_in_dim3A_1179 = vector.broadcast %broadcast_in_dim3A_1178 : i32 to vector<16xi32>
        %swap3A_1180 = arith.constant 32 : index
        %swap3A_1181 = tpu.vector_load %arg9[%swap3A_1180] {strides = array<i32>} : memref<256xi32, #tpu.memory_space<vmem>>, vector<16xi32>,
        tpu.vector_store %arg9[%swap3A_1180], %broadcast_in_dim3A_1179 {strides = array<i32>} : memref<256xi32, #tpu.memory_space<vmem>>, vector<16xi32>,
        %broadcast_in_dim3A_1182 = arith.constant 0.000000e+00 : f32
        %broadcast_in_dim3A_1183 = vector.broadcast %broadcast_in_dim3A_1182 : f32 to vector<16xf32>
        %swap3A_1184 = arith.constant 32 : index
        %swap3A_1185 = tpu.vector_load %arg12[%swap3A_1184] {strides = array<i32>} : memref<256xf32, #tpu.memory_space<vmem>>, vector<16xf32>,
        tpu.vector_store %arg12[%swap3A_1184], %broadcast_in_dim3A_1183 {strides = array<i32>} : memref<256xf32, #tpu.memory_space<vmem>>, vector<16xf32>,
        %broadcast_in_dim3A_1186 = arith.constant 0 : i32
        %broadcast_in_dim3A_1187 = vector.broadcast %broadcast_in_dim3A_1186 : i32 to vector<16xi32>
        %swap3A_1188 = arith.constant 48 : index
        %swap3A_1189 = tpu.vector_load %arg9[%swap3A_1188] {strides = array<i32>} : memref<256xi32, #tpu.memory_space<vmem>>, vector<16xi32>,
        tpu.vector_store %arg9[%swap3A_1188], %broadcast_in_dim3A_1187 {strides = array<i32>} : memref<256xi32, #tpu.memory_space<vmem>>, vector<16xi32>,
        %broadcast_in_dim3A_1190 = arith.constant 0.000000e+00 : f32
        %broadcast_in_dim3A_1191 = vector.broadcast %broadcast_in_dim3A_1190 : f32 to vector<16xf32>
        %swap3A_1192 = arith.constant 48 : index
        %swap3A_1193 = tpu.vector_load %arg12[%swap3A_1192] {strides = array<i32>} : memref<256xf32, #tpu.memory_space<vmem>>, vector<16xf32>,
        tpu.vector_store %arg12[%swap3A_1192], %broadcast_in_dim3A_1191 {strides = array<i32>} : memref<256xf32, #tpu.memory_space<vmem>>, vector<16xf32>,
        %broadcast_in_dim3A_1194 = arith.constant 0 : i32
        %broadcast_in_dim3A_1195 = vector.broadcast %broadcast_in_dim3A_1194 : i32 to vector<16xi32>
        %swap3A_1196 = arith.constant 64 : index
        %swap3A_1197 = tpu.vector_load %arg9[%swap3A_1196] {strides = array<i32>} : memref<256xi32, #tpu.memory_space<vmem>>, vector<16xi32>,
        tpu.vector_store %arg9[%swap3A_1196], %broadcast_in_dim3A_1195 {strides = array<i32>} : memref<256xi32, #tpu.memory_space<vmem>>, vector<16xi32>,
        %broadcast_in_dim3A_1198 = arith.constant 0.000000e+00 : f32
        %broadcast_in_dim3A_1199 = vector.broadcast %broadcast_in_dim3A_1198 : f32 to vector<16xf32>
        %swap3A_1200 = arith.constant 64 : index
        %swap3A_1201 = tpu.vector_load %arg12[%swap3A_1200] {strides = array<i32>} : memref<256xf32, #tpu.memory_space<vmem>>, vector<16xf32>,
        tpu.vector_store %arg12[%swap3A_1200], %broadcast_in_dim3A_1199 {strides = array<i32>} : memref<256xf32, #tpu.memory_space<vmem>>, vector<16xf32>,
        %broadcast_in_dim3A_1202 = arith.constant 0 : i32
        %broadcast_in_dim3A_1203 = vector.broadcast %broadcast_in_dim3A_1202 : i32 to vector<16xi32>
        %swap3A_1204 = arith.constant 80 : index
        %swap3A_1205 = tpu.vector_load %arg9[%swap3A_1204] {strides = array<i32>} : memref<256xi32, #tpu.memory_space<vmem>>, vector<16xi32>,
        tpu.vector_store %arg9[%swap3A_1204], %broadcast_in_dim3A_1203 {strides = array<i32>} : memref<256xi32, #tpu.memory_space<vmem>>, vector<16xi32>,
        %broadcast_in_dim3A_1206 = arith.constant 0.000000e+00 : f32
        %broadcast_in_dim3A_1207 = vector.broadcast %broadcast_in_dim3A_1206 : f32 to vector<16xf32>
        %swap3A_1208 = arith.constant 80 : index
        %swap3A_1209 = tpu.vector_load %arg12[%swap3A_1208] {strides = array<i32>} : memref<256xf32, #tpu.memory_space<vmem>>, vector<16xf32>,
        tpu.vector_store %arg12[%swap3A_1208], %broadcast_in_dim3A_1207 {strides = array<i32>} : memref<256xf32, #tpu.memory_space<vmem>>, vector<16xf32>,
        %broadcast_in_dim3A_1210 = arith.constant 0 : i32
        %broadcast_in_dim3A_1211 = vector.broadcast %broadcast_in_dim3A_1210 : i32 to vector<16xi32>
        %swap3A_1212 = arith.constant 96 : index
        %swap3A_1213 = tpu.vector_load %arg9[%swap3A_1212] {strides = array<i32>} : memref<256xi32, #tpu.memory_space<vmem>>, vector<16xi32>,
        tpu.vector_store %arg9[%swap3A_1212], %broadcast_in_dim3A_1211 {strides = array<i32>} : memref<256xi32, #tpu.memory_space<vmem>>, vector<16xi32>,
        %broadcast_in_dim3A_1214 = arith.constant 0.000000e+00 : f32
        %broadcast_in_dim3A_1215 = vector.broadcast %broadcast_in_dim3A_1214 : f32 to vector<16xf32>
        %swap3A_1216 = arith.constant 96 : index
        %swap3A_1217 = tpu.vector_load %arg12[%swap3A_1216] {strides = array<i32>} : memref<256xf32, #tpu.memory_space<vmem>>, vector<16xf32>,
        tpu.vector_store %arg12[%swap3A_1216], %broadcast_in_dim3A_1215 {strides = array<i32>} : memref<256xf32, #tpu.memory_space<vmem>>, vector<16xf32>,
        %broadcast_in_dim3A_1218 = arith.constant 0 : i32
        %broadcast_in_dim3A_1219 = vector.broadcast %broadcast_in_dim3A_1218 : i32 to vector<16xi32>
        %swap3A_1220 = arith.constant 112 : index
        %swap3A_1221 = tpu.vector_load %arg9[%swap3A_1220] {strides = array<i32>} : memref<256xi32, #tpu.memory_space<vmem>>, vector<16xi32>,
        tpu.vector_store %arg9[%swap3A_1220], %broadcast_in_dim3A_1219 {strides = array<i32>} : memref<256xi32, #tpu.memory_space<vmem>>, vector<16xi32>,
        %broadcast_in_dim3A_1222 = arith.constant 0.000000e+00 : f32
        %broadcast_in_dim3A_1223 = vector.broadcast %broadcast_in_dim3A_1222 : f32 to vector<16xf32>
        %swap3A_1224 = arith.constant 112 : index
        %swap3A_1225 = tpu.vector_load %arg12[%swap3A_1224] {strides = array<i32>} : memref<256xf32, #tpu.memory_space<vmem>>, vector<16xf32>,
        tpu.vector_store %arg12[%swap3A_1224], %broadcast_in_dim3A_1223 {strides = array<i32>} : memref<256xf32, #tpu.memory_space<vmem>>, vector<16xf32>,
        %broadcast_in_dim3A_1226 = arith.constant 0 : i32
        %broadcast_in_dim3A_1227 = vector.broadcast %broadcast_in_dim3A_1226 : i32 to vector<16xi32>
        %swap3A_1228 = arith.constant 128 : index
        %swap3A_1229 = tpu.vector_load %arg9[%swap3A_1228] {strides = array<i32>} : memref<256xi32, #tpu.memory_space<vmem>>, vector<16xi32>,
        tpu.vector_store %arg9[%swap3A_1228], %broadcast_in_dim3A_1227 {strides = array<i32>} : memref<256xi32, #tpu.memory_space<vmem>>, vector<16xi32>,
        %broadcast_in_dim3A_1230 = arith.constant 0.000000e+00 : f32
        %broadcast_in_dim3A_1231 = vector.broadcast %broadcast_in_dim3A_1230 : f32 to vector<16xf32>
        %swap3A_1232 = arith.constant 128 : index
        %swap3A_1233 = tpu.vector_load %arg12[%swap3A_1232] {strides = array<i32>} : memref<256xf32, #tpu.memory_space<vmem>>, vector<16xf32>,
        tpu.vector_store %arg12[%swap3A_1232], %broadcast_in_dim3A_1231 {strides = array<i32>} : memref<256xf32, #tpu.memory_space<vmem>>, vector<16xf32>,
        %broadcast_in_dim3A_1234 = arith.constant 0 : i32
        %broadcast_in_dim3A_1235 = vector.broadcast %broadcast_in_dim3A_1234 : i32 to vector<16xi32>
        %swap3A_1236 = arith.constant 144 : index
        %swap3A_1237 = tpu.vector_load %arg9[%swap3A_1236] {strides = array<i32>} : memref<256xi32, #tpu.memory_space<vmem>>, vector<16xi32>,
        tpu.vector_store %arg9[%swap3A_1236], %broadcast_in_dim3A_1235 {strides = array<i32>} : memref<256xi32, #tpu.memory_space<vmem>>, vector<16xi32>,
        %broadcast_in_dim3A_1238 = arith.constant 0.000000e+00 : f32
        %broadcast_in_dim3A_1239 = vector.broadcast %broadcast_in_dim3A_1238 : f32 to vector<16xf32>
        %swap3A_1240 = arith.constant 144 : index
        %swap3A_1241 = tpu.vector_load %arg12[%swap3A_1240] {strides = array<i32>} : memref<256xf32, #tpu.memory_space<vmem>>, vector<16xf32>,
        tpu.vector_store %arg12[%swap3A_1240], %broadcast_in_dim3A_1239 {strides = array<i32>} : memref<256xf32, #tpu.memory_space<vmem>>, vector<16xf32>,
        %broadcast_in_dim3A_1242 = arith.constant 0 : i32
        %broadcast_in_dim3A_1243 = vector.broadcast %broadcast_in_dim3A_1242 : i32 to vector<16xi32>
        %swap3A_1244 = arith.constant 160 : index
        %swap3A_1245 = tpu.vector_load %arg9[%swap3A_1244] {strides = array<i32>} : memref<256xi32, #tpu.memory_space<vmem>>, vector<16xi32>,
        tpu.vector_store %arg9[%swap3A_1244], %broadcast_in_dim3A_1243 {strides = array<i32>} : memref<256xi32, #tpu.memory_space<vmem>>, vector<16xi32>,
        %broadcast_in_dim3A_1246 = arith.constant 0.000000e+00 : f32
        %broadcast_in_dim3A_1247 = vector.broadcast %broadcast_in_dim3A_1246 : f32 to vector<16xf32>
        %swap3A_1248 = arith.constant 160 : index
        %swap3A_1249 = tpu.vector_load %arg12[%swap3A_1248] {strides = array<i32>} : memref<256xf32, #tpu.memory_space<vmem>>, vector<16xf32>,
        tpu.vector_store %arg12[%swap3A_1248], %broadcast_in_dim3A_1247 {strides = array<i32>} : memref<256xf32, #tpu.memory_space<vmem>>, vector<16xf32>,
        %broadcast_in_dim3A_1250 = arith.constant 0 : i32
        %broadcast_in_dim3A_1251 = vector.broadcast %broadcast_in_dim3A_1250 : i32 to vector<16xi32>
        %swap3A_1252 = arith.constant 176 : index
        %swap3A_1253 = tpu.vector_load %arg9[%swap3A_1252] {strides = array<i32>} : memref<256xi32, #tpu.memory_space<vmem>>, vector<16xi32>,
        tpu.vector_store %arg9[%swap3A_1252], %broadcast_in_dim3A_1251 {strides = array<i32>} : memref<256xi32, #tpu.memory_space<vmem>>, vector<16xi32>,
        %broadcast_in_dim3A_1254 = arith.constant 0.000000e+00 : f32
        %broadcast_in_dim3A_1255 = vector.broadcast %broadcast_in_dim3A_1254 : f32 to vector<16xf32>
        %swap3A_1256 = arith.constant 176 : index
        %swap3A_1257 = tpu.vector_load %arg12[%swap3A_1256] {strides = array<i32>} : memref<256xf32, #tpu.memory_space<vmem>>, vector<16xf32>,
        tpu.vector_store %arg12[%swap3A_1256], %broadcast_in_dim3A_1255 {strides = array<i32>} : memref<256xf32, #tpu.memory_space<vmem>>, vector<16xf32>,
        %broadcast_in_dim3A_1258 = arith.constant 0 : i32
        %broadcast_in_dim3A_1259 = vector.broadcast %broadcast_in_dim3A_1258 : i32 to vector<16xi32>
        %swap3A_1260 = arith.constant 192 : index
        %swap3A_1261 = tpu.vector_load %arg9[%swap3A_1260] {strides = array<i32>} : memref<256xi32, #tpu.memory_space<vmem>>, vector<16xi32>,
        tpu.vector_store %arg9[%swap3A_1260], %broadcast_in_dim3A_1259 {strides = array<i32>} : memref<256xi32, #tpu.memory_space<vmem>>, vector<16xi32>,
        %broadcast_in_dim3A_1262 = arith.constant 0.000000e+00 : f32
        %broadcast_in_dim3A_1263 = vector.broadcast %broadcast_in_dim3A_1262 : f32 to vector<16xf32>
        %swap3A_1264 = arith.constant 192 : index
        %swap3A_1265 = tpu.vector_load %arg12[%swap3A_1264] {strides = array<i32>} : memref<256xf32, #tpu.memory_space<vmem>>, vector<16xf32>,
        tpu.vector_store %arg12[%swap3A_1264], %broadcast_in_dim3A_1263 {strides = array<i32>} : memref<256xf32, #tpu.memory_space<vmem>>, vector<16xf32>,
        %broadcast_in_dim3A_1266 = arith.constant 0 : i32
        %broadcast_in_dim3A_1267 = vector.broadcast %broadcast_in_dim3A_1266 : i32 to vector<16xi32>
        %swap3A_1268 = arith.constant 208 : index
        %swap3A_1269 = tpu.vector_load %arg9[%swap3A_1268] {strides = array<i32>} : memref<256xi32, #tpu.memory_space<vmem>>, vector<16xi32>,
        tpu.vector_store %arg9[%swap3A_1268], %broadcast_in_dim3A_1267 {strides = array<i32>} : memref<256xi32, #tpu.memory_space<vmem>>, vector<16xi32>,
        %broadcast_in_dim3A_1270 = arith.constant 0.000000e+00 : f32
        %broadcast_in_dim3A_1271 = vector.broadcast %broadcast_in_dim3A_1270 : f32 to vector<16xf32>
        %swap3A_1272 = arith.constant 208 : index
        %swap3A_1273 = tpu.vector_load %arg12[%swap3A_1272] {strides = array<i32>} : memref<256xf32, #tpu.memory_space<vmem>>, vector<16xf32>,
        tpu.vector_store %arg12[%swap3A_1272], %broadcast_in_dim3A_1271 {strides = array<i32>} : memref<256xf32, #tpu.memory_space<vmem>>, vector<16xf32>,
        %broadcast_in_dim3A_1274 = arith.constant 0 : i32
        %broadcast_in_dim3A_1275 = vector.broadcast %broadcast_in_dim3A_1274 : i32 to vector<16xi32>
        %swap3A_1276 = arith.constant 224 : index
        %swap3A_1277 = tpu.vector_load %arg9[%swap3A_1276] {strides = array<i32>} : memref<256xi32, #tpu.memory_space<vmem>>, vector<16xi32>,
        tpu.vector_store %arg9[%swap3A_1276], %broadcast_in_dim3A_1275 {strides = array<i32>} : memref<256xi32, #tpu.memory_space<vmem>>, vector<16xi32>,
        %broadcast_in_dim3A_1278 = arith.constant 0.000000e+00 : f32
        %broadcast_in_dim3A_1279 = vector.broadcast %broadcast_in_dim3A_1278 : f32 to vector<16xf32>
        %swap3A_1280 = arith.constant 224 : index
        %swap3A_1281 = tpu.vector_load %arg12[%swap3A_1280] {strides = array<i32>} : memref<256xf32, #tpu.memory_space<vmem>>, vector<16xf32>,
        tpu.vector_store %arg12[%swap3A_1280], %broadcast_in_dim3A_1279 {strides = array<i32>} : memref<256xf32, #tpu.memory_space<vmem>>, vector<16xf32>,
        %broadcast_in_dim3A_1282 = arith.constant 0 : i32
        %broadcast_in_dim3A_1283 = vector.broadcast %broadcast_in_dim3A_1282 : i32 to vector<16xi32>
        %swap3A_1284 = arith.constant 240 : index
        %swap3A_1285 = tpu.vector_load %arg9[%swap3A_1284] {strides = array<i32>} : memref<256xi32, #tpu.memory_space<vmem>>, vector<16xi32>,
        tpu.vector_store %arg9[%swap3A_1284], %broadcast_in_dim3A_1283 {strides = array<i32>} : memref<256xi32, #tpu.memory_space<vmem>>, vector<16xi32>,
        %broadcast_in_dim3A_1286 = arith.constant 0.000000e+00 : f32
        %broadcast_in_dim3A_1287 = vector.broadcast %broadcast_in_dim3A_1286 : f32 to vector<16xf32>
        %swap3A_1288 = arith.constant 240 : index
        %swap3A_1289 = tpu.vector_load %arg12[%swap3A_1288] {strides = array<i32>} : memref<256xf32, #tpu.memory_space<vmem>>, vector<16xf32>,
        tpu.vector_store %arg12[%swap3A_1288], %broadcast_in_dim3A_1287 {strides = array<i32>} : memref<256xf32, #tpu.memory_space<vmem>>, vector<16xf32>,
        "tpu.region"() ({
          %run_scoped3A = tpu.sem_alloc : memref<!tpu.dma_semaphore, #tpu.memory_space<semaphore_mem>>
          %dma_start3A = arith.constant 0 : i32
          %dma_start3A_1290 = tpu.memref_slice %arg9[%dma_start3A] : memref<256xi32, #tpu.memory_space<vmem>> -> memref<136xi32, #tpu.memory_space<vmem>>
          %dma_start3A_1291 = arith.constant 4864 : i32
          %dma_start3A_1292 = tpu.memref_slice %arg3[%dma_start3A_1291] : memref<5000xi32, #tpu.memory_space<hbm>> -> memref<136xi32, #tpu.memory_space<hbm>>
          %dma_start3A_1293 = arith.constant 0 : i32
          %dma_start3A_1294 = tpu.memref_slice %arg9[%dma_start3A_1293] : memref<256xi32, #tpu.memory_space<vmem>> -> memref<136xi32, #tpu.memory_space<vmem>>
          %dma_start3A_1295 = arith.constant 4864 : i32
          %dma_start3A_1296 = tpu.memref_slice %arg3[%dma_start3A_1295] : memref<5000xi32, #tpu.memory_space<hbm>> -> memref<136xi32, #tpu.memory_space<hbm>>
          tpu.enqueue_dma source(%dma_start3A_1296 : memref<136xi32, #tpu.memory_space<hbm>>) target(%dma_start3A_1294 : memref<136xi32, #tpu.memory_space<vmem>>) target_semaphore(%run_scoped3A : memref<!tpu.dma_semaphore, #tpu.memory_space<semaphore_mem>>)
          %dma_wait3A = arith.constant 0 : i32
          %dma_wait3A_1297 = tpu.memref_slice %arg9[%dma_wait3A] : memref<256xi32, #tpu.memory_space<vmem>> -> memref<136xi32, #tpu.memory_space<vmem>>
          %dma_wait3A_1298 = arith.constant 4864 : i32
          %dma_wait3A_1299 = tpu.memref_slice %arg3[%dma_wait3A_1298] : memref<5000xi32, #tpu.memory_space<hbm>> -> memref<136xi32, #tpu.memory_space<hbm>>
          %dma_wait3A_1300 = arith.constant 0 : i32
          %dma_wait3A_1301 = tpu.memref_slice %arg9[%dma_wait3A_1300] : memref<256xi32, #tpu.memory_space<vmem>> -> memref<136xi32, #tpu.memory_space<vmem>>
          %dma_wait3A_1302 = arith.constant 4864 : i32
          %dma_wait3A_1303 = tpu.memref_slice %arg3[%dma_wait3A_1302] : memref<5000xi32, #tpu.memory_space<hbm>> -> memref<136xi32, #tpu.memory_space<hbm>>
          tpu.wait_dma2 semaphore(%run_scoped3A : memref<!tpu.dma_semaphore, #tpu.memory_space<semaphore_mem>>) src(%dma_wait3A_1303 : memref<136xi32, #tpu.memory_space<hbm>>) dst(%dma_wait3A_1301 : memref<136xi32, #tpu.memory_space<vmem>>)
          tpu.yield
        }) : () -> ()
        "tpu.region"() ({
          %run_scoped3A = tpu.sem_alloc : memref<!tpu.dma_semaphore, #tpu.memory_space<semaphore_mem>>
          %dma_start3A = arith.constant 0 : i32
          %dma_start3A_1290 = tpu.memref_slice %arg12[%dma_start3A] : memref<256xf32, #tpu.memory_space<vmem>> -> memref<136xf32, #tpu.memory_space<vmem>>
          %dma_start3A_1291 = arith.constant 4864 : i32
          %dma_start3A_1292 = tpu.memref_slice %arg4[%dma_start3A_1291] : memref<5000xf32, #tpu.memory_space<hbm>> -> memref<136xf32, #tpu.memory_space<hbm>>
          %dma_start3A_1293 = arith.constant 0 : i32
          %dma_start3A_1294 = tpu.memref_slice %arg12[%dma_start3A_1293] : memref<256xf32, #tpu.memory_space<vmem>> -> memref<136xf32, #tpu.memory_space<vmem>>
          %dma_start3A_1295 = arith.constant 4864 : i32
          %dma_start3A_1296 = tpu.memref_slice %arg4[%dma_start3A_1295] : memref<5000xf32, #tpu.memory_space<hbm>> -> memref<136xf32, #tpu.memory_space<hbm>>
          tpu.enqueue_dma source(%dma_start3A_1296 : memref<136xf32, #tpu.memory_space<hbm>>) target(%dma_start3A_1294 : memref<136xf32, #tpu.memory_space<vmem>>) target_semaphore(%run_scoped3A : memref<!tpu.dma_semaphore, #tpu.memory_space<semaphore_mem>>)
          %dma_wait3A = arith.constant 0 : i32
          %dma_wait3A_1297 = tpu.memref_slice %arg12[%dma_wait3A] : memref<256xf32, #tpu.memory_space<vmem>> -> memref<136xf32, #tpu.memory_space<vmem>>
          %dma_wait3A_1298 = arith.constant 4864 : i32
          %dma_wait3A_1299 = tpu.memref_slice %arg4[%dma_wait3A_1298] : memref<5000xf32, #tpu.memory_space<hbm>> -> memref<136xf32, #tpu.memory_space<hbm>>
          %dma_wait3A_1300 = arith.constant 0 : i32
          %dma_wait3A_1301 = tpu.memref_slice %arg12[%dma_wait3A_1300] : memref<256xf32, #tpu.memory_space<vmem>> -> memref<136xf32, #tpu.memory_space<vmem>>
          %dma_wait3A_1302 = arith.constant 4864 : i32
          %dma_wait3A_1303 = tpu.memref_slice %arg4[%dma_wait3A_1302] : memref<5000xf32, #tpu.memory_space<hbm>> -> memref<136xf32, #tpu.memory_space<hbm>>
          tpu.wait_dma2 semaphore(%run_scoped3A : memref<!tpu.dma_semaphore, #tpu.memory_space<semaphore_mem>>) src(%dma_wait3A_1303 : memref<136xf32, #tpu.memory_space<hbm>>) dst(%dma_wait3A_1301 : memref<136xf32, #tpu.memory_space<vmem>>)
          tpu.yield
        }) : () -> ()
      } else {
      }
      %get3A = arith.constant 0 : index
      %get3A_14 = tpu.vector_load %arg9[%get3A] {strides = array<i32>} : memref<256xi32, #tpu.memory_space<vmem>>, vector<16xi32>,
      %iota3A = tpu.iota {dimensions = array<i32: 0>} : vector<16xi32>
      %add3A_15 = arith.constant 0 : i32
      %add3A_16 = vector.broadcast %add3A_15 : i32 to vector<16xi32>
      %add3A_17 = arith.addi %iota3A, %add3A_16 : vector<16xi32>
      %mul3A_18 = arith.constant 4 : i32
      %mul3A_19 = vector.broadcast %mul3A_18 : i32 to vector<16xi32>
      %mul3A_20 = arith.muli %add3A_17, %mul3A_19 : vector<16xi32>
      %get3A_21 = arith.constant 0 : index
      %get3A_22 = tpu.vector_load %arg12[%get3A_21] {strides = array<i32>} : memref<256xf32, #tpu.memory_space<vmem>>, vector<16xf32>,
      %neg3A = arith.constant 0.000000e+00 : f32
      %neg3A_23 = vector.broadcast %neg3A : f32 to vector<16xf32>
      %neg3A_24 = arith.subf %neg3A_23, %get3A_22 : vector<16xf32>
      %swap3A = arith.constant 0 : index
      %swap3A_25 = tpu.vector_load %arg12[%swap3A] {strides = array<i32>} : memref<256xf32, #tpu.memory_space<vmem>>, vector<16xf32>,
      tpu.vector_store %arg12[%swap3A], %neg3A_24 {strides = array<i32>} : memref<256xf32, #tpu.memory_space<vmem>>, vector<16xf32>,
      %mul3A_26 = arith.constant 4 : i32
      %mul3A_27 = vector.broadcast %mul3A_26 : i32 to vector<16xi32>
      %mul3A_28 = arith.muli %get3A_14, %mul3A_27 : vector<16xi32>
      %add3A_29 = arith.constant 0 : i32
      %add3A_30 = vector.broadcast %add3A_29 : i32 to vector<16xi32>
      %add3A_31 = arith.addi %mul3A_28, %add3A_30 : vector<16xi32>
      %gather3A = tpu.vector_load_idx %arg8[%add3A_31] : memref<20000xf32, #tpu.memory_space<vmem>>[vector<16xi32>], vector<16xf32>,
      %swap3A_32 = arith.constant 0 : i32
      %swap3A_33 = arith.index_cast %swap3A_32 : i32 to index
      %swap3A_34 = arith.constant 0 : index
      %swap3A_35 = tpu.vector_load %arg11[%swap3A_33, %swap3A_34] {strides = array<i32>} : memref<4x256xf32, #tpu.memory_space<vmem>>, vector<16xf32>,
      tpu.vector_store %arg11[%swap3A_33, %swap3A_34], %gather3A {strides = array<i32>} : memref<4x256xf32, #tpu.memory_space<vmem>>, vector<16xf32>,
      %add3A_36 = arith.constant 0 : i32
      %add3A_37 = vector.broadcast %add3A_36 : i32 to vector<16xi32>
      %add3A_38 = arith.addi %mul3A_20, %add3A_37 : vector<16xi32>
      tpu.vector_store_idx %arg10[%add3A_38], %gather3A : memref<1024xf32, #tpu.memory_space<vmem>>[vector<16xi32>], vector<16xf32>,
      %mul3A_39 = arith.constant 4 : i32
      %mul3A_40 = vector.broadcast %mul3A_39 : i32 to vector<16xi32>
      %mul3A_41 = arith.muli %get3A_14, %mul3A_40 : vector<16xi32>
      %add3A_42 = arith.constant 1 : i32
      %add3A_43 = vector.broadcast %add3A_42 : i32 to vector<16xi32>
      %add3A_44 = arith.addi %mul3A_41, %add3A_43 : vector<16xi32>
      %gather3A_45 = tpu.vector_load_idx %arg8[%add3A_44] : memref<20000xf32, #tpu.memory_space<vmem>>[vector<16xi32>], vector<16xf32>,
      %swap3A_46 = arith.constant 1 : i32
      %swap3A_47 = arith.index_cast %swap3A_46 : i32 to index
      %swap3A_48 = arith.constant 0 : index
      %swap3A_49 = tpu.vector_load %arg11[%swap3A_47, %swap3A_48] {strides = array<i32>} : memref<4x256xf32, #tpu.memory_space<vmem>>, vector<16xf32>,
      tpu.vector_store %arg11[%swap3A_47, %swap3A_48], %gather3A_45 {strides = array<i32>} : memref<4x256xf32, #tpu.memory_space<vmem>>, vector<16xf32>,
      %add3A_50 = arith.constant 1 : i32
      %add3A_51 = vector.broadcast %add3A_50 : i32 to vector<16xi32>
      %add3A_52 = arith.addi %mul3A_20, %add3A_51 : vector<16xi32>
      tpu.vector_store_idx %arg10[%add3A_52], %gather3A_45 : memref<1024xf32, #tpu.memory_space<vmem>>[vector<16xi32>], vector<16xf32>,
      %mul3A_53 = arith.constant 4 : i32
      %mul3A_54 = vector.broadcast %mul3A_53 : i32 to vector<16xi32>
      %mul3A_55 = arith.muli %get3A_14, %mul3A_54 : vector<16xi32>
      %add3A_56 = arith.constant 2 : i32
      %add3A_57 = vector.broadcast %add3A_56 : i32 to vector<16xi32>
      %add3A_58 = arith.addi %mul3A_55, %add3A_57 : vector<16xi32>
      %gather3A_59 = tpu.vector_load_idx %arg8[%add3A_58] : memref<20000xf32, #tpu.memory_space<vmem>>[vector<16xi32>], vector<16xf32>,
      %swap3A_60 = arith.constant 2 : i32
      %swap3A_61 = arith.index_cast %swap3A_60 : i32 to index
      %swap3A_62 = arith.constant 0 : index
      %swap3A_63 = tpu.vector_load %arg11[%swap3A_61, %swap3A_62] {strides = array<i32>} : memref<4x256xf32, #tpu.memory_space<vmem>>, vector<16xf32>,
      tpu.vector_store %arg11[%swap3A_61, %swap3A_62], %gather3A_59 {strides = array<i32>} : memref<4x256xf32, #tpu.memory_space<vmem>>, vector<16xf32>,
      %add3A_64 = arith.constant 2 : i32
      %add3A_65 = vector.broadcast %add3A_64 : i32 to vector<16xi32>
      %add3A_66 = arith.addi %mul3A_20, %add3A_65 : vector<16xi32>
      tpu.vector_store_idx %arg10[%add3A_66], %gather3A_59 : memref<1024xf32, #tpu.memory_space<vmem>>[vector<16xi32>], vector<16xf32>,
      %mul3A_67 = arith.constant 4 : i32
      %mul3A_68 = vector.broadcast %mul3A_67 : i32 to vector<16xi32>
      %mul3A_69 = arith.muli %get3A_14, %mul3A_68 : vector<16xi32>
      %add3A_70 = arith.constant 3 : i32
      %add3A_71 = vector.broadcast %add3A_70 : i32 to vector<16xi32>
      %add3A_72 = arith.addi %mul3A_69, %add3A_71 : vector<16xi32>
      %gather3A_73 = tpu.vector_load_idx %arg8[%add3A_72] : memref<20000xf32, #tpu.memory_space<vmem>>[vector<16xi32>], vector<16xf32>,
      %swap3A_74 = arith.constant 3 : i32
      %swap3A_75 = arith.index_cast %swap3A_74 : i32 to index
      %swap3A_76 = arith.constant 0 : index
      %swap3A_77 = tpu.vector_load %arg11[%swap3A_75, %swap3A_76] {strides = array<i32>} : memref<4x256xf32, #tpu.memory_space<vmem>>, vector<16xf32>,
      tpu.vector_store %arg11[%swap3A_75, %swap3A_76], %gather3A_73 {strides = array<i32>} : memref<4x256xf32, #tpu.memory_space<vmem>>, vector<16xf32>,
      %add3A_78 = arith.constant 3 : i32
      %add3A_79 = vector.broadcast %add3A_78 : i32 to vector<16xi32>
      %add3A_80 = arith.addi %mul3A_20, %add3A_79 : vector<16xi32>
      tpu.vector_store_idx %arg10[%add3A_80], %gather3A_73 : memref<1024xf32, #tpu.memory_space<vmem>>[vector<16xi32>], vector<16xf32>,
      %get3A_81 = arith.constant 16 : index
      %get3A_82 = tpu.vector_load %arg9[%get3A_81] {strides = array<i32>} : memref<256xi32, #tpu.memory_space<vmem>>, vector<16xi32>,
      %iota3A_83 = tpu.iota {dimensions = array<i32: 0>} : vector<16xi32>
      %add3A_84 = arith.constant 16 : i32
      %add3A_85 = vector.broadcast %add3A_84 : i32 to vector<16xi32>
      %add3A_86 = arith.addi %iota3A_83, %add3A_85 : vector<16xi32>
      %mul3A_87 = arith.constant 4 : i32
      %mul3A_88 = vector.broadcast %mul3A_87 : i32 to vector<16xi32>
      %mul3A_89 = arith.muli %add3A_86, %mul3A_88 : vector<16xi32>
      %get3A_90 = arith.constant 16 : index
      %get3A_91 = tpu.vector_load %arg12[%get3A_90] {strides = array<i32>} : memref<256xf32, #tpu.memory_space<vmem>>, vector<16xf32>,
      %neg3A_92 = arith.constant 0.000000e+00 : f32
      %neg3A_93 = vector.broadcast %neg3A_92 : f32 to vector<16xf32>
      %neg3A_94 = arith.subf %neg3A_93, %get3A_91 : vector<16xf32>
      %swap3A_95 = arith.constant 16 : index
      %swap3A_96 = tpu.vector_load %arg12[%swap3A_95] {strides = array<i32>} : memref<256xf32, #tpu.memory_space<vmem>>, vector<16xf32>,
      tpu.vector_store %arg12[%swap3A_95], %neg3A_94 {strides = array<i32>} : memref<256xf32, #tpu.memory_space<vmem>>, vector<16xf32>,
      %mul3A_97 = arith.constant 4 : i32
      %mul3A_98 = vector.broadcast %mul3A_97 : i32 to vector<16xi32>
      %mul3A_99 = arith.muli %get3A_82, %mul3A_98 : vector<16xi32>
      %add3A_100 = arith.constant 0 : i32
      %add3A_101 = vector.broadcast %add3A_100 : i32 to vector<16xi32>
      %add3A_102 = arith.addi %mul3A_99, %add3A_101 : vector<16xi32>
      %gather3A_103 = tpu.vector_load_idx %arg8[%add3A_102] : memref<20000xf32, #tpu.memory_space<vmem>>[vector<16xi32>], vector<16xf32>,
      %swap3A_104 = arith.constant 0 : i32
      %swap3A_105 = arith.index_cast %swap3A_104 : i32 to index
      %swap3A_106 = arith.constant 16 : index
      %swap3A_107 = tpu.vector_load %arg11[%swap3A_105, %swap3A_106] {strides = array<i32>} : memref<4x256xf32, #tpu.memory_space<vmem>>, vector<16xf32>,
      tpu.vector_store %arg11[%swap3A_105, %swap3A_106], %gather3A_103 {strides = array<i32>} : memref<4x256xf32, #tpu.memory_space<vmem>>, vector<16xf32>,
      %add3A_108 = arith.constant 0 : i32
      %add3A_109 = vector.broadcast %add3A_108 : i32 to vector<16xi32>
      %add3A_110 = arith.addi %mul3A_89, %add3A_109 : vector<16xi32>
      tpu.vector_store_idx %arg10[%add3A_110], %gather3A_103 : memref<1024xf32, #tpu.memory_space<vmem>>[vector<16xi32>], vector<16xf32>,
      %mul3A_111 = arith.constant 4 : i32
      %mul3A_112 = vector.broadcast %mul3A_111 : i32 to vector<16xi32>
      %mul3A_113 = arith.muli %get3A_82, %mul3A_112 : vector<16xi32>
      %add3A_114 = arith.constant 1 : i32
      %add3A_115 = vector.broadcast %add3A_114 : i32 to vector<16xi32>
      %add3A_116 = arith.addi %mul3A_113, %add3A_115 : vector<16xi32>
      %gather3A_117 = tpu.vector_load_idx %arg8[%add3A_116] : memref<20000xf32, #tpu.memory_space<vmem>>[vector<16xi32>], vector<16xf32>,
      %swap3A_118 = arith.constant 1 : i32
      %swap3A_119 = arith.index_cast %swap3A_118 : i32 to index
      %swap3A_120 = arith.constant 16 : index
      %swap3A_121 = tpu.vector_load %arg11[%swap3A_119, %swap3A_120] {strides = array<i32>} : memref<4x256xf32, #tpu.memory_space<vmem>>, vector<16xf32>,
      tpu.vector_store %arg11[%swap3A_119, %swap3A_120], %gather3A_117 {strides = array<i32>} : memref<4x256xf32, #tpu.memory_space<vmem>>, vector<16xf32>,
      %add3A_122 = arith.constant 1 : i32
      %add3A_123 = vector.broadcast %add3A_122 : i32 to vector<16xi32>
      %add3A_124 = arith.addi %mul3A_89, %add3A_123 : vector<16xi32>
      tpu.vector_store_idx %arg10[%add3A_124], %gather3A_117 : memref<1024xf32, #tpu.memory_space<vmem>>[vector<16xi32>], vector<16xf32>,
      %mul3A_125 = arith.constant 4 : i32
      %mul3A_126 = vector.broadcast %mul3A_125 : i32 to vector<16xi32>
      %mul3A_127 = arith.muli %get3A_82, %mul3A_126 : vector<16xi32>
      %add3A_128 = arith.constant 2 : i32
      %add3A_129 = vector.broadcast %add3A_128 : i32 to vector<16xi32>
      %add3A_130 = arith.addi %mul3A_127, %add3A_129 : vector<16xi32>
      %gather3A_131 = tpu.vector_load_idx %arg8[%add3A_130] : memref<20000xf32, #tpu.memory_space<vmem>>[vector<16xi32>], vector<16xf32>,
      %swap3A_132 = arith.constant 2 : i32
      %swap3A_133 = arith.index_cast %swap3A_132 : i32 to index
      %swap3A_134 = arith.constant 16 : index
      %swap3A_135 = tpu.vector_load %arg11[%swap3A_133, %swap3A_134] {strides = array<i32>} : memref<4x256xf32, #tpu.memory_space<vmem>>, vector<16xf32>,
      tpu.vector_store %arg11[%swap3A_133, %swap3A_134], %gather3A_131 {strides = array<i32>} : memref<4x256xf32, #tpu.memory_space<vmem>>, vector<16xf32>,
      %add3A_136 = arith.constant 2 : i32
      %add3A_137 = vector.broadcast %add3A_136 : i32 to vector<16xi32>
      %add3A_138 = arith.addi %mul3A_89, %add3A_137 : vector<16xi32>
      tpu.vector_store_idx %arg10[%add3A_138], %gather3A_131 : memref<1024xf32, #tpu.memory_space<vmem>>[vector<16xi32>], vector<16xf32>,
      %mul3A_139 = arith.constant 4 : i32
      %mul3A_140 = vector.broadcast %mul3A_139 : i32 to vector<16xi32>
      %mul3A_141 = arith.muli %get3A_82, %mul3A_140 : vector<16xi32>
      %add3A_142 = arith.constant 3 : i32
      %add3A_143 = vector.broadcast %add3A_142 : i32 to vector<16xi32>
      %add3A_144 = arith.addi %mul3A_141, %add3A_143 : vector<16xi32>
      %gather3A_145 = tpu.vector_load_idx %arg8[%add3A_144] : memref<20000xf32, #tpu.memory_space<vmem>>[vector<16xi32>], vector<16xf32>,
      %swap3A_146 = arith.constant 3 : i32
      %swap3A_147 = arith.index_cast %swap3A_146 : i32 to index
      %swap3A_148 = arith.constant 16 : index
      %swap3A_149 = tpu.vector_load %arg11[%swap3A_147, %swap3A_148] {strides = array<i32>} : memref<4x256xf32, #tpu.memory_space<vmem>>, vector<16xf32>,
      tpu.vector_store %arg11[%swap3A_147, %swap3A_148], %gather3A_145 {strides = array<i32>} : memref<4x256xf32, #tpu.memory_space<vmem>>, vector<16xf32>,
      %add3A_150 = arith.constant 3 : i32
      %add3A_151 = vector.broadcast %add3A_150 : i32 to vector<16xi32>
      %add3A_152 = arith.addi %mul3A_89, %add3A_151 : vector<16xi32>
      tpu.vector_store_idx %arg10[%add3A_152], %gather3A_145 : memref<1024xf32, #tpu.memory_space<vmem>>[vector<16xi32>], vector<16xf32>,
      %get3A_153 = arith.constant 32 : index
      %get3A_154 = tpu.vector_load %arg9[%get3A_153] {strides = array<i32>} : memref<256xi32, #tpu.memory_space<vmem>>, vector<16xi32>,
      %iota3A_155 = tpu.iota {dimensions = array<i32: 0>} : vector<16xi32>
      %add3A_156 = arith.constant 32 : i32
      %add3A_157 = vector.broadcast %add3A_156 : i32 to vector<16xi32>
      %add3A_158 = arith.addi %iota3A_155, %add3A_157 : vector<16xi32>
      %mul3A_159 = arith.constant 4 : i32
      %mul3A_160 = vector.broadcast %mul3A_159 : i32 to vector<16xi32>
      %mul3A_161 = arith.muli %add3A_158, %mul3A_160 : vector<16xi32>
      %get3A_162 = arith.constant 32 : index
      %get3A_163 = tpu.vector_load %arg12[%get3A_162] {strides = array<i32>} : memref<256xf32, #tpu.memory_space<vmem>>, vector<16xf32>,
      %neg3A_164 = arith.constant 0.000000e+00 : f32
      %neg3A_165 = vector.broadcast %neg3A_164 : f32 to vector<16xf32>
      %neg3A_166 = arith.subf %neg3A_165, %get3A_163 : vector<16xf32>
      %swap3A_167 = arith.constant 32 : index
      %swap3A_168 = tpu.vector_load %arg12[%swap3A_167] {strides = array<i32>} : memref<256xf32, #tpu.memory_space<vmem>>, vector<16xf32>,
      tpu.vector_store %arg12[%swap3A_167], %neg3A_166 {strides = array<i32>} : memref<256xf32, #tpu.memory_space<vmem>>, vector<16xf32>,
      %mul3A_169 = arith.constant 4 : i32
      %mul3A_170 = vector.broadcast %mul3A_169 : i32 to vector<16xi32>
      %mul3A_171 = arith.muli %get3A_154, %mul3A_170 : vector<16xi32>
      %add3A_172 = arith.constant 0 : i32
      %add3A_173 = vector.broadcast %add3A_172 : i32 to vector<16xi32>
      %add3A_174 = arith.addi %mul3A_171, %add3A_173 : vector<16xi32>
      %gather3A_175 = tpu.vector_load_idx %arg8[%add3A_174] : memref<20000xf32, #tpu.memory_space<vmem>>[vector<16xi32>], vector<16xf32>,
      %swap3A_176 = arith.constant 0 : i32
      %swap3A_177 = arith.index_cast %swap3A_176 : i32 to index
      %swap3A_178 = arith.constant 32 : index
      %swap3A_179 = tpu.vector_load %arg11[%swap3A_177, %swap3A_178] {strides = array<i32>} : memref<4x256xf32, #tpu.memory_space<vmem>>, vector<16xf32>,
      tpu.vector_store %arg11[%swap3A_177, %swap3A_178], %gather3A_175 {strides = array<i32>} : memref<4x256xf32, #tpu.memory_space<vmem>>, vector<16xf32>,
      %add3A_180 = arith.constant 0 : i32
      %add3A_181 = vector.broadcast %add3A_180 : i32 to vector<16xi32>
      %add3A_182 = arith.addi %mul3A_161, %add3A_181 : vector<16xi32>
      tpu.vector_store_idx %arg10[%add3A_182], %gather3A_175 : memref<1024xf32, #tpu.memory_space<vmem>>[vector<16xi32>], vector<16xf32>,
      %mul3A_183 = arith.constant 4 : i32
      %mul3A_184 = vector.broadcast %mul3A_183 : i32 to vector<16xi32>
      %mul3A_185 = arith.muli %get3A_154, %mul3A_184 : vector<16xi32>
      %add3A_186 = arith.constant 1 : i32
      %add3A_187 = vector.broadcast %add3A_186 : i32 to vector<16xi32>
      %add3A_188 = arith.addi %mul3A_185, %add3A_187 : vector<16xi32>
      %gather3A_189 = tpu.vector_load_idx %arg8[%add3A_188] : memref<20000xf32, #tpu.memory_space<vmem>>[vector<16xi32>], vector<16xf32>,
      %swap3A_190 = arith.constant 1 : i32
      %swap3A_191 = arith.index_cast %swap3A_190 : i32 to index
      %swap3A_192 = arith.constant 32 : index
      %swap3A_193 = tpu.vector_load %arg11[%swap3A_191, %swap3A_192] {strides = array<i32>} : memref<4x256xf32, #tpu.memory_space<vmem>>, vector<16xf32>,
      tpu.vector_store %arg11[%swap3A_191, %swap3A_192], %gather3A_189 {strides = array<i32>} : memref<4x256xf32, #tpu.memory_space<vmem>>, vector<16xf32>,
      %add3A_194 = arith.constant 1 : i32
      %add3A_195 = vector.broadcast %add3A_194 : i32 to vector<16xi32>
      %add3A_196 = arith.addi %mul3A_161, %add3A_195 : vector<16xi32>
      tpu.vector_store_idx %arg10[%add3A_196], %gather3A_189 : memref<1024xf32, #tpu.memory_space<vmem>>[vector<16xi32>], vector<16xf32>,
      %mul3A_197 = arith.constant 4 : i32
      %mul3A_198 = vector.broadcast %mul3A_197 : i32 to vector<16xi32>
      %mul3A_199 = arith.muli %get3A_154, %mul3A_198 : vector<16xi32>
      %add3A_200 = arith.constant 2 : i32
      %add3A_201 = vector.broadcast %add3A_200 : i32 to vector<16xi32>
      %add3A_202 = arith.addi %mul3A_199, %add3A_201 : vector<16xi32>
      %gather3A_203 = tpu.vector_load_idx %arg8[%add3A_202] : memref<20000xf32, #tpu.memory_space<vmem>>[vector<16xi32>], vector<16xf32>,
      %swap3A_204 = arith.constant 2 : i32
      %swap3A_205 = arith.index_cast %swap3A_204 : i32 to index
      %swap3A_206 = arith.constant 32 : index
      %swap3A_207 = tpu.vector_load %arg11[%swap3A_205, %swap3A_206] {strides = array<i32>} : memref<4x256xf32, #tpu.memory_space<vmem>>, vector<16xf32>,
      tpu.vector_store %arg11[%swap3A_205, %swap3A_206], %gather3A_203 {strides = array<i32>} : memref<4x256xf32, #tpu.memory_space<vmem>>, vector<16xf32>,
      %add3A_208 = arith.constant 2 : i32
      %add3A_209 = vector.broadcast %add3A_208 : i32 to vector<16xi32>
      %add3A_210 = arith.addi %mul3A_161, %add3A_209 : vector<16xi32>
      tpu.vector_store_idx %arg10[%add3A_210], %gather3A_203 : memref<1024xf32, #tpu.memory_space<vmem>>[vector<16xi32>], vector<16xf32>,
      %mul3A_211 = arith.constant 4 : i32
      %mul3A_212 = vector.broadcast %mul3A_211 : i32 to vector<16xi32>
      %mul3A_213 = arith.muli %get3A_154, %mul3A_212 : vector<16xi32>
      %add3A_214 = arith.constant 3 : i32
      %add3A_215 = vector.broadcast %add3A_214 : i32 to vector<16xi32>
      %add3A_216 = arith.addi %mul3A_213, %add3A_215 : vector<16xi32>
      %gather3A_217 = tpu.vector_load_idx %arg8[%add3A_216] : memref<20000xf32, #tpu.memory_space<vmem>>[vector<16xi32>], vector<16xf32>,
      %swap3A_218 = arith.constant 3 : i32
      %swap3A_219 = arith.index_cast %swap3A_218 : i32 to index
      %swap3A_220 = arith.constant 32 : index
      %swap3A_221 = tpu.vector_load %arg11[%swap3A_219, %swap3A_220] {strides = array<i32>} : memref<4x256xf32, #tpu.memory_space<vmem>>, vector<16xf32>,
      tpu.vector_store %arg11[%swap3A_219, %swap3A_220], %gather3A_217 {strides = array<i32>} : memref<4x256xf32, #tpu.memory_space<vmem>>, vector<16xf32>,
      %add3A_222 = arith.constant 3 : i32
      %add3A_223 = vector.broadcast %add3A_222 : i32 to vector<16xi32>
      %add3A_224 = arith.addi %mul3A_161, %add3A_223 : vector<16xi32>
      tpu.vector_store_idx %arg10[%add3A_224], %gather3A_217 : memref<1024xf32, #tpu.memory_space<vmem>>[vector<16xi32>], vector<16xf32>,
      %get3A_225 = arith.constant 48 : index
      %get3A_226 = tpu.vector_load %arg9[%get3A_225] {strides = array<i32>} : memref<256xi32, #tpu.memory_space<vmem>>, vector<16xi32>,
      %iota3A_227 = tpu.iota {dimensions = array<i32: 0>} : vector<16xi32>
      %add3A_228 = arith.constant 48 : i32
      %add3A_229 = vector.broadcast %add3A_228 : i32 to vector<16xi32>
      %add3A_230 = arith.addi %iota3A_227, %add3A_229 : vector<16xi32>
      %mul3A_231 = arith.constant 4 : i32
      %mul3A_232 = vector.broadcast %mul3A_231 : i32 to vector<16xi32>
      %mul3A_233 = arith.muli %add3A_230, %mul3A_232 : vector<16xi32>
      %get3A_234 = arith.constant 48 : index
      %get3A_235 = tpu.vector_load %arg12[%get3A_234] {strides = array<i32>} : memref<256xf32, #tpu.memory_space<vmem>>, vector<16xf32>,
      %neg3A_236 = arith.constant 0.000000e+00 : f32
      %neg3A_237 = vector.broadcast %neg3A_236 : f32 to vector<16xf32>
      %neg3A_238 = arith.subf %neg3A_237, %get3A_235 : vector<16xf32>
      %swap3A_239 = arith.constant 48 : index
      %swap3A_240 = tpu.vector_load %arg12[%swap3A_239] {strides = array<i32>} : memref<256xf32, #tpu.memory_space<vmem>>, vector<16xf32>,
      tpu.vector_store %arg12[%swap3A_239], %neg3A_238 {strides = array<i32>} : memref<256xf32, #tpu.memory_space<vmem>>, vector<16xf32>,
      %mul3A_241 = arith.constant 4 : i32
      %mul3A_242 = vector.broadcast %mul3A_241 : i32 to vector<16xi32>
      %mul3A_243 = arith.muli %get3A_226, %mul3A_242 : vector<16xi32>
      %add3A_244 = arith.constant 0 : i32
      %add3A_245 = vector.broadcast %add3A_244 : i32 to vector<16xi32>
      %add3A_246 = arith.addi %mul3A_243, %add3A_245 : vector<16xi32>
      %gather3A_247 = tpu.vector_load_idx %arg8[%add3A_246] : memref<20000xf32, #tpu.memory_space<vmem>>[vector<16xi32>], vector<16xf32>,
      %swap3A_248 = arith.constant 0 : i32
      %swap3A_249 = arith.index_cast %swap3A_248 : i32 to index
      %swap3A_250 = arith.constant 48 : index
      %swap3A_251 = tpu.vector_load %arg11[%swap3A_249, %swap3A_250] {strides = array<i32>} : memref<4x256xf32, #tpu.memory_space<vmem>>, vector<16xf32>,
      tpu.vector_store %arg11[%swap3A_249, %swap3A_250], %gather3A_247 {strides = array<i32>} : memref<4x256xf32, #tpu.memory_space<vmem>>, vector<16xf32>,
      %add3A_252 = arith.constant 0 : i32
      %add3A_253 = vector.broadcast %add3A_252 : i32 to vector<16xi32>
      %add3A_254 = arith.addi %mul3A_233, %add3A_253 : vector<16xi32>
      tpu.vector_store_idx %arg10[%add3A_254], %gather3A_247 : memref<1024xf32, #tpu.memory_space<vmem>>[vector<16xi32>], vector<16xf32>,
      %mul3A_255 = arith.constant 4 : i32
      %mul3A_256 = vector.broadcast %mul3A_255 : i32 to vector<16xi32>
      %mul3A_257 = arith.muli %get3A_226, %mul3A_256 : vector<16xi32>
      %add3A_258 = arith.constant 1 : i32
      %add3A_259 = vector.broadcast %add3A_258 : i32 to vector<16xi32>
      %add3A_260 = arith.addi %mul3A_257, %add3A_259 : vector<16xi32>
      %gather3A_261 = tpu.vector_load_idx %arg8[%add3A_260] : memref<20000xf32, #tpu.memory_space<vmem>>[vector<16xi32>], vector<16xf32>,
      %swap3A_262 = arith.constant 1 : i32
      %swap3A_263 = arith.index_cast %swap3A_262 : i32 to index
      %swap3A_264 = arith.constant 48 : index
      %swap3A_265 = tpu.vector_load %arg11[%swap3A_263, %swap3A_264] {strides = array<i32>} : memref<4x256xf32, #tpu.memory_space<vmem>>, vector<16xf32>,
      tpu.vector_store %arg11[%swap3A_263, %swap3A_264], %gather3A_261 {strides = array<i32>} : memref<4x256xf32, #tpu.memory_space<vmem>>, vector<16xf32>,
      %add3A_266 = arith.constant 1 : i32
      %add3A_267 = vector.broadcast %add3A_266 : i32 to vector<16xi32>
      %add3A_268 = arith.addi %mul3A_233, %add3A_267 : vector<16xi32>
      tpu.vector_store_idx %arg10[%add3A_268], %gather3A_261 : memref<1024xf32, #tpu.memory_space<vmem>>[vector<16xi32>], vector<16xf32>,
      %mul3A_269 = arith.constant 4 : i32
      %mul3A_270 = vector.broadcast %mul3A_269 : i32 to vector<16xi32>
      %mul3A_271 = arith.muli %get3A_226, %mul3A_270 : vector<16xi32>
      %add3A_272 = arith.constant 2 : i32
      %add3A_273 = vector.broadcast %add3A_272 : i32 to vector<16xi32>
      %add3A_274 = arith.addi %mul3A_271, %add3A_273 : vector<16xi32>
      %gather3A_275 = tpu.vector_load_idx %arg8[%add3A_274] : memref<20000xf32, #tpu.memory_space<vmem>>[vector<16xi32>], vector<16xf32>,
      %swap3A_276 = arith.constant 2 : i32
      %swap3A_277 = arith.index_cast %swap3A_276 : i32 to index
      %swap3A_278 = arith.constant 48 : index
      %swap3A_279 = tpu.vector_load %arg11[%swap3A_277, %swap3A_278] {strides = array<i32>} : memref<4x256xf32, #tpu.memory_space<vmem>>, vector<16xf32>,
      tpu.vector_store %arg11[%swap3A_277, %swap3A_278], %gather3A_275 {strides = array<i32>} : memref<4x256xf32, #tpu.memory_space<vmem>>, vector<16xf32>,
      %add3A_280 = arith.constant 2 : i32
      %add3A_281 = vector.broadcast %add3A_280 : i32 to vector<16xi32>
      %add3A_282 = arith.addi %mul3A_233, %add3A_281 : vector<16xi32>
      tpu.vector_store_idx %arg10[%add3A_282], %gather3A_275 : memref<1024xf32, #tpu.memory_space<vmem>>[vector<16xi32>], vector<16xf32>,
      %mul3A_283 = arith.constant 4 : i32
      %mul3A_284 = vector.broadcast %mul3A_283 : i32 to vector<16xi32>
      %mul3A_285 = arith.muli %get3A_226, %mul3A_284 : vector<16xi32>
      %add3A_286 = arith.constant 3 : i32
      %add3A_287 = vector.broadcast %add3A_286 : i32 to vector<16xi32>
      %add3A_288 = arith.addi %mul3A_285, %add3A_287 : vector<16xi32>
      %gather3A_289 = tpu.vector_load_idx %arg8[%add3A_288] : memref<20000xf32, #tpu.memory_space<vmem>>[vector<16xi32>], vector<16xf32>,
      %swap3A_290 = arith.constant 3 : i32
      %swap3A_291 = arith.index_cast %swap3A_290 : i32 to index
      %swap3A_292 = arith.constant 48 : index
      %swap3A_293 = tpu.vector_load %arg11[%swap3A_291, %swap3A_292] {strides = array<i32>} : memref<4x256xf32, #tpu.memory_space<vmem>>, vector<16xf32>,
      tpu.vector_store %arg11[%swap3A_291, %swap3A_292], %gather3A_289 {strides = array<i32>} : memref<4x256xf32, #tpu.memory_space<vmem>>, vector<16xf32>,
      %add3A_294 = arith.constant 3 : i32
      %add3A_295 = vector.broadcast %add3A_294 : i32 to vector<16xi32>
      %add3A_296 = arith.addi %mul3A_233, %add3A_295 : vector<16xi32>
      tpu.vector_store_idx %arg10[%add3A_296], %gather3A_289 : memref<1024xf32, #tpu.memory_space<vmem>>[vector<16xi32>], vector<16xf32>,
      %get3A_297 = arith.constant 64 : index
      %get3A_298 = tpu.vector_load %arg9[%get3A_297] {strides = array<i32>} : memref<256xi32, #tpu.memory_space<vmem>>, vector<16xi32>,
      %iota3A_299 = tpu.iota {dimensions = array<i32: 0>} : vector<16xi32>
      %add3A_300 = arith.constant 64 : i32
      %add3A_301 = vector.broadcast %add3A_300 : i32 to vector<16xi32>
      %add3A_302 = arith.addi %iota3A_299, %add3A_301 : vector<16xi32>
      %mul3A_303 = arith.constant 4 : i32
      %mul3A_304 = vector.broadcast %mul3A_303 : i32 to vector<16xi32>
      %mul3A_305 = arith.muli %add3A_302, %mul3A_304 : vector<16xi32>
      %get3A_306 = arith.constant 64 : index
      %get3A_307 = tpu.vector_load %arg12[%get3A_306] {strides = array<i32>} : memref<256xf32, #tpu.memory_space<vmem>>, vector<16xf32>,
      %neg3A_308 = arith.constant 0.000000e+00 : f32
      %neg3A_309 = vector.broadcast %neg3A_308 : f32 to vector<16xf32>
      %neg3A_310 = arith.subf %neg3A_309, %get3A_307 : vector<16xf32>
      %swap3A_311 = arith.constant 64 : index
      %swap3A_312 = tpu.vector_load %arg12[%swap3A_311] {strides = array<i32>} : memref<256xf32, #tpu.memory_space<vmem>>, vector<16xf32>,
      tpu.vector_store %arg12[%swap3A_311], %neg3A_310 {strides = array<i32>} : memref<256xf32, #tpu.memory_space<vmem>>, vector<16xf32>,
      %mul3A_313 = arith.constant 4 : i32
      %mul3A_314 = vector.broadcast %mul3A_313 : i32 to vector<16xi32>
      %mul3A_315 = arith.muli %get3A_298, %mul3A_314 : vector<16xi32>
      %add3A_316 = arith.constant 0 : i32
      %add3A_317 = vector.broadcast %add3A_316 : i32 to vector<16xi32>
      %add3A_318 = arith.addi %mul3A_315, %add3A_317 : vector<16xi32>
      %gather3A_319 = tpu.vector_load_idx %arg8[%add3A_318] : memref<20000xf32, #tpu.memory_space<vmem>>[vector<16xi32>], vector<16xf32>,
      %swap3A_320 = arith.constant 0 : i32
      %swap3A_321 = arith.index_cast %swap3A_320 : i32 to index
      %swap3A_322 = arith.constant 64 : index
      %swap3A_323 = tpu.vector_load %arg11[%swap3A_321, %swap3A_322] {strides = array<i32>} : memref<4x256xf32, #tpu.memory_space<vmem>>, vector<16xf32>,
      tpu.vector_store %arg11[%swap3A_321, %swap3A_322], %gather3A_319 {strides = array<i32>} : memref<4x256xf32, #tpu.memory_space<vmem>>, vector<16xf32>,
      %add3A_324 = arith.constant 0 : i32
      %add3A_325 = vector.broadcast %add3A_324 : i32 to vector<16xi32>
      %add3A_326 = arith.addi %mul3A_305, %add3A_325 : vector<16xi32>
      tpu.vector_store_idx %arg10[%add3A_326], %gather3A_319 : memref<1024xf32, #tpu.memory_space<vmem>>[vector<16xi32>], vector<16xf32>,
      %mul3A_327 = arith.constant 4 : i32
      %mul3A_328 = vector.broadcast %mul3A_327 : i32 to vector<16xi32>
      %mul3A_329 = arith.muli %get3A_298, %mul3A_328 : vector<16xi32>
      %add3A_330 = arith.constant 1 : i32
      %add3A_331 = vector.broadcast %add3A_330 : i32 to vector<16xi32>
      %add3A_332 = arith.addi %mul3A_329, %add3A_331 : vector<16xi32>
      %gather3A_333 = tpu.vector_load_idx %arg8[%add3A_332] : memref<20000xf32, #tpu.memory_space<vmem>>[vector<16xi32>], vector<16xf32>,
      %swap3A_334 = arith.constant 1 : i32
      %swap3A_335 = arith.index_cast %swap3A_334 : i32 to index
      %swap3A_336 = arith.constant 64 : index
      %swap3A_337 = tpu.vector_load %arg11[%swap3A_335, %swap3A_336] {strides = array<i32>} : memref<4x256xf32, #tpu.memory_space<vmem>>, vector<16xf32>,
      tpu.vector_store %arg11[%swap3A_335, %swap3A_336], %gather3A_333 {strides = array<i32>} : memref<4x256xf32, #tpu.memory_space<vmem>>, vector<16xf32>,
      %add3A_338 = arith.constant 1 : i32
      %add3A_339 = vector.broadcast %add3A_338 : i32 to vector<16xi32>
      %add3A_340 = arith.addi %mul3A_305, %add3A_339 : vector<16xi32>
      tpu.vector_store_idx %arg10[%add3A_340], %gather3A_333 : memref<1024xf32, #tpu.memory_space<vmem>>[vector<16xi32>], vector<16xf32>,
      %mul3A_341 = arith.constant 4 : i32
      %mul3A_342 = vector.broadcast %mul3A_341 : i32 to vector<16xi32>
      %mul3A_343 = arith.muli %get3A_298, %mul3A_342 : vector<16xi32>
      %add3A_344 = arith.constant 2 : i32
      %add3A_345 = vector.broadcast %add3A_344 : i32 to vector<16xi32>
      %add3A_346 = arith.addi %mul3A_343, %add3A_345 : vector<16xi32>
      %gather3A_347 = tpu.vector_load_idx %arg8[%add3A_346] : memref<20000xf32, #tpu.memory_space<vmem>>[vector<16xi32>], vector<16xf32>,
      %swap3A_348 = arith.constant 2 : i32
      %swap3A_349 = arith.index_cast %swap3A_348 : i32 to index
      %swap3A_350 = arith.constant 64 : index
      %swap3A_351 = tpu.vector_load %arg11[%swap3A_349, %swap3A_350] {strides = array<i32>} : memref<4x256xf32, #tpu.memory_space<vmem>>, vector<16xf32>,
      tpu.vector_store %arg11[%swap3A_349, %swap3A_350], %gather3A_347 {strides = array<i32>} : memref<4x256xf32, #tpu.memory_space<vmem>>, vector<16xf32>,
      %add3A_352 = arith.constant 2 : i32
      %add3A_353 = vector.broadcast %add3A_352 : i32 to vector<16xi32>
      %add3A_354 = arith.addi %mul3A_305, %add3A_353 : vector<16xi32>
      tpu.vector_store_idx %arg10[%add3A_354], %gather3A_347 : memref<1024xf32, #tpu.memory_space<vmem>>[vector<16xi32>], vector<16xf32>,
      %mul3A_355 = arith.constant 4 : i32
      %mul3A_356 = vector.broadcast %mul3A_355 : i32 to vector<16xi32>
      %mul3A_357 = arith.muli %get3A_298, %mul3A_356 : vector<16xi32>
      %add3A_358 = arith.constant 3 : i32
      %add3A_359 = vector.broadcast %add3A_358 : i32 to vector<16xi32>
      %add3A_360 = arith.addi %mul3A_357, %add3A_359 : vector<16xi32>
      %gather3A_361 = tpu.vector_load_idx %arg8[%add3A_360] : memref<20000xf32, #tpu.memory_space<vmem>>[vector<16xi32>], vector<16xf32>,
      %swap3A_362 = arith.constant 3 : i32
      %swap3A_363 = arith.index_cast %swap3A_362 : i32 to index
      %swap3A_364 = arith.constant 64 : index
      %swap3A_365 = tpu.vector_load %arg11[%swap3A_363, %swap3A_364] {strides = array<i32>} : memref<4x256xf32, #tpu.memory_space<vmem>>, vector<16xf32>,
      tpu.vector_store %arg11[%swap3A_363, %swap3A_364], %gather3A_361 {strides = array<i32>} : memref<4x256xf32, #tpu.memory_space<vmem>>, vector<16xf32>,
      %add3A_366 = arith.constant 3 : i32
      %add3A_367 = vector.broadcast %add3A_366 : i32 to vector<16xi32>
      %add3A_368 = arith.addi %mul3A_305, %add3A_367 : vector<16xi32>
      tpu.vector_store_idx %arg10[%add3A_368], %gather3A_361 : memref<1024xf32, #tpu.memory_space<vmem>>[vector<16xi32>], vector<16xf32>,
      %get3A_369 = arith.constant 80 : index
      %get3A_370 = tpu.vector_load %arg9[%get3A_369] {strides = array<i32>} : memref<256xi32, #tpu.memory_space<vmem>>, vector<16xi32>,
      %iota3A_371 = tpu.iota {dimensions = array<i32: 0>} : vector<16xi32>
      %add3A_372 = arith.constant 80 : i32
      %add3A_373 = vector.broadcast %add3A_372 : i32 to vector<16xi32>
      %add3A_374 = arith.addi %iota3A_371, %add3A_373 : vector<16xi32>
      %mul3A_375 = arith.constant 4 : i32
      %mul3A_376 = vector.broadcast %mul3A_375 : i32 to vector<16xi32>
      %mul3A_377 = arith.muli %add3A_374, %mul3A_376 : vector<16xi32>
      %get3A_378 = arith.constant 80 : index
      %get3A_379 = tpu.vector_load %arg12[%get3A_378] {strides = array<i32>} : memref<256xf32, #tpu.memory_space<vmem>>, vector<16xf32>,
      %neg3A_380 = arith.constant 0.000000e+00 : f32
      %neg3A_381 = vector.broadcast %neg3A_380 : f32 to vector<16xf32>
      %neg3A_382 = arith.subf %neg3A_381, %get3A_379 : vector<16xf32>
      %swap3A_383 = arith.constant 80 : index
      %swap3A_384 = tpu.vector_load %arg12[%swap3A_383] {strides = array<i32>} : memref<256xf32, #tpu.memory_space<vmem>>, vector<16xf32>,
      tpu.vector_store %arg12[%swap3A_383], %neg3A_382 {strides = array<i32>} : memref<256xf32, #tpu.memory_space<vmem>>, vector<16xf32>,
      %mul3A_385 = arith.constant 4 : i32
      %mul3A_386 = vector.broadcast %mul3A_385 : i32 to vector<16xi32>
      %mul3A_387 = arith.muli %get3A_370, %mul3A_386 : vector<16xi32>
      %add3A_388 = arith.constant 0 : i32
      %add3A_389 = vector.broadcast %add3A_388 : i32 to vector<16xi32>
      %add3A_390 = arith.addi %mul3A_387, %add3A_389 : vector<16xi32>
      %gather3A_391 = tpu.vector_load_idx %arg8[%add3A_390] : memref<20000xf32, #tpu.memory_space<vmem>>[vector<16xi32>], vector<16xf32>,
      %swap3A_392 = arith.constant 0 : i32
      %swap3A_393 = arith.index_cast %swap3A_392 : i32 to index
      %swap3A_394 = arith.constant 80 : index
      %swap3A_395 = tpu.vector_load %arg11[%swap3A_393, %swap3A_394] {strides = array<i32>} : memref<4x256xf32, #tpu.memory_space<vmem>>, vector<16xf32>,
      tpu.vector_store %arg11[%swap3A_393, %swap3A_394], %gather3A_391 {strides = array<i32>} : memref<4x256xf32, #tpu.memory_space<vmem>>, vector<16xf32>,
      %add3A_396 = arith.constant 0 : i32
      %add3A_397 = vector.broadcast %add3A_396 : i32 to vector<16xi32>
      %add3A_398 = arith.addi %mul3A_377, %add3A_397 : vector<16xi32>
      tpu.vector_store_idx %arg10[%add3A_398], %gather3A_391 : memref<1024xf32, #tpu.memory_space<vmem>>[vector<16xi32>], vector<16xf32>,
      %mul3A_399 = arith.constant 4 : i32
      %mul3A_400 = vector.broadcast %mul3A_399 : i32 to vector<16xi32>
      %mul3A_401 = arith.muli %get3A_370, %mul3A_400 : vector<16xi32>
      %add3A_402 = arith.constant 1 : i32
      %add3A_403 = vector.broadcast %add3A_402 : i32 to vector<16xi32>
      %add3A_404 = arith.addi %mul3A_401, %add3A_403 : vector<16xi32>
      %gather3A_405 = tpu.vector_load_idx %arg8[%add3A_404] : memref<20000xf32, #tpu.memory_space<vmem>>[vector<16xi32>], vector<16xf32>,
      %swap3A_406 = arith.constant 1 : i32
      %swap3A_407 = arith.index_cast %swap3A_406 : i32 to index
      %swap3A_408 = arith.constant 80 : index
      %swap3A_409 = tpu.vector_load %arg11[%swap3A_407, %swap3A_408] {strides = array<i32>} : memref<4x256xf32, #tpu.memory_space<vmem>>, vector<16xf32>,
      tpu.vector_store %arg11[%swap3A_407, %swap3A_408], %gather3A_405 {strides = array<i32>} : memref<4x256xf32, #tpu.memory_space<vmem>>, vector<16xf32>,
      %add3A_410 = arith.constant 1 : i32
      %add3A_411 = vector.broadcast %add3A_410 : i32 to vector<16xi32>
      %add3A_412 = arith.addi %mul3A_377, %add3A_411 : vector<16xi32>
      tpu.vector_store_idx %arg10[%add3A_412], %gather3A_405 : memref<1024xf32, #tpu.memory_space<vmem>>[vector<16xi32>], vector<16xf32>,
      %mul3A_413 = arith.constant 4 : i32
      %mul3A_414 = vector.broadcast %mul3A_413 : i32 to vector<16xi32>
      %mul3A_415 = arith.muli %get3A_370, %mul3A_414 : vector<16xi32>
      %add3A_416 = arith.constant 2 : i32
      %add3A_417 = vector.broadcast %add3A_416 : i32 to vector<16xi32>
      %add3A_418 = arith.addi %mul3A_415, %add3A_417 : vector<16xi32>
      %gather3A_419 = tpu.vector_load_idx %arg8[%add3A_418] : memref<20000xf32, #tpu.memory_space<vmem>>[vector<16xi32>], vector<16xf32>,
      %swap3A_420 = arith.constant 2 : i32
      %swap3A_421 = arith.index_cast %swap3A_420 : i32 to index
      %swap3A_422 = arith.constant 80 : index
      %swap3A_423 = tpu.vector_load %arg11[%swap3A_421, %swap3A_422] {strides = array<i32>} : memref<4x256xf32, #tpu.memory_space<vmem>>, vector<16xf32>,
      tpu.vector_store %arg11[%swap3A_421, %swap3A_422], %gather3A_419 {strides = array<i32>} : memref<4x256xf32, #tpu.memory_space<vmem>>, vector<16xf32>,
      %add3A_424 = arith.constant 2 : i32
      %add3A_425 = vector.broadcast %add3A_424 : i32 to vector<16xi32>
      %add3A_426 = arith.addi %mul3A_377, %add3A_425 : vector<16xi32>
      tpu.vector_store_idx %arg10[%add3A_426], %gather3A_419 : memref<1024xf32, #tpu.memory_space<vmem>>[vector<16xi32>], vector<16xf32>,
      %mul3A_427 = arith.constant 4 : i32
      %mul3A_428 = vector.broadcast %mul3A_427 : i32 to vector<16xi32>
      %mul3A_429 = arith.muli %get3A_370, %mul3A_428 : vector<16xi32>
      %add3A_430 = arith.constant 3 : i32
      %add3A_431 = vector.broadcast %add3A_430 : i32 to vector<16xi32>
      %add3A_432 = arith.addi %mul3A_429, %add3A_431 : vector<16xi32>
      %gather3A_433 = tpu.vector_load_idx %arg8[%add3A_432] : memref<20000xf32, #tpu.memory_space<vmem>>[vector<16xi32>], vector<16xf32>,
      %swap3A_434 = arith.constant 3 : i32
      %swap3A_435 = arith.index_cast %swap3A_434 : i32 to index
      %swap3A_436 = arith.constant 80 : index
      %swap3A_437 = tpu.vector_load %arg11[%swap3A_435, %swap3A_436] {strides = array<i32>} : memref<4x256xf32, #tpu.memory_space<vmem>>, vector<16xf32>,
      tpu.vector_store %arg11[%swap3A_435, %swap3A_436], %gather3A_433 {strides = array<i32>} : memref<4x256xf32, #tpu.memory_space<vmem>>, vector<16xf32>,
      %add3A_438 = arith.constant 3 : i32
      %add3A_439 = vector.broadcast %add3A_438 : i32 to vector<16xi32>
      %add3A_440 = arith.addi %mul3A_377, %add3A_439 : vector<16xi32>
      tpu.vector_store_idx %arg10[%add3A_440], %gather3A_433 : memref<1024xf32, #tpu.memory_space<vmem>>[vector<16xi32>], vector<16xf32>,
      %get3A_441 = arith.constant 96 : index
      %get3A_442 = tpu.vector_load %arg9[%get3A_441] {strides = array<i32>} : memref<256xi32, #tpu.memory_space<vmem>>, vector<16xi32>,
      %iota3A_443 = tpu.iota {dimensions = array<i32: 0>} : vector<16xi32>
      %add3A_444 = arith.constant 96 : i32
      %add3A_445 = vector.broadcast %add3A_444 : i32 to vector<16xi32>
      %add3A_446 = arith.addi %iota3A_443, %add3A_445 : vector<16xi32>
      %mul3A_447 = arith.constant 4 : i32
      %mul3A_448 = vector.broadcast %mul3A_447 : i32 to vector<16xi32>
      %mul3A_449 = arith.muli %add3A_446, %mul3A_448 : vector<16xi32>
      %get3A_450 = arith.constant 96 : index
      %get3A_451 = tpu.vector_load %arg12[%get3A_450] {strides = array<i32>} : memref<256xf32, #tpu.memory_space<vmem>>, vector<16xf32>,
      %neg3A_452 = arith.constant 0.000000e+00 : f32
      %neg3A_453 = vector.broadcast %neg3A_452 : f32 to vector<16xf32>
      %neg3A_454 = arith.subf %neg3A_453, %get3A_451 : vector<16xf32>
      %swap3A_455 = arith.constant 96 : index
      %swap3A_456 = tpu.vector_load %arg12[%swap3A_455] {strides = array<i32>} : memref<256xf32, #tpu.memory_space<vmem>>, vector<16xf32>,
      tpu.vector_store %arg12[%swap3A_455], %neg3A_454 {strides = array<i32>} : memref<256xf32, #tpu.memory_space<vmem>>, vector<16xf32>,
      %mul3A_457 = arith.constant 4 : i32
      %mul3A_458 = vector.broadcast %mul3A_457 : i32 to vector<16xi32>
      %mul3A_459 = arith.muli %get3A_442, %mul3A_458 : vector<16xi32>
      %add3A_460 = arith.constant 0 : i32
      %add3A_461 = vector.broadcast %add3A_460 : i32 to vector<16xi32>
      %add3A_462 = arith.addi %mul3A_459, %add3A_461 : vector<16xi32>
      %gather3A_463 = tpu.vector_load_idx %arg8[%add3A_462] : memref<20000xf32, #tpu.memory_space<vmem>>[vector<16xi32>], vector<16xf32>,
      %swap3A_464 = arith.constant 0 : i32
      %swap3A_465 = arith.index_cast %swap3A_464 : i32 to index
      %swap3A_466 = arith.constant 96 : index
      %swap3A_467 = tpu.vector_load %arg11[%swap3A_465, %swap3A_466] {strides = array<i32>} : memref<4x256xf32, #tpu.memory_space<vmem>>, vector<16xf32>,
      tpu.vector_store %arg11[%swap3A_465, %swap3A_466], %gather3A_463 {strides = array<i32>} : memref<4x256xf32, #tpu.memory_space<vmem>>, vector<16xf32>,
      %add3A_468 = arith.constant 0 : i32
      %add3A_469 = vector.broadcast %add3A_468 : i32 to vector<16xi32>
      %add3A_470 = arith.addi %mul3A_449, %add3A_469 : vector<16xi32>
      tpu.vector_store_idx %arg10[%add3A_470], %gather3A_463 : memref<1024xf32, #tpu.memory_space<vmem>>[vector<16xi32>], vector<16xf32>,
      %mul3A_471 = arith.constant 4 : i32
      %mul3A_472 = vector.broadcast %mul3A_471 : i32 to vector<16xi32>
      %mul3A_473 = arith.muli %get3A_442, %mul3A_472 : vector<16xi32>
      %add3A_474 = arith.constant 1 : i32
      %add3A_475 = vector.broadcast %add3A_474 : i32 to vector<16xi32>
      %add3A_476 = arith.addi %mul3A_473, %add3A_475 : vector<16xi32>
      %gather3A_477 = tpu.vector_load_idx %arg8[%add3A_476] : memref<20000xf32, #tpu.memory_space<vmem>>[vector<16xi32>], vector<16xf32>,
      %swap3A_478 = arith.constant 1 : i32
      %swap3A_479 = arith.index_cast %swap3A_478 : i32 to index
      %swap3A_480 = arith.constant 96 : index
      %swap3A_481 = tpu.vector_load %arg11[%swap3A_479, %swap3A_480] {strides = array<i32>} : memref<4x256xf32, #tpu.memory_space<vmem>>, vector<16xf32>,
      tpu.vector_store %arg11[%swap3A_479, %swap3A_480], %gather3A_477 {strides = array<i32>} : memref<4x256xf32, #tpu.memory_space<vmem>>, vector<16xf32>,
      %add3A_482 = arith.constant 1 : i32
      %add3A_483 = vector.broadcast %add3A_482 : i32 to vector<16xi32>
      %add3A_484 = arith.addi %mul3A_449, %add3A_483 : vector<16xi32>
      tpu.vector_store_idx %arg10[%add3A_484], %gather3A_477 : memref<1024xf32, #tpu.memory_space<vmem>>[vector<16xi32>], vector<16xf32>,
      %mul3A_485 = arith.constant 4 : i32
      %mul3A_486 = vector.broadcast %mul3A_485 : i32 to vector<16xi32>
      %mul3A_487 = arith.muli %get3A_442, %mul3A_486 : vector<16xi32>
      %add3A_488 = arith.constant 2 : i32
      %add3A_489 = vector.broadcast %add3A_488 : i32 to vector<16xi32>
      %add3A_490 = arith.addi %mul3A_487, %add3A_489 : vector<16xi32>
      %gather3A_491 = tpu.vector_load_idx %arg8[%add3A_490] : memref<20000xf32, #tpu.memory_space<vmem>>[vector<16xi32>], vector<16xf32>,
      %swap3A_492 = arith.constant 2 : i32
      %swap3A_493 = arith.index_cast %swap3A_492 : i32 to index
      %swap3A_494 = arith.constant 96 : index
      %swap3A_495 = tpu.vector_load %arg11[%swap3A_493, %swap3A_494] {strides = array<i32>} : memref<4x256xf32, #tpu.memory_space<vmem>>, vector<16xf32>,
      tpu.vector_store %arg11[%swap3A_493, %swap3A_494], %gather3A_491 {strides = array<i32>} : memref<4x256xf32, #tpu.memory_space<vmem>>, vector<16xf32>,
      %add3A_496 = arith.constant 2 : i32
      %add3A_497 = vector.broadcast %add3A_496 : i32 to vector<16xi32>
      %add3A_498 = arith.addi %mul3A_449, %add3A_497 : vector<16xi32>
      tpu.vector_store_idx %arg10[%add3A_498], %gather3A_491 : memref<1024xf32, #tpu.memory_space<vmem>>[vector<16xi32>], vector<16xf32>,
      %mul3A_499 = arith.constant 4 : i32
      %mul3A_500 = vector.broadcast %mul3A_499 : i32 to vector<16xi32>
      %mul3A_501 = arith.muli %get3A_442, %mul3A_500 : vector<16xi32>
      %add3A_502 = arith.constant 3 : i32
      %add3A_503 = vector.broadcast %add3A_502 : i32 to vector<16xi32>
      %add3A_504 = arith.addi %mul3A_501, %add3A_503 : vector<16xi32>
      %gather3A_505 = tpu.vector_load_idx %arg8[%add3A_504] : memref<20000xf32, #tpu.memory_space<vmem>>[vector<16xi32>], vector<16xf32>,
      %swap3A_506 = arith.constant 3 : i32
      %swap3A_507 = arith.index_cast %swap3A_506 : i32 to index
      %swap3A_508 = arith.constant 96 : index
      %swap3A_509 = tpu.vector_load %arg11[%swap3A_507, %swap3A_508] {strides = array<i32>} : memref<4x256xf32, #tpu.memory_space<vmem>>, vector<16xf32>,
      tpu.vector_store %arg11[%swap3A_507, %swap3A_508], %gather3A_505 {strides = array<i32>} : memref<4x256xf32, #tpu.memory_space<vmem>>, vector<16xf32>,
      %add3A_510 = arith.constant 3 : i32
      %add3A_511 = vector.broadcast %add3A_510 : i32 to vector<16xi32>
      %add3A_512 = arith.addi %mul3A_449, %add3A_511 : vector<16xi32>
      tpu.vector_store_idx %arg10[%add3A_512], %gather3A_505 : memref<1024xf32, #tpu.memory_space<vmem>>[vector<16xi32>], vector<16xf32>,
      %get3A_513 = arith.constant 112 : index
      %get3A_514 = tpu.vector_load %arg9[%get3A_513] {strides = array<i32>} : memref<256xi32, #tpu.memory_space<vmem>>, vector<16xi32>,
      %iota3A_515 = tpu.iota {dimensions = array<i32: 0>} : vector<16xi32>
      %add3A_516 = arith.constant 112 : i32
      %add3A_517 = vector.broadcast %add3A_516 : i32 to vector<16xi32>
      %add3A_518 = arith.addi %iota3A_515, %add3A_517 : vector<16xi32>
      %mul3A_519 = arith.constant 4 : i32
      %mul3A_520 = vector.broadcast %mul3A_519 : i32 to vector<16xi32>
      %mul3A_521 = arith.muli %add3A_518, %mul3A_520 : vector<16xi32>
      %get3A_522 = arith.constant 112 : index
      %get3A_523 = tpu.vector_load %arg12[%get3A_522] {strides = array<i32>} : memref<256xf32, #tpu.memory_space<vmem>>, vector<16xf32>,
      %neg3A_524 = arith.constant 0.000000e+00 : f32
      %neg3A_525 = vector.broadcast %neg3A_524 : f32 to vector<16xf32>
      %neg3A_526 = arith.subf %neg3A_525, %get3A_523 : vector<16xf32>
      %swap3A_527 = arith.constant 112 : index
      %swap3A_528 = tpu.vector_load %arg12[%swap3A_527] {strides = array<i32>} : memref<256xf32, #tpu.memory_space<vmem>>, vector<16xf32>,
      tpu.vector_store %arg12[%swap3A_527], %neg3A_526 {strides = array<i32>} : memref<256xf32, #tpu.memory_space<vmem>>, vector<16xf32>,
      %mul3A_529 = arith.constant 4 : i32
      %mul3A_530 = vector.broadcast %mul3A_529 : i32 to vector<16xi32>
      %mul3A_531 = arith.muli %get3A_514, %mul3A_530 : vector<16xi32>
      %add3A_532 = arith.constant 0 : i32
      %add3A_533 = vector.broadcast %add3A_532 : i32 to vector<16xi32>
      %add3A_534 = arith.addi %mul3A_531, %add3A_533 : vector<16xi32>
      %gather3A_535 = tpu.vector_load_idx %arg8[%add3A_534] : memref<20000xf32, #tpu.memory_space<vmem>>[vector<16xi32>], vector<16xf32>,
      %swap3A_536 = arith.constant 0 : i32
      %swap3A_537 = arith.index_cast %swap3A_536 : i32 to index
      %swap3A_538 = arith.constant 112 : index
      %swap3A_539 = tpu.vector_load %arg11[%swap3A_537, %swap3A_538] {strides = array<i32>} : memref<4x256xf32, #tpu.memory_space<vmem>>, vector<16xf32>,
      tpu.vector_store %arg11[%swap3A_537, %swap3A_538], %gather3A_535 {strides = array<i32>} : memref<4x256xf32, #tpu.memory_space<vmem>>, vector<16xf32>,
      %add3A_540 = arith.constant 0 : i32
      %add3A_541 = vector.broadcast %add3A_540 : i32 to vector<16xi32>
      %add3A_542 = arith.addi %mul3A_521, %add3A_541 : vector<16xi32>
      tpu.vector_store_idx %arg10[%add3A_542], %gather3A_535 : memref<1024xf32, #tpu.memory_space<vmem>>[vector<16xi32>], vector<16xf32>,
      %mul3A_543 = arith.constant 4 : i32
      %mul3A_544 = vector.broadcast %mul3A_543 : i32 to vector<16xi32>
      %mul3A_545 = arith.muli %get3A_514, %mul3A_544 : vector<16xi32>
      %add3A_546 = arith.constant 1 : i32
      %add3A_547 = vector.broadcast %add3A_546 : i32 to vector<16xi32>
      %add3A_548 = arith.addi %mul3A_545, %add3A_547 : vector<16xi32>
      %gather3A_549 = tpu.vector_load_idx %arg8[%add3A_548] : memref<20000xf32, #tpu.memory_space<vmem>>[vector<16xi32>], vector<16xf32>,
      %swap3A_550 = arith.constant 1 : i32
      %swap3A_551 = arith.index_cast %swap3A_550 : i32 to index
      %swap3A_552 = arith.constant 112 : index
      %swap3A_553 = tpu.vector_load %arg11[%swap3A_551, %swap3A_552] {strides = array<i32>} : memref<4x256xf32, #tpu.memory_space<vmem>>, vector<16xf32>,
      tpu.vector_store %arg11[%swap3A_551, %swap3A_552], %gather3A_549 {strides = array<i32>} : memref<4x256xf32, #tpu.memory_space<vmem>>, vector<16xf32>,
      %add3A_554 = arith.constant 1 : i32
      %add3A_555 = vector.broadcast %add3A_554 : i32 to vector<16xi32>
      %add3A_556 = arith.addi %mul3A_521, %add3A_555 : vector<16xi32>
      tpu.vector_store_idx %arg10[%add3A_556], %gather3A_549 : memref<1024xf32, #tpu.memory_space<vmem>>[vector<16xi32>], vector<16xf32>,
      %mul3A_557 = arith.constant 4 : i32
      %mul3A_558 = vector.broadcast %mul3A_557 : i32 to vector<16xi32>
      %mul3A_559 = arith.muli %get3A_514, %mul3A_558 : vector<16xi32>
      %add3A_560 = arith.constant 2 : i32
      %add3A_561 = vector.broadcast %add3A_560 : i32 to vector<16xi32>
      %add3A_562 = arith.addi %mul3A_559, %add3A_561 : vector<16xi32>
      %gather3A_563 = tpu.vector_load_idx %arg8[%add3A_562] : memref<20000xf32, #tpu.memory_space<vmem>>[vector<16xi32>], vector<16xf32>,
      %swap3A_564 = arith.constant 2 : i32
      %swap3A_565 = arith.index_cast %swap3A_564 : i32 to index
      %swap3A_566 = arith.constant 112 : index
      %swap3A_567 = tpu.vector_load %arg11[%swap3A_565, %swap3A_566] {strides = array<i32>} : memref<4x256xf32, #tpu.memory_space<vmem>>, vector<16xf32>,
      tpu.vector_store %arg11[%swap3A_565, %swap3A_566], %gather3A_563 {strides = array<i32>} : memref<4x256xf32, #tpu.memory_space<vmem>>, vector<16xf32>,
      %add3A_568 = arith.constant 2 : i32
      %add3A_569 = vector.broadcast %add3A_568 : i32 to vector<16xi32>
      %add3A_570 = arith.addi %mul3A_521, %add3A_569 : vector<16xi32>
      tpu.vector_store_idx %arg10[%add3A_570], %gather3A_563 : memref<1024xf32, #tpu.memory_space<vmem>>[vector<16xi32>], vector<16xf32>,
      %mul3A_571 = arith.constant 4 : i32
      %mul3A_572 = vector.broadcast %mul3A_571 : i32 to vector<16xi32>
      %mul3A_573 = arith.muli %get3A_514, %mul3A_572 : vector<16xi32>
      %add3A_574 = arith.constant 3 : i32
      %add3A_575 = vector.broadcast %add3A_574 : i32 to vector<16xi32>
      %add3A_576 = arith.addi %mul3A_573, %add3A_575 : vector<16xi32>
      %gather3A_577 = tpu.vector_load_idx %arg8[%add3A_576] : memref<20000xf32, #tpu.memory_space<vmem>>[vector<16xi32>], vector<16xf32>,
      %swap3A_578 = arith.constant 3 : i32
      %swap3A_579 = arith.index_cast %swap3A_578 : i32 to index
      %swap3A_580 = arith.constant 112 : index
      %swap3A_581 = tpu.vector_load %arg11[%swap3A_579, %swap3A_580] {strides = array<i32>} : memref<4x256xf32, #tpu.memory_space<vmem>>, vector<16xf32>,
      tpu.vector_store %arg11[%swap3A_579, %swap3A_580], %gather3A_577 {strides = array<i32>} : memref<4x256xf32, #tpu.memory_space<vmem>>, vector<16xf32>,
      %add3A_582 = arith.constant 3 : i32
      %add3A_583 = vector.broadcast %add3A_582 : i32 to vector<16xi32>
      %add3A_584 = arith.addi %mul3A_521, %add3A_583 : vector<16xi32>
      tpu.vector_store_idx %arg10[%add3A_584], %gather3A_577 : memref<1024xf32, #tpu.memory_space<vmem>>[vector<16xi32>], vector<16xf32>,
      %get3A_585 = arith.constant 128 : index
      %get3A_586 = tpu.vector_load %arg9[%get3A_585] {strides = array<i32>} : memref<256xi32, #tpu.memory_space<vmem>>, vector<16xi32>,
      %iota3A_587 = tpu.iota {dimensions = array<i32: 0>} : vector<16xi32>
      %add3A_588 = arith.constant 128 : i32
      %add3A_589 = vector.broadcast %add3A_588 : i32 to vector<16xi32>
      %add3A_590 = arith.addi %iota3A_587, %add3A_589 : vector<16xi32>
      %mul3A_591 = arith.constant 4 : i32
      %mul3A_592 = vector.broadcast %mul3A_591 : i32 to vector<16xi32>
      %mul3A_593 = arith.muli %add3A_590, %mul3A_592 : vector<16xi32>
      %get3A_594 = arith.constant 128 : index
      %get3A_595 = tpu.vector_load %arg12[%get3A_594] {strides = array<i32>} : memref<256xf32, #tpu.memory_space<vmem>>, vector<16xf32>,
      %neg3A_596 = arith.constant 0.000000e+00 : f32
      %neg3A_597 = vector.broadcast %neg3A_596 : f32 to vector<16xf32>
      %neg3A_598 = arith.subf %neg3A_597, %get3A_595 : vector<16xf32>
      %swap3A_599 = arith.constant 128 : index
      %swap3A_600 = tpu.vector_load %arg12[%swap3A_599] {strides = array<i32>} : memref<256xf32, #tpu.memory_space<vmem>>, vector<16xf32>,
      tpu.vector_store %arg12[%swap3A_599], %neg3A_598 {strides = array<i32>} : memref<256xf32, #tpu.memory_space<vmem>>, vector<16xf32>,
      %mul3A_601 = arith.constant 4 : i32
      %mul3A_602 = vector.broadcast %mul3A_601 : i32 to vector<16xi32>
      %mul3A_603 = arith.muli %get3A_586, %mul3A_602 : vector<16xi32>
      %add3A_604 = arith.constant 0 : i32
      %add3A_605 = vector.broadcast %add3A_604 : i32 to vector<16xi32>
      %add3A_606 = arith.addi %mul3A_603, %add3A_605 : vector<16xi32>
      %gather3A_607 = tpu.vector_load_idx %arg8[%add3A_606] : memref<20000xf32, #tpu.memory_space<vmem>>[vector<16xi32>], vector<16xf32>,
      %swap3A_608 = arith.constant 0 : i32
      %swap3A_609 = arith.index_cast %swap3A_608 : i32 to index
      %swap3A_610 = arith.constant 128 : index
      %swap3A_611 = tpu.vector_load %arg11[%swap3A_609, %swap3A_610] {strides = array<i32>} : memref<4x256xf32, #tpu.memory_space<vmem>>, vector<16xf32>,
      tpu.vector_store %arg11[%swap3A_609, %swap3A_610], %gather3A_607 {strides = array<i32>} : memref<4x256xf32, #tpu.memory_space<vmem>>, vector<16xf32>,
      %add3A_612 = arith.constant 0 : i32
      %add3A_613 = vector.broadcast %add3A_612 : i32 to vector<16xi32>
      %add3A_614 = arith.addi %mul3A_593, %add3A_613 : vector<16xi32>
      tpu.vector_store_idx %arg10[%add3A_614], %gather3A_607 : memref<1024xf32, #tpu.memory_space<vmem>>[vector<16xi32>], vector<16xf32>,
      %mul3A_615 = arith.constant 4 : i32
      %mul3A_616 = vector.broadcast %mul3A_615 : i32 to vector<16xi32>
      %mul3A_617 = arith.muli %get3A_586, %mul3A_616 : vector<16xi32>
      %add3A_618 = arith.constant 1 : i32
      %add3A_619 = vector.broadcast %add3A_618 : i32 to vector<16xi32>
      %add3A_620 = arith.addi %mul3A_617, %add3A_619 : vector<16xi32>
      %gather3A_621 = tpu.vector_load_idx %arg8[%add3A_620] : memref<20000xf32, #tpu.memory_space<vmem>>[vector<16xi32>], vector<16xf32>,
      %swap3A_622 = arith.constant 1 : i32
      %swap3A_623 = arith.index_cast %swap3A_622 : i32 to index
      %swap3A_624 = arith.constant 128 : index
      %swap3A_625 = tpu.vector_load %arg11[%swap3A_623, %swap3A_624] {strides = array<i32>} : memref<4x256xf32, #tpu.memory_space<vmem>>, vector<16xf32>,
      tpu.vector_store %arg11[%swap3A_623, %swap3A_624], %gather3A_621 {strides = array<i32>} : memref<4x256xf32, #tpu.memory_space<vmem>>, vector<16xf32>,
      %add3A_626 = arith.constant 1 : i32
      %add3A_627 = vector.broadcast %add3A_626 : i32 to vector<16xi32>
      %add3A_628 = arith.addi %mul3A_593, %add3A_627 : vector<16xi32>
      tpu.vector_store_idx %arg10[%add3A_628], %gather3A_621 : memref<1024xf32, #tpu.memory_space<vmem>>[vector<16xi32>], vector<16xf32>,
      %mul3A_629 = arith.constant 4 : i32
      %mul3A_630 = vector.broadcast %mul3A_629 : i32 to vector<16xi32>
      %mul3A_631 = arith.muli %get3A_586, %mul3A_630 : vector<16xi32>
      %add3A_632 = arith.constant 2 : i32
      %add3A_633 = vector.broadcast %add3A_632 : i32 to vector<16xi32>
      %add3A_634 = arith.addi %mul3A_631, %add3A_633 : vector<16xi32>
      %gather3A_635 = tpu.vector_load_idx %arg8[%add3A_634] : memref<20000xf32, #tpu.memory_space<vmem>>[vector<16xi32>], vector<16xf32>,
      %swap3A_636 = arith.constant 2 : i32
      %swap3A_637 = arith.index_cast %swap3A_636 : i32 to index
      %swap3A_638 = arith.constant 128 : index
      %swap3A_639 = tpu.vector_load %arg11[%swap3A_637, %swap3A_638] {strides = array<i32>} : memref<4x256xf32, #tpu.memory_space<vmem>>, vector<16xf32>,
      tpu.vector_store %arg11[%swap3A_637, %swap3A_638], %gather3A_635 {strides = array<i32>} : memref<4x256xf32, #tpu.memory_space<vmem>>, vector<16xf32>,
      %add3A_640 = arith.constant 2 : i32
      %add3A_641 = vector.broadcast %add3A_640 : i32 to vector<16xi32>
      %add3A_642 = arith.addi %mul3A_593, %add3A_641 : vector<16xi32>
      tpu.vector_store_idx %arg10[%add3A_642], %gather3A_635 : memref<1024xf32, #tpu.memory_space<vmem>>[vector<16xi32>], vector<16xf32>,
      %mul3A_643 = arith.constant 4 : i32
      %mul3A_644 = vector.broadcast %mul3A_643 : i32 to vector<16xi32>
      %mul3A_645 = arith.muli %get3A_586, %mul3A_644 : vector<16xi32>
      %add3A_646 = arith.constant 3 : i32
      %add3A_647 = vector.broadcast %add3A_646 : i32 to vector<16xi32>
      %add3A_648 = arith.addi %mul3A_645, %add3A_647 : vector<16xi32>
      %gather3A_649 = tpu.vector_load_idx %arg8[%add3A_648] : memref<20000xf32, #tpu.memory_space<vmem>>[vector<16xi32>], vector<16xf32>,
      %swap3A_650 = arith.constant 3 : i32
      %swap3A_651 = arith.index_cast %swap3A_650 : i32 to index
      %swap3A_652 = arith.constant 128 : index
      %swap3A_653 = tpu.vector_load %arg11[%swap3A_651, %swap3A_652] {strides = array<i32>} : memref<4x256xf32, #tpu.memory_space<vmem>>, vector<16xf32>,
      tpu.vector_store %arg11[%swap3A_651, %swap3A_652], %gather3A_649 {strides = array<i32>} : memref<4x256xf32, #tpu.memory_space<vmem>>, vector<16xf32>,
      %add3A_654 = arith.constant 3 : i32
      %add3A_655 = vector.broadcast %add3A_654 : i32 to vector<16xi32>
      %add3A_656 = arith.addi %mul3A_593, %add3A_655 : vector<16xi32>
      tpu.vector_store_idx %arg10[%add3A_656], %gather3A_649 : memref<1024xf32, #tpu.memory_space<vmem>>[vector<16xi32>], vector<16xf32>,
      %get3A_657 = arith.constant 144 : index
      %get3A_658 = tpu.vector_load %arg9[%get3A_657] {strides = array<i32>} : memref<256xi32, #tpu.memory_space<vmem>>, vector<16xi32>,
      %iota3A_659 = tpu.iota {dimensions = array<i32: 0>} : vector<16xi32>
      %add3A_660 = arith.constant 144 : i32
      %add3A_661 = vector.broadcast %add3A_660 : i32 to vector<16xi32>
      %add3A_662 = arith.addi %iota3A_659, %add3A_661 : vector<16xi32>
      %mul3A_663 = arith.constant 4 : i32
      %mul3A_664 = vector.broadcast %mul3A_663 : i32 to vector<16xi32>
      %mul3A_665 = arith.muli %add3A_662, %mul3A_664 : vector<16xi32>
      %get3A_666 = arith.constant 144 : index
      %get3A_667 = tpu.vector_load %arg12[%get3A_666] {strides = array<i32>} : memref<256xf32, #tpu.memory_space<vmem>>, vector<16xf32>,
      %neg3A_668 = arith.constant 0.000000e+00 : f32
      %neg3A_669 = vector.broadcast %neg3A_668 : f32 to vector<16xf32>
      %neg3A_670 = arith.subf %neg3A_669, %get3A_667 : vector<16xf32>
      %swap3A_671 = arith.constant 144 : index
      %swap3A_672 = tpu.vector_load %arg12[%swap3A_671] {strides = array<i32>} : memref<256xf32, #tpu.memory_space<vmem>>, vector<16xf32>,
      tpu.vector_store %arg12[%swap3A_671], %neg3A_670 {strides = array<i32>} : memref<256xf32, #tpu.memory_space<vmem>>, vector<16xf32>,
      %mul3A_673 = arith.constant 4 : i32
      %mul3A_674 = vector.broadcast %mul3A_673 : i32 to vector<16xi32>
      %mul3A_675 = arith.muli %get3A_658, %mul3A_674 : vector<16xi32>
      %add3A_676 = arith.constant 0 : i32
      %add3A_677 = vector.broadcast %add3A_676 : i32 to vector<16xi32>
      %add3A_678 = arith.addi %mul3A_675, %add3A_677 : vector<16xi32>
      %gather3A_679 = tpu.vector_load_idx %arg8[%add3A_678] : memref<20000xf32, #tpu.memory_space<vmem>>[vector<16xi32>], vector<16xf32>,
      %swap3A_680 = arith.constant 0 : i32
      %swap3A_681 = arith.index_cast %swap3A_680 : i32 to index
      %swap3A_682 = arith.constant 144 : index
      %swap3A_683 = tpu.vector_load %arg11[%swap3A_681, %swap3A_682] {strides = array<i32>} : memref<4x256xf32, #tpu.memory_space<vmem>>, vector<16xf32>,
      tpu.vector_store %arg11[%swap3A_681, %swap3A_682], %gather3A_679 {strides = array<i32>} : memref<4x256xf32, #tpu.memory_space<vmem>>, vector<16xf32>,
      %add3A_684 = arith.constant 0 : i32
      %add3A_685 = vector.broadcast %add3A_684 : i32 to vector<16xi32>
      %add3A_686 = arith.addi %mul3A_665, %add3A_685 : vector<16xi32>
      tpu.vector_store_idx %arg10[%add3A_686], %gather3A_679 : memref<1024xf32, #tpu.memory_space<vmem>>[vector<16xi32>], vector<16xf32>,
      %mul3A_687 = arith.constant 4 : i32
      %mul3A_688 = vector.broadcast %mul3A_687 : i32 to vector<16xi32>
      %mul3A_689 = arith.muli %get3A_658, %mul3A_688 : vector<16xi32>
      %add3A_690 = arith.constant 1 : i32
      %add3A_691 = vector.broadcast %add3A_690 : i32 to vector<16xi32>
      %add3A_692 = arith.addi %mul3A_689, %add3A_691 : vector<16xi32>
      %gather3A_693 = tpu.vector_load_idx %arg8[%add3A_692] : memref<20000xf32, #tpu.memory_space<vmem>>[vector<16xi32>], vector<16xf32>,
      %swap3A_694 = arith.constant 1 : i32
      %swap3A_695 = arith.index_cast %swap3A_694 : i32 to index
      %swap3A_696 = arith.constant 144 : index
      %swap3A_697 = tpu.vector_load %arg11[%swap3A_695, %swap3A_696] {strides = array<i32>} : memref<4x256xf32, #tpu.memory_space<vmem>>, vector<16xf32>,
      tpu.vector_store %arg11[%swap3A_695, %swap3A_696], %gather3A_693 {strides = array<i32>} : memref<4x256xf32, #tpu.memory_space<vmem>>, vector<16xf32>,
      %add3A_698 = arith.constant 1 : i32
      %add3A_699 = vector.broadcast %add3A_698 : i32 to vector<16xi32>
      %add3A_700 = arith.addi %mul3A_665, %add3A_699 : vector<16xi32>
      tpu.vector_store_idx %arg10[%add3A_700], %gather3A_693 : memref<1024xf32, #tpu.memory_space<vmem>>[vector<16xi32>], vector<16xf32>,
      %mul3A_701 = arith.constant 4 : i32
      %mul3A_702 = vector.broadcast %mul3A_701 : i32 to vector<16xi32>
      %mul3A_703 = arith.muli %get3A_658, %mul3A_702 : vector<16xi32>
      %add3A_704 = arith.constant 2 : i32
      %add3A_705 = vector.broadcast %add3A_704 : i32 to vector<16xi32>
      %add3A_706 = arith.addi %mul3A_703, %add3A_705 : vector<16xi32>
      %gather3A_707 = tpu.vector_load_idx %arg8[%add3A_706] : memref<20000xf32, #tpu.memory_space<vmem>>[vector<16xi32>], vector<16xf32>,
      %swap3A_708 = arith.constant 2 : i32
      %swap3A_709 = arith.index_cast %swap3A_708 : i32 to index
      %swap3A_710 = arith.constant 144 : index
      %swap3A_711 = tpu.vector_load %arg11[%swap3A_709, %swap3A_710] {strides = array<i32>} : memref<4x256xf32, #tpu.memory_space<vmem>>, vector<16xf32>,
      tpu.vector_store %arg11[%swap3A_709, %swap3A_710], %gather3A_707 {strides = array<i32>} : memref<4x256xf32, #tpu.memory_space<vmem>>, vector<16xf32>,
      %add3A_712 = arith.constant 2 : i32
      %add3A_713 = vector.broadcast %add3A_712 : i32 to vector<16xi32>
      %add3A_714 = arith.addi %mul3A_665, %add3A_713 : vector<16xi32>
      tpu.vector_store_idx %arg10[%add3A_714], %gather3A_707 : memref<1024xf32, #tpu.memory_space<vmem>>[vector<16xi32>], vector<16xf32>,
      %mul3A_715 = arith.constant 4 : i32
      %mul3A_716 = vector.broadcast %mul3A_715 : i32 to vector<16xi32>
      %mul3A_717 = arith.muli %get3A_658, %mul3A_716 : vector<16xi32>
      %add3A_718 = arith.constant 3 : i32
      %add3A_719 = vector.broadcast %add3A_718 : i32 to vector<16xi32>
      %add3A_720 = arith.addi %mul3A_717, %add3A_719 : vector<16xi32>
      %gather3A_721 = tpu.vector_load_idx %arg8[%add3A_720] : memref<20000xf32, #tpu.memory_space<vmem>>[vector<16xi32>], vector<16xf32>,
      %swap3A_722 = arith.constant 3 : i32
      %swap3A_723 = arith.index_cast %swap3A_722 : i32 to index
      %swap3A_724 = arith.constant 144 : index
      %swap3A_725 = tpu.vector_load %arg11[%swap3A_723, %swap3A_724] {strides = array<i32>} : memref<4x256xf32, #tpu.memory_space<vmem>>, vector<16xf32>,
      tpu.vector_store %arg11[%swap3A_723, %swap3A_724], %gather3A_721 {strides = array<i32>} : memref<4x256xf32, #tpu.memory_space<vmem>>, vector<16xf32>,
      %add3A_726 = arith.constant 3 : i32
      %add3A_727 = vector.broadcast %add3A_726 : i32 to vector<16xi32>
      %add3A_728 = arith.addi %mul3A_665, %add3A_727 : vector<16xi32>
      tpu.vector_store_idx %arg10[%add3A_728], %gather3A_721 : memref<1024xf32, #tpu.memory_space<vmem>>[vector<16xi32>], vector<16xf32>,
      %get3A_729 = arith.constant 160 : index
      %get3A_730 = tpu.vector_load %arg9[%get3A_729] {strides = array<i32>} : memref<256xi32, #tpu.memory_space<vmem>>, vector<16xi32>,
      %iota3A_731 = tpu.iota {dimensions = array<i32: 0>} : vector<16xi32>
      %add3A_732 = arith.constant 160 : i32
      %add3A_733 = vector.broadcast %add3A_732 : i32 to vector<16xi32>
      %add3A_734 = arith.addi %iota3A_731, %add3A_733 : vector<16xi32>
      %mul3A_735 = arith.constant 4 : i32
      %mul3A_736 = vector.broadcast %mul3A_735 : i32 to vector<16xi32>
      %mul3A_737 = arith.muli %add3A_734, %mul3A_736 : vector<16xi32>
      %get3A_738 = arith.constant 160 : index
      %get3A_739 = tpu.vector_load %arg12[%get3A_738] {strides = array<i32>} : memref<256xf32, #tpu.memory_space<vmem>>, vector<16xf32>,
      %neg3A_740 = arith.constant 0.000000e+00 : f32
      %neg3A_741 = vector.broadcast %neg3A_740 : f32 to vector<16xf32>
      %neg3A_742 = arith.subf %neg3A_741, %get3A_739 : vector<16xf32>
      %swap3A_743 = arith.constant 160 : index
      %swap3A_744 = tpu.vector_load %arg12[%swap3A_743] {strides = array<i32>} : memref<256xf32, #tpu.memory_space<vmem>>, vector<16xf32>,
      tpu.vector_store %arg12[%swap3A_743], %neg3A_742 {strides = array<i32>} : memref<256xf32, #tpu.memory_space<vmem>>, vector<16xf32>,
      %mul3A_745 = arith.constant 4 : i32
      %mul3A_746 = vector.broadcast %mul3A_745 : i32 to vector<16xi32>
      %mul3A_747 = arith.muli %get3A_730, %mul3A_746 : vector<16xi32>
      %add3A_748 = arith.constant 0 : i32
      %add3A_749 = vector.broadcast %add3A_748 : i32 to vector<16xi32>
      %add3A_750 = arith.addi %mul3A_747, %add3A_749 : vector<16xi32>
      %gather3A_751 = tpu.vector_load_idx %arg8[%add3A_750] : memref<20000xf32, #tpu.memory_space<vmem>>[vector<16xi32>], vector<16xf32>,
      %swap3A_752 = arith.constant 0 : i32
      %swap3A_753 = arith.index_cast %swap3A_752 : i32 to index
      %swap3A_754 = arith.constant 160 : index
      %swap3A_755 = tpu.vector_load %arg11[%swap3A_753, %swap3A_754] {strides = array<i32>} : memref<4x256xf32, #tpu.memory_space<vmem>>, vector<16xf32>,
      tpu.vector_store %arg11[%swap3A_753, %swap3A_754], %gather3A_751 {strides = array<i32>} : memref<4x256xf32, #tpu.memory_space<vmem>>, vector<16xf32>,
      %add3A_756 = arith.constant 0 : i32
      %add3A_757 = vector.broadcast %add3A_756 : i32 to vector<16xi32>
      %add3A_758 = arith.addi %mul3A_737, %add3A_757 : vector<16xi32>
      tpu.vector_store_idx %arg10[%add3A_758], %gather3A_751 : memref<1024xf32, #tpu.memory_space<vmem>>[vector<16xi32>], vector<16xf32>,
      %mul3A_759 = arith.constant 4 : i32
      %mul3A_760 = vector.broadcast %mul3A_759 : i32 to vector<16xi32>
      %mul3A_761 = arith.muli %get3A_730, %mul3A_760 : vector<16xi32>
      %add3A_762 = arith.constant 1 : i32
      %add3A_763 = vector.broadcast %add3A_762 : i32 to vector<16xi32>
      %add3A_764 = arith.addi %mul3A_761, %add3A_763 : vector<16xi32>
      %gather3A_765 = tpu.vector_load_idx %arg8[%add3A_764] : memref<20000xf32, #tpu.memory_space<vmem>>[vector<16xi32>], vector<16xf32>,
      %swap3A_766 = arith.constant 1 : i32
      %swap3A_767 = arith.index_cast %swap3A_766 : i32 to index
      %swap3A_768 = arith.constant 160 : index
      %swap3A_769 = tpu.vector_load %arg11[%swap3A_767, %swap3A_768] {strides = array<i32>} : memref<4x256xf32, #tpu.memory_space<vmem>>, vector<16xf32>,
      tpu.vector_store %arg11[%swap3A_767, %swap3A_768], %gather3A_765 {strides = array<i32>} : memref<4x256xf32, #tpu.memory_space<vmem>>, vector<16xf32>,
      %add3A_770 = arith.constant 1 : i32
      %add3A_771 = vector.broadcast %add3A_770 : i32 to vector<16xi32>
      %add3A_772 = arith.addi %mul3A_737, %add3A_771 : vector<16xi32>
      tpu.vector_store_idx %arg10[%add3A_772], %gather3A_765 : memref<1024xf32, #tpu.memory_space<vmem>>[vector<16xi32>], vector<16xf32>,
      %mul3A_773 = arith.constant 4 : i32
      %mul3A_774 = vector.broadcast %mul3A_773 : i32 to vector<16xi32>
      %mul3A_775 = arith.muli %get3A_730, %mul3A_774 : vector<16xi32>
      %add3A_776 = arith.constant 2 : i32
      %add3A_777 = vector.broadcast %add3A_776 : i32 to vector<16xi32>
      %add3A_778 = arith.addi %mul3A_775, %add3A_777 : vector<16xi32>
      %gather3A_779 = tpu.vector_load_idx %arg8[%add3A_778] : memref<20000xf32, #tpu.memory_space<vmem>>[vector<16xi32>], vector<16xf32>,
      %swap3A_780 = arith.constant 2 : i32
      %swap3A_781 = arith.index_cast %swap3A_780 : i32 to index
      %swap3A_782 = arith.constant 160 : index
      %swap3A_783 = tpu.vector_load %arg11[%swap3A_781, %swap3A_782] {strides = array<i32>} : memref<4x256xf32, #tpu.memory_space<vmem>>, vector<16xf32>,
      tpu.vector_store %arg11[%swap3A_781, %swap3A_782], %gather3A_779 {strides = array<i32>} : memref<4x256xf32, #tpu.memory_space<vmem>>, vector<16xf32>,
      %add3A_784 = arith.constant 2 : i32
      %add3A_785 = vector.broadcast %add3A_784 : i32 to vector<16xi32>
      %add3A_786 = arith.addi %mul3A_737, %add3A_785 : vector<16xi32>
      tpu.vector_store_idx %arg10[%add3A_786], %gather3A_779 : memref<1024xf32, #tpu.memory_space<vmem>>[vector<16xi32>], vector<16xf32>,
      %mul3A_787 = arith.constant 4 : i32
      %mul3A_788 = vector.broadcast %mul3A_787 : i32 to vector<16xi32>
      %mul3A_789 = arith.muli %get3A_730, %mul3A_788 : vector<16xi32>
      %add3A_790 = arith.constant 3 : i32
      %add3A_791 = vector.broadcast %add3A_790 : i32 to vector<16xi32>
      %add3A_792 = arith.addi %mul3A_789, %add3A_791 : vector<16xi32>
      %gather3A_793 = tpu.vector_load_idx %arg8[%add3A_792] : memref<20000xf32, #tpu.memory_space<vmem>>[vector<16xi32>], vector<16xf32>,
      %swap3A_794 = arith.constant 3 : i32
      %swap3A_795 = arith.index_cast %swap3A_794 : i32 to index
      %swap3A_796 = arith.constant 160 : index
      %swap3A_797 = tpu.vector_load %arg11[%swap3A_795, %swap3A_796] {strides = array<i32>} : memref<4x256xf32, #tpu.memory_space<vmem>>, vector<16xf32>,
      tpu.vector_store %arg11[%swap3A_795, %swap3A_796], %gather3A_793 {strides = array<i32>} : memref<4x256xf32, #tpu.memory_space<vmem>>, vector<16xf32>,
      %add3A_798 = arith.constant 3 : i32
      %add3A_799 = vector.broadcast %add3A_798 : i32 to vector<16xi32>
      %add3A_800 = arith.addi %mul3A_737, %add3A_799 : vector<16xi32>
      tpu.vector_store_idx %arg10[%add3A_800], %gather3A_793 : memref<1024xf32, #tpu.memory_space<vmem>>[vector<16xi32>], vector<16xf32>,
      %get3A_801 = arith.constant 176 : index
      %get3A_802 = tpu.vector_load %arg9[%get3A_801] {strides = array<i32>} : memref<256xi32, #tpu.memory_space<vmem>>, vector<16xi32>,
      %iota3A_803 = tpu.iota {dimensions = array<i32: 0>} : vector<16xi32>
      %add3A_804 = arith.constant 176 : i32
      %add3A_805 = vector.broadcast %add3A_804 : i32 to vector<16xi32>
      %add3A_806 = arith.addi %iota3A_803, %add3A_805 : vector<16xi32>
      %mul3A_807 = arith.constant 4 : i32
      %mul3A_808 = vector.broadcast %mul3A_807 : i32 to vector<16xi32>
      %mul3A_809 = arith.muli %add3A_806, %mul3A_808 : vector<16xi32>
      %get3A_810 = arith.constant 176 : index
      %get3A_811 = tpu.vector_load %arg12[%get3A_810] {strides = array<i32>} : memref<256xf32, #tpu.memory_space<vmem>>, vector<16xf32>,
      %neg3A_812 = arith.constant 0.000000e+00 : f32
      %neg3A_813 = vector.broadcast %neg3A_812 : f32 to vector<16xf32>
      %neg3A_814 = arith.subf %neg3A_813, %get3A_811 : vector<16xf32>
      %swap3A_815 = arith.constant 176 : index
      %swap3A_816 = tpu.vector_load %arg12[%swap3A_815] {strides = array<i32>} : memref<256xf32, #tpu.memory_space<vmem>>, vector<16xf32>,
      tpu.vector_store %arg12[%swap3A_815], %neg3A_814 {strides = array<i32>} : memref<256xf32, #tpu.memory_space<vmem>>, vector<16xf32>,
      %mul3A_817 = arith.constant 4 : i32
      %mul3A_818 = vector.broadcast %mul3A_817 : i32 to vector<16xi32>
      %mul3A_819 = arith.muli %get3A_802, %mul3A_818 : vector<16xi32>
      %add3A_820 = arith.constant 0 : i32
      %add3A_821 = vector.broadcast %add3A_820 : i32 to vector<16xi32>
      %add3A_822 = arith.addi %mul3A_819, %add3A_821 : vector<16xi32>
      %gather3A_823 = tpu.vector_load_idx %arg8[%add3A_822] : memref<20000xf32, #tpu.memory_space<vmem>>[vector<16xi32>], vector<16xf32>,
      %swap3A_824 = arith.constant 0 : i32
      %swap3A_825 = arith.index_cast %swap3A_824 : i32 to index
      %swap3A_826 = arith.constant 176 : index
      %swap3A_827 = tpu.vector_load %arg11[%swap3A_825, %swap3A_826] {strides = array<i32>} : memref<4x256xf32, #tpu.memory_space<vmem>>, vector<16xf32>,
      tpu.vector_store %arg11[%swap3A_825, %swap3A_826], %gather3A_823 {strides = array<i32>} : memref<4x256xf32, #tpu.memory_space<vmem>>, vector<16xf32>,
      %add3A_828 = arith.constant 0 : i32
      %add3A_829 = vector.broadcast %add3A_828 : i32 to vector<16xi32>
      %add3A_830 = arith.addi %mul3A_809, %add3A_829 : vector<16xi32>
      tpu.vector_store_idx %arg10[%add3A_830], %gather3A_823 : memref<1024xf32, #tpu.memory_space<vmem>>[vector<16xi32>], vector<16xf32>,
      %mul3A_831 = arith.constant 4 : i32
      %mul3A_832 = vector.broadcast %mul3A_831 : i32 to vector<16xi32>
      %mul3A_833 = arith.muli %get3A_802, %mul3A_832 : vector<16xi32>
      %add3A_834 = arith.constant 1 : i32
      %add3A_835 = vector.broadcast %add3A_834 : i32 to vector<16xi32>
      %add3A_836 = arith.addi %mul3A_833, %add3A_835 : vector<16xi32>
      %gather3A_837 = tpu.vector_load_idx %arg8[%add3A_836] : memref<20000xf32, #tpu.memory_space<vmem>>[vector<16xi32>], vector<16xf32>,
      %swap3A_838 = arith.constant 1 : i32
      %swap3A_839 = arith.index_cast %swap3A_838 : i32 to index
      %swap3A_840 = arith.constant 176 : index
      %swap3A_841 = tpu.vector_load %arg11[%swap3A_839, %swap3A_840] {strides = array<i32>} : memref<4x256xf32, #tpu.memory_space<vmem>>, vector<16xf32>,
      tpu.vector_store %arg11[%swap3A_839, %swap3A_840], %gather3A_837 {strides = array<i32>} : memref<4x256xf32, #tpu.memory_space<vmem>>, vector<16xf32>,
      %add3A_842 = arith.constant 1 : i32
      %add3A_843 = vector.broadcast %add3A_842 : i32 to vector<16xi32>
      %add3A_844 = arith.addi %mul3A_809, %add3A_843 : vector<16xi32>
      tpu.vector_store_idx %arg10[%add3A_844], %gather3A_837 : memref<1024xf32, #tpu.memory_space<vmem>>[vector<16xi32>], vector<16xf32>,
      %mul3A_845 = arith.constant 4 : i32
      %mul3A_846 = vector.broadcast %mul3A_845 : i32 to vector<16xi32>
      %mul3A_847 = arith.muli %get3A_802, %mul3A_846 : vector<16xi32>
      %add3A_848 = arith.constant 2 : i32
      %add3A_849 = vector.broadcast %add3A_848 : i32 to vector<16xi32>
      %add3A_850 = arith.addi %mul3A_847, %add3A_849 : vector<16xi32>
      %gather3A_851 = tpu.vector_load_idx %arg8[%add3A_850] : memref<20000xf32, #tpu.memory_space<vmem>>[vector<16xi32>], vector<16xf32>,
      %swap3A_852 = arith.constant 2 : i32
      %swap3A_853 = arith.index_cast %swap3A_852 : i32 to index
      %swap3A_854 = arith.constant 176 : index
      %swap3A_855 = tpu.vector_load %arg11[%swap3A_853, %swap3A_854] {strides = array<i32>} : memref<4x256xf32, #tpu.memory_space<vmem>>, vector<16xf32>,
      tpu.vector_store %arg11[%swap3A_853, %swap3A_854], %gather3A_851 {strides = array<i32>} : memref<4x256xf32, #tpu.memory_space<vmem>>, vector<16xf32>,
      %add3A_856 = arith.constant 2 : i32
      %add3A_857 = vector.broadcast %add3A_856 : i32 to vector<16xi32>
      %add3A_858 = arith.addi %mul3A_809, %add3A_857 : vector<16xi32>
      tpu.vector_store_idx %arg10[%add3A_858], %gather3A_851 : memref<1024xf32, #tpu.memory_space<vmem>>[vector<16xi32>], vector<16xf32>,
      %mul3A_859 = arith.constant 4 : i32
      %mul3A_860 = vector.broadcast %mul3A_859 : i32 to vector<16xi32>
      %mul3A_861 = arith.muli %get3A_802, %mul3A_860 : vector<16xi32>
      %add3A_862 = arith.constant 3 : i32
      %add3A_863 = vector.broadcast %add3A_862 : i32 to vector<16xi32>
      %add3A_864 = arith.addi %mul3A_861, %add3A_863 : vector<16xi32>
      %gather3A_865 = tpu.vector_load_idx %arg8[%add3A_864] : memref<20000xf32, #tpu.memory_space<vmem>>[vector<16xi32>], vector<16xf32>,
      %swap3A_866 = arith.constant 3 : i32
      %swap3A_867 = arith.index_cast %swap3A_866 : i32 to index
      %swap3A_868 = arith.constant 176 : index
      %swap3A_869 = tpu.vector_load %arg11[%swap3A_867, %swap3A_868] {strides = array<i32>} : memref<4x256xf32, #tpu.memory_space<vmem>>, vector<16xf32>,
      tpu.vector_store %arg11[%swap3A_867, %swap3A_868], %gather3A_865 {strides = array<i32>} : memref<4x256xf32, #tpu.memory_space<vmem>>, vector<16xf32>,
      %add3A_870 = arith.constant 3 : i32
      %add3A_871 = vector.broadcast %add3A_870 : i32 to vector<16xi32>
      %add3A_872 = arith.addi %mul3A_809, %add3A_871 : vector<16xi32>
      tpu.vector_store_idx %arg10[%add3A_872], %gather3A_865 : memref<1024xf32, #tpu.memory_space<vmem>>[vector<16xi32>], vector<16xf32>,
      %get3A_873 = arith.constant 192 : index
      %get3A_874 = tpu.vector_load %arg9[%get3A_873] {strides = array<i32>} : memref<256xi32, #tpu.memory_space<vmem>>, vector<16xi32>,
      %iota3A_875 = tpu.iota {dimensions = array<i32: 0>} : vector<16xi32>
      %add3A_876 = arith.constant 192 : i32
      %add3A_877 = vector.broadcast %add3A_876 : i32 to vector<16xi32>
      %add3A_878 = arith.addi %iota3A_875, %add3A_877 : vector<16xi32>
      %mul3A_879 = arith.constant 4 : i32
      %mul3A_880 = vector.broadcast %mul3A_879 : i32 to vector<16xi32>
      %mul3A_881 = arith.muli %add3A_878, %mul3A_880 : vector<16xi32>
      %get3A_882 = arith.constant 192 : index
      %get3A_883 = tpu.vector_load %arg12[%get3A_882] {strides = array<i32>} : memref<256xf32, #tpu.memory_space<vmem>>, vector<16xf32>,
      %neg3A_884 = arith.constant 0.000000e+00 : f32
      %neg3A_885 = vector.broadcast %neg3A_884 : f32 to vector<16xf32>
      %neg3A_886 = arith.subf %neg3A_885, %get3A_883 : vector<16xf32>
      %swap3A_887 = arith.constant 192 : index
      %swap3A_888 = tpu.vector_load %arg12[%swap3A_887] {strides = array<i32>} : memref<256xf32, #tpu.memory_space<vmem>>, vector<16xf32>,
      tpu.vector_store %arg12[%swap3A_887], %neg3A_886 {strides = array<i32>} : memref<256xf32, #tpu.memory_space<vmem>>, vector<16xf32>,
      %mul3A_889 = arith.constant 4 : i32
      %mul3A_890 = vector.broadcast %mul3A_889 : i32 to vector<16xi32>
      %mul3A_891 = arith.muli %get3A_874, %mul3A_890 : vector<16xi32>
      %add3A_892 = arith.constant 0 : i32
      %add3A_893 = vector.broadcast %add3A_892 : i32 to vector<16xi32>
      %add3A_894 = arith.addi %mul3A_891, %add3A_893 : vector<16xi32>
      %gather3A_895 = tpu.vector_load_idx %arg8[%add3A_894] : memref<20000xf32, #tpu.memory_space<vmem>>[vector<16xi32>], vector<16xf32>,
      %swap3A_896 = arith.constant 0 : i32
      %swap3A_897 = arith.index_cast %swap3A_896 : i32 to index
      %swap3A_898 = arith.constant 192 : index
      %swap3A_899 = tpu.vector_load %arg11[%swap3A_897, %swap3A_898] {strides = array<i32>} : memref<4x256xf32, #tpu.memory_space<vmem>>, vector<16xf32>,
      tpu.vector_store %arg11[%swap3A_897, %swap3A_898], %gather3A_895 {strides = array<i32>} : memref<4x256xf32, #tpu.memory_space<vmem>>, vector<16xf32>,
      %add3A_900 = arith.constant 0 : i32
      %add3A_901 = vector.broadcast %add3A_900 : i32 to vector<16xi32>
      %add3A_902 = arith.addi %mul3A_881, %add3A_901 : vector<16xi32>
      tpu.vector_store_idx %arg10[%add3A_902], %gather3A_895 : memref<1024xf32, #tpu.memory_space<vmem>>[vector<16xi32>], vector<16xf32>,
      %mul3A_903 = arith.constant 4 : i32
      %mul3A_904 = vector.broadcast %mul3A_903 : i32 to vector<16xi32>
      %mul3A_905 = arith.muli %get3A_874, %mul3A_904 : vector<16xi32>
      %add3A_906 = arith.constant 1 : i32
      %add3A_907 = vector.broadcast %add3A_906 : i32 to vector<16xi32>
      %add3A_908 = arith.addi %mul3A_905, %add3A_907 : vector<16xi32>
      %gather3A_909 = tpu.vector_load_idx %arg8[%add3A_908] : memref<20000xf32, #tpu.memory_space<vmem>>[vector<16xi32>], vector<16xf32>,
      %swap3A_910 = arith.constant 1 : i32
      %swap3A_911 = arith.index_cast %swap3A_910 : i32 to index
      %swap3A_912 = arith.constant 192 : index
      %swap3A_913 = tpu.vector_load %arg11[%swap3A_911, %swap3A_912] {strides = array<i32>} : memref<4x256xf32, #tpu.memory_space<vmem>>, vector<16xf32>,
      tpu.vector_store %arg11[%swap3A_911, %swap3A_912], %gather3A_909 {strides = array<i32>} : memref<4x256xf32, #tpu.memory_space<vmem>>, vector<16xf32>,
      %add3A_914 = arith.constant 1 : i32
      %add3A_915 = vector.broadcast %add3A_914 : i32 to vector<16xi32>
      %add3A_916 = arith.addi %mul3A_881, %add3A_915 : vector<16xi32>
      tpu.vector_store_idx %arg10[%add3A_916], %gather3A_909 : memref<1024xf32, #tpu.memory_space<vmem>>[vector<16xi32>], vector<16xf32>,
      %mul3A_917 = arith.constant 4 : i32
      %mul3A_918 = vector.broadcast %mul3A_917 : i32 to vector<16xi32>
      %mul3A_919 = arith.muli %get3A_874, %mul3A_918 : vector<16xi32>
      %add3A_920 = arith.constant 2 : i32
      %add3A_921 = vector.broadcast %add3A_920 : i32 to vector<16xi32>
      %add3A_922 = arith.addi %mul3A_919, %add3A_921 : vector<16xi32>
      %gather3A_923 = tpu.vector_load_idx %arg8[%add3A_922] : memref<20000xf32, #tpu.memory_space<vmem>>[vector<16xi32>], vector<16xf32>,
      %swap3A_924 = arith.constant 2 : i32
      %swap3A_925 = arith.index_cast %swap3A_924 : i32 to index
      %swap3A_926 = arith.constant 192 : index
      %swap3A_927 = tpu.vector_load %arg11[%swap3A_925, %swap3A_926] {strides = array<i32>} : memref<4x256xf32, #tpu.memory_space<vmem>>, vector<16xf32>,
      tpu.vector_store %arg11[%swap3A_925, %swap3A_926], %gather3A_923 {strides = array<i32>} : memref<4x256xf32, #tpu.memory_space<vmem>>, vector<16xf32>,
      %add3A_928 = arith.constant 2 : i32
      %add3A_929 = vector.broadcast %add3A_928 : i32 to vector<16xi32>
      %add3A_930 = arith.addi %mul3A_881, %add3A_929 : vector<16xi32>
      tpu.vector_store_idx %arg10[%add3A_930], %gather3A_923 : memref<1024xf32, #tpu.memory_space<vmem>>[vector<16xi32>], vector<16xf32>,
      %mul3A_931 = arith.constant 4 : i32
      %mul3A_932 = vector.broadcast %mul3A_931 : i32 to vector<16xi32>
      %mul3A_933 = arith.muli %get3A_874, %mul3A_932 : vector<16xi32>
      %add3A_934 = arith.constant 3 : i32
      %add3A_935 = vector.broadcast %add3A_934 : i32 to vector<16xi32>
      %add3A_936 = arith.addi %mul3A_933, %add3A_935 : vector<16xi32>
      %gather3A_937 = tpu.vector_load_idx %arg8[%add3A_936] : memref<20000xf32, #tpu.memory_space<vmem>>[vector<16xi32>], vector<16xf32>,
      %swap3A_938 = arith.constant 3 : i32
      %swap3A_939 = arith.index_cast %swap3A_938 : i32 to index
      %swap3A_940 = arith.constant 192 : index
      %swap3A_941 = tpu.vector_load %arg11[%swap3A_939, %swap3A_940] {strides = array<i32>} : memref<4x256xf32, #tpu.memory_space<vmem>>, vector<16xf32>,
      tpu.vector_store %arg11[%swap3A_939, %swap3A_940], %gather3A_937 {strides = array<i32>} : memref<4x256xf32, #tpu.memory_space<vmem>>, vector<16xf32>,
      %add3A_942 = arith.constant 3 : i32
      %add3A_943 = vector.broadcast %add3A_942 : i32 to vector<16xi32>
      %add3A_944 = arith.addi %mul3A_881, %add3A_943 : vector<16xi32>
      tpu.vector_store_idx %arg10[%add3A_944], %gather3A_937 : memref<1024xf32, #tpu.memory_space<vmem>>[vector<16xi32>], vector<16xf32>,
      %get3A_945 = arith.constant 208 : index
      %get3A_946 = tpu.vector_load %arg9[%get3A_945] {strides = array<i32>} : memref<256xi32, #tpu.memory_space<vmem>>, vector<16xi32>,
      %iota3A_947 = tpu.iota {dimensions = array<i32: 0>} : vector<16xi32>
      %add3A_948 = arith.constant 208 : i32
      %add3A_949 = vector.broadcast %add3A_948 : i32 to vector<16xi32>
      %add3A_950 = arith.addi %iota3A_947, %add3A_949 : vector<16xi32>
      %mul3A_951 = arith.constant 4 : i32
      %mul3A_952 = vector.broadcast %mul3A_951 : i32 to vector<16xi32>
      %mul3A_953 = arith.muli %add3A_950, %mul3A_952 : vector<16xi32>
      %get3A_954 = arith.constant 208 : index
      %get3A_955 = tpu.vector_load %arg12[%get3A_954] {strides = array<i32>} : memref<256xf32, #tpu.memory_space<vmem>>, vector<16xf32>,
      %neg3A_956 = arith.constant 0.000000e+00 : f32
      %neg3A_957 = vector.broadcast %neg3A_956 : f32 to vector<16xf32>
      %neg3A_958 = arith.subf %neg3A_957, %get3A_955 : vector<16xf32>
      %swap3A_959 = arith.constant 208 : index
      %swap3A_960 = tpu.vector_load %arg12[%swap3A_959] {strides = array<i32>} : memref<256xf32, #tpu.memory_space<vmem>>, vector<16xf32>,
      tpu.vector_store %arg12[%swap3A_959], %neg3A_958 {strides = array<i32>} : memref<256xf32, #tpu.memory_space<vmem>>, vector<16xf32>,
      %mul3A_961 = arith.constant 4 : i32
      %mul3A_962 = vector.broadcast %mul3A_961 : i32 to vector<16xi32>
      %mul3A_963 = arith.muli %get3A_946, %mul3A_962 : vector<16xi32>
      %add3A_964 = arith.constant 0 : i32
      %add3A_965 = vector.broadcast %add3A_964 : i32 to vector<16xi32>
      %add3A_966 = arith.addi %mul3A_963, %add3A_965 : vector<16xi32>
      %gather3A_967 = tpu.vector_load_idx %arg8[%add3A_966] : memref<20000xf32, #tpu.memory_space<vmem>>[vector<16xi32>], vector<16xf32>,
      %swap3A_968 = arith.constant 0 : i32
      %swap3A_969 = arith.index_cast %swap3A_968 : i32 to index
      %swap3A_970 = arith.constant 208 : index
      %swap3A_971 = tpu.vector_load %arg11[%swap3A_969, %swap3A_970] {strides = array<i32>} : memref<4x256xf32, #tpu.memory_space<vmem>>, vector<16xf32>,
      tpu.vector_store %arg11[%swap3A_969, %swap3A_970], %gather3A_967 {strides = array<i32>} : memref<4x256xf32, #tpu.memory_space<vmem>>, vector<16xf32>,
      %add3A_972 = arith.constant 0 : i32
      %add3A_973 = vector.broadcast %add3A_972 : i32 to vector<16xi32>
      %add3A_974 = arith.addi %mul3A_953, %add3A_973 : vector<16xi32>
      tpu.vector_store_idx %arg10[%add3A_974], %gather3A_967 : memref<1024xf32, #tpu.memory_space<vmem>>[vector<16xi32>], vector<16xf32>,
      %mul3A_975 = arith.constant 4 : i32
      %mul3A_976 = vector.broadcast %mul3A_975 : i32 to vector<16xi32>
      %mul3A_977 = arith.muli %get3A_946, %mul3A_976 : vector<16xi32>
      %add3A_978 = arith.constant 1 : i32
      %add3A_979 = vector.broadcast %add3A_978 : i32 to vector<16xi32>
      %add3A_980 = arith.addi %mul3A_977, %add3A_979 : vector<16xi32>
      %gather3A_981 = tpu.vector_load_idx %arg8[%add3A_980] : memref<20000xf32, #tpu.memory_space<vmem>>[vector<16xi32>], vector<16xf32>,
      %swap3A_982 = arith.constant 1 : i32
      %swap3A_983 = arith.index_cast %swap3A_982 : i32 to index
      %swap3A_984 = arith.constant 208 : index
      %swap3A_985 = tpu.vector_load %arg11[%swap3A_983, %swap3A_984] {strides = array<i32>} : memref<4x256xf32, #tpu.memory_space<vmem>>, vector<16xf32>,
      tpu.vector_store %arg11[%swap3A_983, %swap3A_984], %gather3A_981 {strides = array<i32>} : memref<4x256xf32, #tpu.memory_space<vmem>>, vector<16xf32>,
      %add3A_986 = arith.constant 1 : i32
      %add3A_987 = vector.broadcast %add3A_986 : i32 to vector<16xi32>
      %add3A_988 = arith.addi %mul3A_953, %add3A_987 : vector<16xi32>
      tpu.vector_store_idx %arg10[%add3A_988], %gather3A_981 : memref<1024xf32, #tpu.memory_space<vmem>>[vector<16xi32>], vector<16xf32>,
      %mul3A_989 = arith.constant 4 : i32
      %mul3A_990 = vector.broadcast %mul3A_989 : i32 to vector<16xi32>
      %mul3A_991 = arith.muli %get3A_946, %mul3A_990 : vector<16xi32>
      %add3A_992 = arith.constant 2 : i32
      %add3A_993 = vector.broadcast %add3A_992 : i32 to vector<16xi32>
      %add3A_994 = arith.addi %mul3A_991, %add3A_993 : vector<16xi32>
      %gather3A_995 = tpu.vector_load_idx %arg8[%add3A_994] : memref<20000xf32, #tpu.memory_space<vmem>>[vector<16xi32>], vector<16xf32>,
      %swap3A_996 = arith.constant 2 : i32
      %swap3A_997 = arith.index_cast %swap3A_996 : i32 to index
      %swap3A_998 = arith.constant 208 : index
      %swap3A_999 = tpu.vector_load %arg11[%swap3A_997, %swap3A_998] {strides = array<i32>} : memref<4x256xf32, #tpu.memory_space<vmem>>, vector<16xf32>,
      tpu.vector_store %arg11[%swap3A_997, %swap3A_998], %gather3A_995 {strides = array<i32>} : memref<4x256xf32, #tpu.memory_space<vmem>>, vector<16xf32>,
      %add3A_1000 = arith.constant 2 : i32
      %add3A_1001 = vector.broadcast %add3A_1000 : i32 to vector<16xi32>
      %add3A_1002 = arith.addi %mul3A_953, %add3A_1001 : vector<16xi32>
      tpu.vector_store_idx %arg10[%add3A_1002], %gather3A_995 : memref<1024xf32, #tpu.memory_space<vmem>>[vector<16xi32>], vector<16xf32>,
      %mul3A_1003 = arith.constant 4 : i32
      %mul3A_1004 = vector.broadcast %mul3A_1003 : i32 to vector<16xi32>
      %mul3A_1005 = arith.muli %get3A_946, %mul3A_1004 : vector<16xi32>
      %add3A_1006 = arith.constant 3 : i32
      %add3A_1007 = vector.broadcast %add3A_1006 : i32 to vector<16xi32>
      %add3A_1008 = arith.addi %mul3A_1005, %add3A_1007 : vector<16xi32>
      %gather3A_1009 = tpu.vector_load_idx %arg8[%add3A_1008] : memref<20000xf32, #tpu.memory_space<vmem>>[vector<16xi32>], vector<16xf32>,
      %swap3A_1010 = arith.constant 3 : i32
      %swap3A_1011 = arith.index_cast %swap3A_1010 : i32 to index
      %swap3A_1012 = arith.constant 208 : index
      %swap3A_1013 = tpu.vector_load %arg11[%swap3A_1011, %swap3A_1012] {strides = array<i32>} : memref<4x256xf32, #tpu.memory_space<vmem>>, vector<16xf32>,
      tpu.vector_store %arg11[%swap3A_1011, %swap3A_1012], %gather3A_1009 {strides = array<i32>} : memref<4x256xf32, #tpu.memory_space<vmem>>, vector<16xf32>,
      %add3A_1014 = arith.constant 3 : i32
      %add3A_1015 = vector.broadcast %add3A_1014 : i32 to vector<16xi32>
      %add3A_1016 = arith.addi %mul3A_953, %add3A_1015 : vector<16xi32>
      tpu.vector_store_idx %arg10[%add3A_1016], %gather3A_1009 : memref<1024xf32, #tpu.memory_space<vmem>>[vector<16xi32>], vector<16xf32>,
      %get3A_1017 = arith.constant 224 : index
      %get3A_1018 = tpu.vector_load %arg9[%get3A_1017] {strides = array<i32>} : memref<256xi32, #tpu.memory_space<vmem>>, vector<16xi32>,
      %iota3A_1019 = tpu.iota {dimensions = array<i32: 0>} : vector<16xi32>
      %add3A_1020 = arith.constant 224 : i32
      %add3A_1021 = vector.broadcast %add3A_1020 : i32 to vector<16xi32>
      %add3A_1022 = arith.addi %iota3A_1019, %add3A_1021 : vector<16xi32>
      %mul3A_1023 = arith.constant 4 : i32
      %mul3A_1024 = vector.broadcast %mul3A_1023 : i32 to vector<16xi32>
      %mul3A_1025 = arith.muli %add3A_1022, %mul3A_1024 : vector<16xi32>
      %get3A_1026 = arith.constant 224 : index
      %get3A_1027 = tpu.vector_load %arg12[%get3A_1026] {strides = array<i32>} : memref<256xf32, #tpu.memory_space<vmem>>, vector<16xf32>,
      %neg3A_1028 = arith.constant 0.000000e+00 : f32
      %neg3A_1029 = vector.broadcast %neg3A_1028 : f32 to vector<16xf32>
      %neg3A_1030 = arith.subf %neg3A_1029, %get3A_1027 : vector<16xf32>
      %swap3A_1031 = arith.constant 224 : index
      %swap3A_1032 = tpu.vector_load %arg12[%swap3A_1031] {strides = array<i32>} : memref<256xf32, #tpu.memory_space<vmem>>, vector<16xf32>,
      tpu.vector_store %arg12[%swap3A_1031], %neg3A_1030 {strides = array<i32>} : memref<256xf32, #tpu.memory_space<vmem>>, vector<16xf32>,
      %mul3A_1033 = arith.constant 4 : i32
      %mul3A_1034 = vector.broadcast %mul3A_1033 : i32 to vector<16xi32>
      %mul3A_1035 = arith.muli %get3A_1018, %mul3A_1034 : vector<16xi32>
      %add3A_1036 = arith.constant 0 : i32
      %add3A_1037 = vector.broadcast %add3A_1036 : i32 to vector<16xi32>
      %add3A_1038 = arith.addi %mul3A_1035, %add3A_1037 : vector<16xi32>
      %gather3A_1039 = tpu.vector_load_idx %arg8[%add3A_1038] : memref<20000xf32, #tpu.memory_space<vmem>>[vector<16xi32>], vector<16xf32>,
      %swap3A_1040 = arith.constant 0 : i32
      %swap3A_1041 = arith.index_cast %swap3A_1040 : i32 to index
      %swap3A_1042 = arith.constant 224 : index
      %swap3A_1043 = tpu.vector_load %arg11[%swap3A_1041, %swap3A_1042] {strides = array<i32>} : memref<4x256xf32, #tpu.memory_space<vmem>>, vector<16xf32>,
      tpu.vector_store %arg11[%swap3A_1041, %swap3A_1042], %gather3A_1039 {strides = array<i32>} : memref<4x256xf32, #tpu.memory_space<vmem>>, vector<16xf32>,
      %add3A_1044 = arith.constant 0 : i32
      %add3A_1045 = vector.broadcast %add3A_1044 : i32 to vector<16xi32>
      %add3A_1046 = arith.addi %mul3A_1025, %add3A_1045 : vector<16xi32>
      tpu.vector_store_idx %arg10[%add3A_1046], %gather3A_1039 : memref<1024xf32, #tpu.memory_space<vmem>>[vector<16xi32>], vector<16xf32>,
      %mul3A_1047 = arith.constant 4 : i32
      %mul3A_1048 = vector.broadcast %mul3A_1047 : i32 to vector<16xi32>
      %mul3A_1049 = arith.muli %get3A_1018, %mul3A_1048 : vector<16xi32>
      %add3A_1050 = arith.constant 1 : i32
      %add3A_1051 = vector.broadcast %add3A_1050 : i32 to vector<16xi32>
      %add3A_1052 = arith.addi %mul3A_1049, %add3A_1051 : vector<16xi32>
      %gather3A_1053 = tpu.vector_load_idx %arg8[%add3A_1052] : memref<20000xf32, #tpu.memory_space<vmem>>[vector<16xi32>], vector<16xf32>,
      %swap3A_1054 = arith.constant 1 : i32
      %swap3A_1055 = arith.index_cast %swap3A_1054 : i32 to index
      %swap3A_1056 = arith.constant 224 : index
      %swap3A_1057 = tpu.vector_load %arg11[%swap3A_1055, %swap3A_1056] {strides = array<i32>} : memref<4x256xf32, #tpu.memory_space<vmem>>, vector<16xf32>,
      tpu.vector_store %arg11[%swap3A_1055, %swap3A_1056], %gather3A_1053 {strides = array<i32>} : memref<4x256xf32, #tpu.memory_space<vmem>>, vector<16xf32>,
      %add3A_1058 = arith.constant 1 : i32
      %add3A_1059 = vector.broadcast %add3A_1058 : i32 to vector<16xi32>
      %add3A_1060 = arith.addi %mul3A_1025, %add3A_1059 : vector<16xi32>
      tpu.vector_store_idx %arg10[%add3A_1060], %gather3A_1053 : memref<1024xf32, #tpu.memory_space<vmem>>[vector<16xi32>], vector<16xf32>,
      %mul3A_1061 = arith.constant 4 : i32
      %mul3A_1062 = vector.broadcast %mul3A_1061 : i32 to vector<16xi32>
      %mul3A_1063 = arith.muli %get3A_1018, %mul3A_1062 : vector<16xi32>
      %add3A_1064 = arith.constant 2 : i32
      %add3A_1065 = vector.broadcast %add3A_1064 : i32 to vector<16xi32>
      %add3A_1066 = arith.addi %mul3A_1063, %add3A_1065 : vector<16xi32>
      %gather3A_1067 = tpu.vector_load_idx %arg8[%add3A_1066] : memref<20000xf32, #tpu.memory_space<vmem>>[vector<16xi32>], vector<16xf32>,
      %swap3A_1068 = arith.constant 2 : i32
      %swap3A_1069 = arith.index_cast %swap3A_1068 : i32 to index
      %swap3A_1070 = arith.constant 224 : index
      %swap3A_1071 = tpu.vector_load %arg11[%swap3A_1069, %swap3A_1070] {strides = array<i32>} : memref<4x256xf32, #tpu.memory_space<vmem>>, vector<16xf32>,
      tpu.vector_store %arg11[%swap3A_1069, %swap3A_1070], %gather3A_1067 {strides = array<i32>} : memref<4x256xf32, #tpu.memory_space<vmem>>, vector<16xf32>,
      %add3A_1072 = arith.constant 2 : i32
      %add3A_1073 = vector.broadcast %add3A_1072 : i32 to vector<16xi32>
      %add3A_1074 = arith.addi %mul3A_1025, %add3A_1073 : vector<16xi32>
      tpu.vector_store_idx %arg10[%add3A_1074], %gather3A_1067 : memref<1024xf32, #tpu.memory_space<vmem>>[vector<16xi32>], vector<16xf32>,
      %mul3A_1075 = arith.constant 4 : i32
      %mul3A_1076 = vector.broadcast %mul3A_1075 : i32 to vector<16xi32>
      %mul3A_1077 = arith.muli %get3A_1018, %mul3A_1076 : vector<16xi32>
      %add3A_1078 = arith.constant 3 : i32
      %add3A_1079 = vector.broadcast %add3A_1078 : i32 to vector<16xi32>
      %add3A_1080 = arith.addi %mul3A_1077, %add3A_1079 : vector<16xi32>
      %gather3A_1081 = tpu.vector_load_idx %arg8[%add3A_1080] : memref<20000xf32, #tpu.memory_space<vmem>>[vector<16xi32>], vector<16xf32>,
      %swap3A_1082 = arith.constant 3 : i32
      %swap3A_1083 = arith.index_cast %swap3A_1082 : i32 to index
      %swap3A_1084 = arith.constant 224 : index
      %swap3A_1085 = tpu.vector_load %arg11[%swap3A_1083, %swap3A_1084] {strides = array<i32>} : memref<4x256xf32, #tpu.memory_space<vmem>>, vector<16xf32>,
      tpu.vector_store %arg11[%swap3A_1083, %swap3A_1084], %gather3A_1081 {strides = array<i32>} : memref<4x256xf32, #tpu.memory_space<vmem>>, vector<16xf32>,
      %add3A_1086 = arith.constant 3 : i32
      %add3A_1087 = vector.broadcast %add3A_1086 : i32 to vector<16xi32>
      %add3A_1088 = arith.addi %mul3A_1025, %add3A_1087 : vector<16xi32>
      tpu.vector_store_idx %arg10[%add3A_1088], %gather3A_1081 : memref<1024xf32, #tpu.memory_space<vmem>>[vector<16xi32>], vector<16xf32>,
      %get3A_1089 = arith.constant 240 : index
      %get3A_1090 = tpu.vector_load %arg9[%get3A_1089] {strides = array<i32>} : memref<256xi32, #tpu.memory_space<vmem>>, vector<16xi32>,
      %iota3A_1091 = tpu.iota {dimensions = array<i32: 0>} : vector<16xi32>
      %add3A_1092 = arith.constant 240 : i32
      %add3A_1093 = vector.broadcast %add3A_1092 : i32 to vector<16xi32>
      %add3A_1094 = arith.addi %iota3A_1091, %add3A_1093 : vector<16xi32>
      %mul3A_1095 = arith.constant 4 : i32
      %mul3A_1096 = vector.broadcast %mul3A_1095 : i32 to vector<16xi32>
      %mul3A_1097 = arith.muli %add3A_1094, %mul3A_1096 : vector<16xi32>
      %get3A_1098 = arith.constant 240 : index
      %get3A_1099 = tpu.vector_load %arg12[%get3A_1098] {strides = array<i32>} : memref<256xf32, #tpu.memory_space<vmem>>, vector<16xf32>,
      %neg3A_1100 = arith.constant 0.000000e+00 : f32
      %neg3A_1101 = vector.broadcast %neg3A_1100 : f32 to vector<16xf32>
      %neg3A_1102 = arith.subf %neg3A_1101, %get3A_1099 : vector<16xf32>
      %swap3A_1103 = arith.constant 240 : index
      %swap3A_1104 = tpu.vector_load %arg12[%swap3A_1103] {strides = array<i32>} : memref<256xf32, #tpu.memory_space<vmem>>, vector<16xf32>,
      tpu.vector_store %arg12[%swap3A_1103], %neg3A_1102 {strides = array<i32>} : memref<256xf32, #tpu.memory_space<vmem>>, vector<16xf32>,
      %mul3A_1105 = arith.constant 4 : i32
      %mul3A_1106 = vector.broadcast %mul3A_1105 : i32 to vector<16xi32>
      %mul3A_1107 = arith.muli %get3A_1090, %mul3A_1106 : vector<16xi32>
      %add3A_1108 = arith.constant 0 : i32
      %add3A_1109 = vector.broadcast %add3A_1108 : i32 to vector<16xi32>
      %add3A_1110 = arith.addi %mul3A_1107, %add3A_1109 : vector<16xi32>
      %gather3A_1111 = tpu.vector_load_idx %arg8[%add3A_1110] : memref<20000xf32, #tpu.memory_space<vmem>>[vector<16xi32>], vector<16xf32>,
      %swap3A_1112 = arith.constant 0 : i32
      %swap3A_1113 = arith.index_cast %swap3A_1112 : i32 to index
      %swap3A_1114 = arith.constant 240 : index
      %swap3A_1115 = tpu.vector_load %arg11[%swap3A_1113, %swap3A_1114] {strides = array<i32>} : memref<4x256xf32, #tpu.memory_space<vmem>>, vector<16xf32>,
      tpu.vector_store %arg11[%swap3A_1113, %swap3A_1114], %gather3A_1111 {strides = array<i32>} : memref<4x256xf32, #tpu.memory_space<vmem>>, vector<16xf32>,
      %add3A_1116 = arith.constant 0 : i32
      %add3A_1117 = vector.broadcast %add3A_1116 : i32 to vector<16xi32>
      %add3A_1118 = arith.addi %mul3A_1097, %add3A_1117 : vector<16xi32>
      tpu.vector_store_idx %arg10[%add3A_1118], %gather3A_1111 : memref<1024xf32, #tpu.memory_space<vmem>>[vector<16xi32>], vector<16xf32>,
      %mul3A_1119 = arith.constant 4 : i32
      %mul3A_1120 = vector.broadcast %mul3A_1119 : i32 to vector<16xi32>
      %mul3A_1121 = arith.muli %get3A_1090, %mul3A_1120 : vector<16xi32>
      %add3A_1122 = arith.constant 1 : i32
      %add3A_1123 = vector.broadcast %add3A_1122 : i32 to vector<16xi32>
      %add3A_1124 = arith.addi %mul3A_1121, %add3A_1123 : vector<16xi32>
      %gather3A_1125 = tpu.vector_load_idx %arg8[%add3A_1124] : memref<20000xf32, #tpu.memory_space<vmem>>[vector<16xi32>], vector<16xf32>,
      %swap3A_1126 = arith.constant 1 : i32
      %swap3A_1127 = arith.index_cast %swap3A_1126 : i32 to index
      %swap3A_1128 = arith.constant 240 : index
      %swap3A_1129 = tpu.vector_load %arg11[%swap3A_1127, %swap3A_1128] {strides = array<i32>} : memref<4x256xf32, #tpu.memory_space<vmem>>, vector<16xf32>,
      tpu.vector_store %arg11[%swap3A_1127, %swap3A_1128], %gather3A_1125 {strides = array<i32>} : memref<4x256xf32, #tpu.memory_space<vmem>>, vector<16xf32>,
      %add3A_1130 = arith.constant 1 : i32
      %add3A_1131 = vector.broadcast %add3A_1130 : i32 to vector<16xi32>
      %add3A_1132 = arith.addi %mul3A_1097, %add3A_1131 : vector<16xi32>
      tpu.vector_store_idx %arg10[%add3A_1132], %gather3A_1125 : memref<1024xf32, #tpu.memory_space<vmem>>[vector<16xi32>], vector<16xf32>,
      %mul3A_1133 = arith.constant 4 : i32
      %mul3A_1134 = vector.broadcast %mul3A_1133 : i32 to vector<16xi32>
      %mul3A_1135 = arith.muli %get3A_1090, %mul3A_1134 : vector<16xi32>
      %add3A_1136 = arith.constant 2 : i32
      %add3A_1137 = vector.broadcast %add3A_1136 : i32 to vector<16xi32>
      %add3A_1138 = arith.addi %mul3A_1135, %add3A_1137 : vector<16xi32>
      %gather3A_1139 = tpu.vector_load_idx %arg8[%add3A_1138] : memref<20000xf32, #tpu.memory_space<vmem>>[vector<16xi32>], vector<16xf32>,
      %swap3A_1140 = arith.constant 2 : i32
      %swap3A_1141 = arith.index_cast %swap3A_1140 : i32 to index
      %swap3A_1142 = arith.constant 240 : index
      %swap3A_1143 = tpu.vector_load %arg11[%swap3A_1141, %swap3A_1142] {strides = array<i32>} : memref<4x256xf32, #tpu.memory_space<vmem>>, vector<16xf32>,
      tpu.vector_store %arg11[%swap3A_1141, %swap3A_1142], %gather3A_1139 {strides = array<i32>} : memref<4x256xf32, #tpu.memory_space<vmem>>, vector<16xf32>,
      %add3A_1144 = arith.constant 2 : i32
      %add3A_1145 = vector.broadcast %add3A_1144 : i32 to vector<16xi32>
      %add3A_1146 = arith.addi %mul3A_1097, %add3A_1145 : vector<16xi32>
      tpu.vector_store_idx %arg10[%add3A_1146], %gather3A_1139 : memref<1024xf32, #tpu.memory_space<vmem>>[vector<16xi32>], vector<16xf32>,
      %mul3A_1147 = arith.constant 4 : i32
      %mul3A_1148 = vector.broadcast %mul3A_1147 : i32 to vector<16xi32>
      %mul3A_1149 = arith.muli %get3A_1090, %mul3A_1148 : vector<16xi32>
      %add3A_1150 = arith.constant 3 : i32
      %add3A_1151 = vector.broadcast %add3A_1150 : i32 to vector<16xi32>
      %add3A_1152 = arith.addi %mul3A_1149, %add3A_1151 : vector<16xi32>
      %gather3A_1153 = tpu.vector_load_idx %arg8[%add3A_1152] : memref<20000xf32, #tpu.memory_space<vmem>>[vector<16xi32>], vector<16xf32>,
      %swap3A_1154 = arith.constant 3 : i32
      %swap3A_1155 = arith.index_cast %swap3A_1154 : i32 to index
      %swap3A_1156 = arith.constant 240 : index
      %swap3A_1157 = tpu.vector_load %arg11[%swap3A_1155, %swap3A_1156] {strides = array<i32>} : memref<4x256xf32, #tpu.memory_space<vmem>>, vector<16xf32>,
      tpu.vector_store %arg11[%swap3A_1155, %swap3A_1156], %gather3A_1153 {strides = array<i32>} : memref<4x256xf32, #tpu.memory_space<vmem>>, vector<16xf32>,
      %add3A_1158 = arith.constant 3 : i32
      %add3A_1159 = vector.broadcast %add3A_1158 : i32 to vector<16xi32>
      %add3A_1160 = arith.addi %mul3A_1097, %add3A_1159 : vector<16xi32>
      tpu.vector_store_idx %arg10[%add3A_1160], %gather3A_1153 : memref<1024xf32, #tpu.memory_space<vmem>>[vector<16xi32>], vector<16xf32>,
      %mul3A_1161 = arith.constant 4 : i32
      %mul3A_1162 = arith.muli %mul3A_4, %mul3A_1161 : i32
      "tpu.region"() ({
        %run_scoped3A = tpu.sem_alloc : memref<!tpu.dma_semaphore, #tpu.memory_space<semaphore_mem>>
        %dma_start3A = tpu.memref_slice %arg5[%mul3A_1162] : memref<20480xf32, #tpu.memory_space<hbm>> -> memref<1024xf32, #tpu.memory_space<hbm>>
        %dma_start3A_1163 = tpu.memref_slice %arg5[%mul3A_1162] : memref<20480xf32, #tpu.memory_space<hbm>> -> memref<1024xf32, #tpu.memory_space<hbm>>
        tpu.enqueue_dma source(%arg10 : memref<1024xf32, #tpu.memory_space<vmem>>) target(%dma_start3A_1163 : memref<1024xf32, #tpu.memory_space<hbm>>) target_semaphore(%run_scoped3A : memref<!tpu.dma_semaphore, #tpu.memory_space<semaphore_mem>>)
        %dma_wait3A = tpu.memref_slice %arg5[%mul3A_1162] : memref<20480xf32, #tpu.memory_space<hbm>> -> memref<1024xf32, #tpu.memory_space<hbm>>
        %dma_wait3A_1164 = tpu.memref_slice %arg5[%mul3A_1162] : memref<20480xf32, #tpu.memory_space<hbm>> -> memref<1024xf32, #tpu.memory_space<hbm>>
        tpu.wait_dma2 semaphore(%run_scoped3A : memref<!tpu.dma_semaphore, #tpu.memory_space<semaphore_mem>>) src(%arg10 : memref<1024xf32, #tpu.memory_space<vmem>>) dst(%dma_wait3A_1164 : memref<1024xf32, #tpu.memory_space<hbm>>)
        tpu.yield
      }) : () -> ()
      "tpu.region"() ({
        %run_scoped3A = tpu.sem_alloc : memref<!tpu.dma_semaphore, #tpu.memory_space<semaphore_mem>>
        %dma_start3A = arith.constant 0 : i32
        %dma_start3A_1163 = tpu.memref_slice %arg6[%dma_start3A, %mul3A_4] : memref<4x5120xf32, #tpu.memory_space<hbm>> -> memref<4x256xf32, #tpu.memory_space<hbm>>
        %dma_start3A_1164 = arith.constant 0 : i32
        %dma_start3A_1165 = tpu.memref_slice %arg6[%dma_start3A_1164, %mul3A_4] : memref<4x5120xf32, #tpu.memory_space<hbm>> -> memref<4x256xf32, #tpu.memory_space<hbm>>
        tpu.enqueue_dma source(%arg11 : memref<4x256xf32, #tpu.memory_space<vmem>>) target(%dma_start3A_1165 : memref<4x256xf32, #tpu.memory_space<hbm>>) target_semaphore(%run_scoped3A : memref<!tpu.dma_semaphore, #tpu.memory_space<semaphore_mem>>)
        %dma_wait3A = arith.constant 0 : i32
        %dma_wait3A_1166 = tpu.memref_slice %arg6[%dma_wait3A, %mul3A_4] : memref<4x5120xf32, #tpu.memory_space<hbm>> -> memref<4x256xf32, #tpu.memory_space<hbm>>
        %dma_wait3A_1167 = arith.constant 0 : i32
        %dma_wait3A_1168 = tpu.memref_slice %arg6[%dma_wait3A_1167, %mul3A_4] : memref<4x5120xf32, #tpu.memory_space<hbm>> -> memref<4x256xf32, #tpu.memory_space<hbm>>
        tpu.wait_dma2 semaphore(%run_scoped3A : memref<!tpu.dma_semaphore, #tpu.memory_space<semaphore_mem>>) src(%arg11 : memref<4x256xf32, #tpu.memory_space<vmem>>) dst(%dma_wait3A_1168 : memref<4x256xf32, #tpu.memory_space<hbm>>)
        tpu.yield
      }) : () -> ()
      "tpu.region"() ({
        %run_scoped3A = tpu.sem_alloc : memref<!tpu.dma_semaphore, #tpu.memory_space<semaphore_mem>>
        %dma_start3A = tpu.memref_slice %arg7[%mul3A_4] : memref<5120xf32, #tpu.memory_space<hbm>> -> memref<256xf32, #tpu.memory_space<hbm>>
        %dma_start3A_1163 = tpu.memref_slice %arg7[%mul3A_4] : memref<5120xf32, #tpu.memory_space<hbm>> -> memref<256xf32, #tpu.memory_space<hbm>>
        tpu.enqueue_dma source(%arg12 : memref<256xf32, #tpu.memory_space<vmem>>) target(%dma_start3A_1163 : memref<256xf32, #tpu.memory_space<hbm>>) target_semaphore(%run_scoped3A : memref<!tpu.dma_semaphore, #tpu.memory_space<semaphore_mem>>)
        %dma_wait3A = tpu.memref_slice %arg7[%mul3A_4] : memref<5120xf32, #tpu.memory_space<hbm>> -> memref<256xf32, #tpu.memory_space<hbm>>
        %dma_wait3A_1164 = tpu.memref_slice %arg7[%mul3A_4] : memref<5120xf32, #tpu.memory_space<hbm>> -> memref<256xf32, #tpu.memory_space<hbm>>
        tpu.wait_dma2 semaphore(%run_scoped3A : memref<!tpu.dma_semaphore, #tpu.memory_space<semaphore_mem>>) src(%arg12 : memref<256xf32, #tpu.memory_space<vmem>>) dst(%dma_wait3A_1164 : memref<256xf32, #tpu.memory_space<hbm>>)
        tpu.yield
      }) : () -> ()
    } else {
    }
    return
  }
}

module attributes {stable_mosaic.version = 14 : i64} {
  func.func @_nms_body(%arg0: memref<5120x4xf32, #tpu.memory_space<vmem>>, %arg1: memref<4x5120xf32, #tpu.memory_space<vmem>>, %arg2: memref<1x5120xf32, #tpu.memory_space<vmem>>, %arg3: memref<1x5120xf32, #tpu.memory_space<vmem>>, %arg4: memref<1x5120xf32, #tpu.memory_space<vmem>>) attributes {dimension_semantics = [], scalar_prefetch = 0 : i64, scratch_operands = 1 : i64, tpu.core_type = #tpu.core_type<tc>} {
    %get3A = arith.constant 0 : index
    %get3A_0 = arith.constant 0 : index
    %get3A_1 = vector.load %arg2[%get3A, %get3A_0] : memref<1x5120xf32, #tpu.memory_space<vmem>>, vector<1x5120xf32>
    %gt3A = arith.constant 5.000000e-01 : f32
    %gt3A_2 = vector.broadcast %gt3A : f32 to vector<1x5120xf32>
    %gt3A_3 = arith.cmpf ogt, %get3A_1, %gt3A_2 : vector<1x5120xf32>
    %jit3A = arith.constant 1.000000e+00 : f32
    %jit3A_4 = arith.constant 0.000000e+00 : f32
    %broadcast_in_dim3A = vector.broadcast %jit3A : f32 to vector<1x5120xf32>
    %broadcast_in_dim3A_5 = vector.broadcast %jit3A_4 : f32 to vector<1x5120xf32>
    %select_n3A = arith.select %gt3A_3, %broadcast_in_dim3A, %broadcast_in_dim3A_5 : vector<1x5120xi1>, vector<1x5120xf32>
    %swap3A = arith.constant 0 : index
    %swap3A_6 = arith.constant 0 : index
    %swap3A_7 = vector.load %arg3[%swap3A, %swap3A_6] : memref<1x5120xf32, #tpu.memory_space<vmem>>, vector<1x5120xf32>
    tpu.vector_store %arg3[%swap3A, %swap3A_6], %select_n3A {strides = array<i32>} : memref<1x5120xf32, #tpu.memory_space<vmem>>, vector<1x5120xf32>,
    %get3A_8 = arith.constant 2 : index
    %get3A_9 = arith.constant 0 : index
    %get3A_10 = vector.load %arg1[%get3A_8, %get3A_9] : memref<4x5120xf32, #tpu.memory_space<vmem>>, vector<1x5120xf32>
    %get3A_11 = arith.constant 0 : index
    %get3A_12 = arith.constant 0 : index
    %get3A_13 = vector.load %arg1[%get3A_11, %get3A_12] : memref<4x5120xf32, #tpu.memory_space<vmem>>, vector<1x5120xf32>
    %sub3A = arith.subf %get3A_10, %get3A_13 : vector<1x5120xf32>
    %get3A_14 = arith.constant 3 : index
    %get3A_15 = arith.constant 0 : index
    %get3A_16 = vector.load %arg1[%get3A_14, %get3A_15] : memref<4x5120xf32, #tpu.memory_space<vmem>>, vector<1x5120xf32>
    %get3A_17 = arith.constant 1 : index
    %get3A_18 = arith.constant 0 : index
    %get3A_19 = vector.load %arg1[%get3A_17, %get3A_18] : memref<4x5120xf32, #tpu.memory_space<vmem>>, vector<1x5120xf32>
    %sub3A_20 = arith.subf %get3A_16, %get3A_19 : vector<1x5120xf32>
    %mul3A = arith.mulf %sub3A, %sub3A_20 : vector<1x5120xf32>
    %swap3A_21 = arith.constant 0 : index
    %swap3A_22 = arith.constant 0 : index
    %swap3A_23 = vector.load %arg4[%swap3A_21, %swap3A_22] : memref<1x5120xf32, #tpu.memory_space<vmem>>, vector<1x5120xf32>
    tpu.vector_store %arg4[%swap3A_21, %swap3A_22], %mul3A {strides = array<i32>} : memref<1x5120xf32, #tpu.memory_space<vmem>>, vector<1x5120xf32>,
    %reduce_sum3A = vector.shape_cast %select_n3A : vector<1x5120xf32> to vector<1x1x5120xf32>
    %reduce_sum3A_24 = arith.constant dense<0.000000e+00> : vector<1xf32>
    %reduce_sum3A_25 = vector.multi_reduction <add>, %reduce_sum3A, %reduce_sum3A_24 [1, 2] : vector<1x1x5120xf32> to vector<1xf32>
    %reduce_sum3A_26 = vector.shape_cast %reduce_sum3A_25 : vector<1xf32> to vector<1x1x1xf32>
    %reduce_sum3A_27 = vector.extract %reduce_sum3A_26[0, 0, 0] : f32 from vector<1x1x1xf32>
    %convert_element_type3A = arith.fptosi %reduce_sum3A_27 : f32 to i32
    %add3A = arith.constant 512 : i32
    %add3A_28 = arith.addi %convert_element_type3A, %add3A : i32
    %sub3A_29 = arith.constant 1 : i32
    %sub3A_30 = arith.subi %add3A_28, %sub3A_29 : i32
    %jit3A_31 = arith.constant 512 : i32
    %div3A = arith.divsi %sub3A_30, %jit3A_31 : i32
    %sign3A = arith.constant 0 : i32
    %sign3A_32 = arith.cmpi sgt, %sub3A_30, %sign3A : i32
    %sign3A_33 = arith.extui %sign3A_32 : i1 to i32
    %sign3A_34 = arith.constant 0 : i32
    %sign3A_35 = arith.cmpi slt, %sub3A_30, %sign3A_34 : i32
    %sign3A_36 = arith.extui %sign3A_35 : i1 to i32
    %sign3A_37 = arith.subi %sign3A_33, %sign3A_36 : i32
    %sign3A_38 = arith.constant 0 : i32
    %sign3A_39 = arith.cmpi sgt, %jit3A_31, %sign3A_38 : i32
    %sign3A_40 = arith.extui %sign3A_39 : i1 to i32
    %sign3A_41 = arith.constant 0 : i32
    %sign3A_42 = arith.cmpi slt, %jit3A_31, %sign3A_41 : i32
    %sign3A_43 = arith.extui %sign3A_42 : i1 to i32
    %sign3A_44 = arith.subi %sign3A_40, %sign3A_43 : i32
    %ne3A = arith.cmpi ne, %sign3A_37, %sign3A_44 : i32
    %rem3A = arith.remsi %sub3A_30, %jit3A_31 : i32
    %ne3A_45 = arith.constant 0 : i32
    %ne3A_46 = arith.cmpi ne, %rem3A, %ne3A_45 : i32
    %and3A = arith.andi %ne3A, %ne3A_46 : i1
    %sub3A_47 = arith.constant 1 : i32
    %sub3A_48 = arith.subi %div3A, %sub3A_47 : i32
    %select_n3A_49 = arith.select %and3A, %sub3A_48, %div3A : i32
    %min3A = arith.constant 10 : i32
    %min3A_50 = arith.minsi %select_n3A_49, %min3A : i32
    %iota3A = tpu.iota {dimensions = array<i32: 0>} : vector<512x512xi32>
    %iota3A_51 = tpu.iota {dimensions = array<i32: 1>} : vector<512x512xi32>
    %lt3A = arith.cmpi slt, %iota3A, %iota3A_51 : vector<512x512xi32>
    %while3A = arith.constant 0 : i32
    %while3A_52 = arith.constant 0 : i32
    %while3A_53 = arith.subi %min3A_50, %while3A : i32
    %while3A_54 = arith.addi %while3A, %while3A_53 : i32
    %while3A_55 = arith.constant 1 : i32
    %while3A_56 = arith.divsi %while3A_53, %while3A_55 : i32
    %while3A_57 = arith.muli %while3A_56, %while3A_55 : i32
    %while3A_58 = arith.addi %while3A, %while3A_57 : i32
    %while3A_59 = arith.constant 1 : i32
    %while3A_60 = scf.for %while3A_63 = %while3A to %while3A_58 step %while3A_59 iter_args(%while3A_64 = %while3A_52) -> (i32)  : i32 {
      %mul3A_65 = arith.constant 512 : i32
      %mul3A_66 = arith.muli %while3A_63, %mul3A_65 : i32
      %get3A_67 = arith.index_cast %mul3A_66 : i32 to index
      %get3A_68 = arith.constant 0 : index
      %get3A_69 = vector.load %arg0[%get3A_67, %get3A_68] : memref<5120x4xf32, #tpu.memory_space<vmem>>, vector<512x1xf32>
      %get3A_70 = arith.index_cast %mul3A_66 : i32 to index
      %get3A_71 = arith.constant 1 : index
      %get3A_72 = vector.load %arg0[%get3A_70, %get3A_71] : memref<5120x4xf32, #tpu.memory_space<vmem>>, vector<512x1xf32>
      %get3A_73 = arith.index_cast %mul3A_66 : i32 to index
      %get3A_74 = arith.constant 2 : index
      %get3A_75 = vector.load %arg0[%get3A_73, %get3A_74] : memref<5120x4xf32, #tpu.memory_space<vmem>>, vector<512x1xf32>
      %get3A_76 = arith.index_cast %mul3A_66 : i32 to index
      %get3A_77 = arith.constant 3 : index
      %get3A_78 = vector.load %arg0[%get3A_76, %get3A_77] : memref<5120x4xf32, #tpu.memory_space<vmem>>, vector<512x1xf32>
      %get3A_79 = arith.constant 0 : index
      %get3A_80 = arith.index_cast %mul3A_66 : i32 to index
      %get3A_81 = vector.load %arg1[%get3A_79, %get3A_80] : memref<4x5120xf32, #tpu.memory_space<vmem>>, vector<1x512xf32>
      %get3A_82 = arith.constant 1 : index
      %get3A_83 = arith.index_cast %mul3A_66 : i32 to index
      %get3A_84 = vector.load %arg1[%get3A_82, %get3A_83] : memref<4x5120xf32, #tpu.memory_space<vmem>>, vector<1x512xf32>
      %get3A_85 = arith.constant 2 : index
      %get3A_86 = arith.index_cast %mul3A_66 : i32 to index
      %get3A_87 = vector.load %arg1[%get3A_85, %get3A_86] : memref<4x5120xf32, #tpu.memory_space<vmem>>, vector<1x512xf32>
      %get3A_88 = arith.constant 3 : index
      %get3A_89 = arith.index_cast %mul3A_66 : i32 to index
      %get3A_90 = vector.load %arg1[%get3A_88, %get3A_89] : memref<4x5120xf32, #tpu.memory_space<vmem>>, vector<1x512xf32>
      %sub3A_91 = arith.subf %get3A_87, %get3A_81 : vector<1x512xf32>
      %sub3A_92 = arith.subf %get3A_90, %get3A_84 : vector<1x512xf32>
      %mul3A_93 = arith.mulf %sub3A_91, %sub3A_92 : vector<1x512xf32>
      %sub3A_94 = arith.subf %get3A_75, %get3A_69 : vector<512x1xf32>
      %sub3A_95 = arith.subf %get3A_78, %get3A_72 : vector<512x1xf32>
      %mul3A_96 = arith.mulf %sub3A_94, %sub3A_95 : vector<512x1xf32>
      %min3A_97 = vector.broadcast %get3A_75 : vector<512x1xf32> to vector<512x512xf32>
      %min3A_98 = vector.broadcast %get3A_87 : vector<1x512xf32> to vector<512x512xf32>
      %min3A_99 = arith.minimumf %min3A_97, %min3A_98 : vector<512x512xf32>
      %max3A = vector.broadcast %get3A_69 : vector<512x1xf32> to vector<512x512xf32>
      %max3A_100 = vector.broadcast %get3A_81 : vector<1x512xf32> to vector<512x512xf32>
      %max3A_101 = arith.maximumf %max3A, %max3A_100 : vector<512x512xf32>
      %sub3A_102 = arith.subf %min3A_99, %max3A_101 : vector<512x512xf32>
      %jit3A_103 = arith.constant 0.000000e+00 : f32
      %max3A_104 = vector.broadcast %jit3A_103 : f32 to vector<512x512xf32>
      %max3A_105 = arith.maximumf %max3A_104, %sub3A_102 : vector<512x512xf32>
      %min3A_106 = vector.broadcast %get3A_78 : vector<512x1xf32> to vector<512x512xf32>
      %min3A_107 = vector.broadcast %get3A_90 : vector<1x512xf32> to vector<512x512xf32>
      %min3A_108 = arith.minimumf %min3A_106, %min3A_107 : vector<512x512xf32>
      %max3A_109 = vector.broadcast %get3A_72 : vector<512x1xf32> to vector<512x512xf32>
      %max3A_110 = vector.broadcast %get3A_84 : vector<1x512xf32> to vector<512x512xf32>
      %max3A_111 = arith.maximumf %max3A_109, %max3A_110 : vector<512x512xf32>
      %sub3A_112 = arith.subf %min3A_108, %max3A_111 : vector<512x512xf32>
      %jit3A_113 = arith.constant 0.000000e+00 : f32
      %max3A_114 = vector.broadcast %jit3A_113 : f32 to vector<512x512xf32>
      %max3A_115 = arith.maximumf %max3A_114, %sub3A_112 : vector<512x512xf32>
      %mul3A_116 = arith.mulf %max3A_105, %max3A_115 : vector<512x512xf32>
      %add3A_117 = vector.broadcast %mul3A_96 : vector<512x1xf32> to vector<512x512xf32>
      %add3A_118 = vector.broadcast %mul3A_93 : vector<1x512xf32> to vector<512x512xf32>
      %add3A_119 = arith.addf %add3A_117, %add3A_118 : vector<512x512xf32>
      %sub3A_120 = arith.subf %add3A_119, %mul3A_116 : vector<512x512xf32>
      %add3A_121 = arith.constant 9.99999971E-10 : f32
      %add3A_122 = vector.broadcast %add3A_121 : f32 to vector<512x512xf32>
      %add3A_123 = arith.addf %sub3A_120, %add3A_122 : vector<512x512xf32>
      %div3A_124 = arith.divf %mul3A_116, %add3A_123 : vector<512x512xf32>
      %gt3A_125 = arith.constant 4.500000e-01 : f32
      %gt3A_126 = vector.broadcast %gt3A_125 : f32 to vector<512x512xf32>
      %gt3A_127 = arith.cmpf ogt, %div3A_124, %gt3A_126 : vector<512x512xf32>
      %and3A_128 = arith.andi %gt3A_127, %lt3A : vector<512x512xi1>
      %jit3A_129 = arith.constant 1.000000e+00 : f32
      %jit3A_130 = arith.constant 0.000000e+00 : f32
      %broadcast_in_dim3A_131 = vector.broadcast %jit3A_129 : f32 to vector<512x512xf32>
      %broadcast_in_dim3A_132 = vector.broadcast %jit3A_130 : f32 to vector<512x512xf32>
      %select_n3A_133 = arith.select %and3A_128, %broadcast_in_dim3A_131, %broadcast_in_dim3A_132 : vector<512x512xi1>, vector<512x512xf32>
      %get3A_134 = arith.constant 0 : index
      %get3A_135 = arith.index_cast %mul3A_66 : i32 to index
      %get3A_136 = vector.load %arg3[%get3A_134, %get3A_135] : memref<1x5120xf32, #tpu.memory_space<vmem>>, vector<1x512xf32>
      %while3A_137 = arith.constant 1 : i32
      %while3A_138:2 = scf.while (%while3A_156 = %get3A_136, %while3A_157 = %while3A_137) : (vector<1x512xf32>, i32) -> (vector<1x512xf32>, i32) {
        %gt3A_158 = arith.constant 0 : i32
        %gt3A_159 = arith.cmpi sgt, %while3A_157, %gt3A_158 : i32
        scf.condition(%gt3A_159) %while3A_156, %while3A_157 : vector<1x512xf32>, i32
      } do {
      ^bb0(%while3A_156: vector<1x512xf32>, %while3A_157: i32):
        %dot_general3A = arith.constant dense<0.000000e+00> : vector<1x512xf32>
        %dot_general3A_158 = tpu.matmul %while3A_156, %select_n3A_133, %dot_general3A {dimension_numbers = #tpu.dot_dimension_numbers<[1], [0], [0], [1], [0, 0, 1, 1], [], []>, transpose_lhs_hint = false} : vector<1x512xf32>, vector<512x512xf32>, vector<1x512xf32> -> vector<1x512xf32>
        %gt3A_159 = arith.constant 0.000000e+00 : f32
        %gt3A_160 = vector.broadcast %gt3A_159 : f32 to vector<1x512xf32>
        %gt3A_161 = arith.cmpf ogt, %dot_general3A_158, %gt3A_160 : vector<1x512xf32>
        %jit3A_162 = arith.constant 1.000000e+00 : f32
        %jit3A_163 = arith.constant 0.000000e+00 : f32
        %broadcast_in_dim3A_164 = vector.broadcast %jit3A_162 : f32 to vector<1x512xf32>
        %broadcast_in_dim3A_165 = vector.broadcast %jit3A_163 : f32 to vector<1x512xf32>
        %select_n3A_166 = arith.select %gt3A_161, %broadcast_in_dim3A_164, %broadcast_in_dim3A_165 : vector<1x512xi1>, vector<1x512xf32>
        %sub3A_167 = arith.constant 1.000000e+00 : f32
        %sub3A_168 = vector.broadcast %sub3A_167 : f32 to vector<1x512xf32>
        %sub3A_169 = arith.subf %sub3A_168, %select_n3A_166 : vector<1x512xf32>
        %mul3A_170 = arith.mulf %get3A_136, %sub3A_169 : vector<1x512xf32>
        %sub3A_171 = arith.subf %mul3A_170, %while3A_156 : vector<1x512xf32>
        %abs3A = math.absf %sub3A_171 : vector<1x512xf32>
        %reduce_sum3A_172 = vector.shape_cast %abs3A : vector<1x512xf32> to vector<1x1x512xf32>
        %reduce_sum3A_173 = arith.constant dense<0.000000e+00> : vector<1xf32>
        %reduce_sum3A_174 = vector.multi_reduction <add>, %reduce_sum3A_172, %reduce_sum3A_173 [1, 2] : vector<1x1x512xf32> to vector<1xf32>
        %reduce_sum3A_175 = vector.shape_cast %reduce_sum3A_174 : vector<1xf32> to vector<1x1x1xf32>
        %reduce_sum3A_176 = vector.extract %reduce_sum3A_175[0, 0, 0] : f32 from vector<1x1x1xf32>
        %gt3A_177 = arith.constant 0.000000e+00 : f32
        %gt3A_178 = arith.cmpf ogt, %reduce_sum3A_176, %gt3A_177 : f32
        %convert_element_type3A_179 = arith.extui %gt3A_178 : i1 to i32
        scf.yield %mul3A_170, %convert_element_type3A_179 : vector<1x512xf32>, i32
      }
      %swap3A_139 = arith.constant 0 : index
      %swap3A_140 = arith.index_cast %mul3A_66 : i32 to index
      %swap3A_141 = vector.load %arg3[%swap3A_139, %swap3A_140] : memref<1x5120xf32, #tpu.memory_space<vmem>>, vector<1x512xf32>
      tpu.vector_store %arg3[%swap3A_139, %swap3A_140], %while3A_138#0 {strides = array<i32>} : memref<1x5120xf32, #tpu.memory_space<vmem>>, vector<1x512xf32>,
      %add3A_142 = arith.constant 1 : i32
      %add3A_143 = arith.addi %while3A_63, %add3A_142 : i32
      %while3A_144 = arith.constant 0 : i32
      %while3A_145 = arith.subi %min3A_50, %add3A_143 : i32
      %while3A_146 = arith.addi %add3A_143, %while3A_145 : i32
      %while3A_147 = arith.constant 1 : i32
      %while3A_148 = arith.divsi %while3A_145, %while3A_147 : i32
      %while3A_149 = arith.muli %while3A_148, %while3A_147 : i32
      %while3A_150 = arith.addi %add3A_143, %while3A_149 : i32
      %while3A_151 = arith.constant 1 : i32
      %while3A_152 = scf.for %while3A_156 = %add3A_143 to %while3A_150 step %while3A_151 iter_args(%while3A_157 = %while3A_144) -> (i32)  : i32 {
        %mul3A_158 = arith.constant 512 : i32
        %mul3A_159 = arith.muli %while3A_156, %mul3A_158 : i32
        %get3A_160 = arith.constant 0 : index
        %get3A_161 = arith.index_cast %mul3A_159 : i32 to index
        %get3A_162 = vector.load %arg1[%get3A_160, %get3A_161] : memref<4x5120xf32, #tpu.memory_space<vmem>>, vector<1x512xf32>
        %get3A_163 = arith.constant 1 : index
        %get3A_164 = arith.index_cast %mul3A_159 : i32 to index
        %get3A_165 = vector.load %arg1[%get3A_163, %get3A_164] : memref<4x5120xf32, #tpu.memory_space<vmem>>, vector<1x512xf32>
        %get3A_166 = arith.constant 2 : index
        %get3A_167 = arith.index_cast %mul3A_159 : i32 to index
        %get3A_168 = vector.load %arg1[%get3A_166, %get3A_167] : memref<4x5120xf32, #tpu.memory_space<vmem>>, vector<1x512xf32>
        %get3A_169 = arith.constant 3 : index
        %get3A_170 = arith.index_cast %mul3A_159 : i32 to index
        %get3A_171 = vector.load %arg1[%get3A_169, %get3A_170] : memref<4x5120xf32, #tpu.memory_space<vmem>>, vector<1x512xf32>
        %get3A_172 = arith.constant 0 : index
        %get3A_173 = arith.index_cast %mul3A_159 : i32 to index
        %get3A_174 = vector.load %arg4[%get3A_172, %get3A_173] : memref<1x5120xf32, #tpu.memory_space<vmem>>, vector<1x512xf32>
        %min3A_175 = vector.broadcast %get3A_75 : vector<512x1xf32> to vector<512x512xf32>
        %min3A_176 = vector.broadcast %get3A_168 : vector<1x512xf32> to vector<512x512xf32>
        %min3A_177 = arith.minimumf %min3A_175, %min3A_176 : vector<512x512xf32>
        %max3A_178 = vector.broadcast %get3A_69 : vector<512x1xf32> to vector<512x512xf32>
        %max3A_179 = vector.broadcast %get3A_162 : vector<1x512xf32> to vector<512x512xf32>
        %max3A_180 = arith.maximumf %max3A_178, %max3A_179 : vector<512x512xf32>
        %sub3A_181 = arith.subf %min3A_177, %max3A_180 : vector<512x512xf32>
        %jit3A_182 = arith.constant 0.000000e+00 : f32
        %max3A_183 = vector.broadcast %jit3A_182 : f32 to vector<512x512xf32>
        %max3A_184 = arith.maximumf %max3A_183, %sub3A_181 : vector<512x512xf32>
        %min3A_185 = vector.broadcast %get3A_78 : vector<512x1xf32> to vector<512x512xf32>
        %min3A_186 = vector.broadcast %get3A_171 : vector<1x512xf32> to vector<512x512xf32>
        %min3A_187 = arith.minimumf %min3A_185, %min3A_186 : vector<512x512xf32>
        %max3A_188 = vector.broadcast %get3A_72 : vector<512x1xf32> to vector<512x512xf32>
        %max3A_189 = vector.broadcast %get3A_165 : vector<1x512xf32> to vector<512x512xf32>
        %max3A_190 = arith.maximumf %max3A_188, %max3A_189 : vector<512x512xf32>
        %sub3A_191 = arith.subf %min3A_187, %max3A_190 : vector<512x512xf32>
        %jit3A_192 = arith.constant 0.000000e+00 : f32
        %max3A_193 = vector.broadcast %jit3A_192 : f32 to vector<512x512xf32>
        %max3A_194 = arith.maximumf %max3A_193, %sub3A_191 : vector<512x512xf32>
        %mul3A_195 = arith.mulf %max3A_184, %max3A_194 : vector<512x512xf32>
        %add3A_196 = vector.broadcast %mul3A_96 : vector<512x1xf32> to vector<512x512xf32>
        %add3A_197 = vector.broadcast %get3A_174 : vector<1x512xf32> to vector<512x512xf32>
        %add3A_198 = arith.addf %add3A_196, %add3A_197 : vector<512x512xf32>
        %sub3A_199 = arith.subf %add3A_198, %mul3A_195 : vector<512x512xf32>
        %add3A_200 = arith.constant 9.99999971E-10 : f32
        %add3A_201 = vector.broadcast %add3A_200 : f32 to vector<512x512xf32>
        %add3A_202 = arith.addf %sub3A_199, %add3A_201 : vector<512x512xf32>
        %div3A_203 = arith.divf %mul3A_195, %add3A_202 : vector<512x512xf32>
        %gt3A_204 = arith.constant 4.500000e-01 : f32
        %gt3A_205 = vector.broadcast %gt3A_204 : f32 to vector<512x512xf32>
        %gt3A_206 = arith.cmpf ogt, %div3A_203, %gt3A_205 : vector<512x512xf32>
        %jit3A_207 = arith.constant 1.000000e+00 : f32
        %jit3A_208 = arith.constant 0.000000e+00 : f32
        %broadcast_in_dim3A_209 = vector.broadcast %jit3A_207 : f32 to vector<512x512xf32>
        %broadcast_in_dim3A_210 = vector.broadcast %jit3A_208 : f32 to vector<512x512xf32>
        %select_n3A_211 = arith.select %gt3A_206, %broadcast_in_dim3A_209, %broadcast_in_dim3A_210 : vector<512x512xi1>, vector<512x512xf32>
        %dot_general3A = arith.constant dense<0.000000e+00> : vector<1x512xf32>
        %dot_general3A_212 = tpu.matmul %while3A_138#0, %select_n3A_211, %dot_general3A {dimension_numbers = #tpu.dot_dimension_numbers<[1], [0], [0], [1], [0, 0, 1, 1], [], []>, transpose_lhs_hint = false} : vector<1x512xf32>, vector<512x512xf32>, vector<1x512xf32> -> vector<1x512xf32>
        %gt3A_213 = arith.constant 0.000000e+00 : f32
        %gt3A_214 = vector.broadcast %gt3A_213 : f32 to vector<1x512xf32>
        %gt3A_215 = arith.cmpf ogt, %dot_general3A_212, %gt3A_214 : vector<1x512xf32>
        %get3A_216 = arith.constant 0 : index
        %get3A_217 = arith.index_cast %mul3A_159 : i32 to index
        %get3A_218 = vector.load %arg3[%get3A_216, %get3A_217] : memref<1x5120xf32, #tpu.memory_space<vmem>>, vector<1x512xf32>
        %convert_element_type3A_219 = arith.extui %gt3A_215 : vector<1x512xi1> to vector<1x512xi32>
        %convert_element_type3A_220 = arith.sitofp %convert_element_type3A_219 : vector<1x512xi32> to vector<1x512xf32>
        %sub3A_221 = arith.constant 1.000000e+00 : f32
        %sub3A_222 = vector.broadcast %sub3A_221 : f32 to vector<1x512xf32>
        %sub3A_223 = arith.subf %sub3A_222, %convert_element_type3A_220 : vector<1x512xf32>
        %mul3A_224 = arith.mulf %get3A_218, %sub3A_223 : vector<1x512xf32>
        %swap3A_225 = arith.constant 0 : index
        %swap3A_226 = arith.index_cast %mul3A_159 : i32 to index
        %swap3A_227 = vector.load %arg3[%swap3A_225, %swap3A_226] : memref<1x5120xf32, #tpu.memory_space<vmem>>, vector<1x512xf32>
        tpu.vector_store %arg3[%swap3A_225, %swap3A_226], %mul3A_224 {strides = array<i32>} : memref<1x5120xf32, #tpu.memory_space<vmem>>, vector<1x512xf32>,
        %while3A_228 = arith.constant 0 : i32
        scf.yield %while3A_228 : i32
      }
      %while3A_153 = arith.constant 1 : i32
      %while3A_154 = scf.for %while3A_156 = %while3A_150 to %while3A_146 step %while3A_153 iter_args(%while3A_157 = %while3A_152) -> (i32)  : i32 {
        %mul3A_158 = arith.constant 512 : i32
        %mul3A_159 = arith.muli %while3A_156, %mul3A_158 : i32
        %get3A_160 = arith.constant 0 : index
        %get3A_161 = arith.index_cast %mul3A_159 : i32 to index
        %get3A_162 = vector.load %arg1[%get3A_160, %get3A_161] : memref<4x5120xf32, #tpu.memory_space<vmem>>, vector<1x512xf32>
        %get3A_163 = arith.constant 1 : index
        %get3A_164 = arith.index_cast %mul3A_159 : i32 to index
        %get3A_165 = vector.load %arg1[%get3A_163, %get3A_164] : memref<4x5120xf32, #tpu.memory_space<vmem>>, vector<1x512xf32>
        %get3A_166 = arith.constant 2 : index
        %get3A_167 = arith.index_cast %mul3A_159 : i32 to index
        %get3A_168 = vector.load %arg1[%get3A_166, %get3A_167] : memref<4x5120xf32, #tpu.memory_space<vmem>>, vector<1x512xf32>
        %get3A_169 = arith.constant 3 : index
        %get3A_170 = arith.index_cast %mul3A_159 : i32 to index
        %get3A_171 = vector.load %arg1[%get3A_169, %get3A_170] : memref<4x5120xf32, #tpu.memory_space<vmem>>, vector<1x512xf32>
        %get3A_172 = arith.constant 0 : index
        %get3A_173 = arith.index_cast %mul3A_159 : i32 to index
        %get3A_174 = vector.load %arg4[%get3A_172, %get3A_173] : memref<1x5120xf32, #tpu.memory_space<vmem>>, vector<1x512xf32>
        %min3A_175 = vector.broadcast %get3A_75 : vector<512x1xf32> to vector<512x512xf32>
        %min3A_176 = vector.broadcast %get3A_168 : vector<1x512xf32> to vector<512x512xf32>
        %min3A_177 = arith.minimumf %min3A_175, %min3A_176 : vector<512x512xf32>
        %max3A_178 = vector.broadcast %get3A_69 : vector<512x1xf32> to vector<512x512xf32>
        %max3A_179 = vector.broadcast %get3A_162 : vector<1x512xf32> to vector<512x512xf32>
        %max3A_180 = arith.maximumf %max3A_178, %max3A_179 : vector<512x512xf32>
        %sub3A_181 = arith.subf %min3A_177, %max3A_180 : vector<512x512xf32>
        %jit3A_182 = arith.constant 0.000000e+00 : f32
        %max3A_183 = vector.broadcast %jit3A_182 : f32 to vector<512x512xf32>
        %max3A_184 = arith.maximumf %max3A_183, %sub3A_181 : vector<512x512xf32>
        %min3A_185 = vector.broadcast %get3A_78 : vector<512x1xf32> to vector<512x512xf32>
        %min3A_186 = vector.broadcast %get3A_171 : vector<1x512xf32> to vector<512x512xf32>
        %min3A_187 = arith.minimumf %min3A_185, %min3A_186 : vector<512x512xf32>
        %max3A_188 = vector.broadcast %get3A_72 : vector<512x1xf32> to vector<512x512xf32>
        %max3A_189 = vector.broadcast %get3A_165 : vector<1x512xf32> to vector<512x512xf32>
        %max3A_190 = arith.maximumf %max3A_188, %max3A_189 : vector<512x512xf32>
        %sub3A_191 = arith.subf %min3A_187, %max3A_190 : vector<512x512xf32>
        %jit3A_192 = arith.constant 0.000000e+00 : f32
        %max3A_193 = vector.broadcast %jit3A_192 : f32 to vector<512x512xf32>
        %max3A_194 = arith.maximumf %max3A_193, %sub3A_191 : vector<512x512xf32>
        %mul3A_195 = arith.mulf %max3A_184, %max3A_194 : vector<512x512xf32>
        %add3A_196 = vector.broadcast %mul3A_96 : vector<512x1xf32> to vector<512x512xf32>
        %add3A_197 = vector.broadcast %get3A_174 : vector<1x512xf32> to vector<512x512xf32>
        %add3A_198 = arith.addf %add3A_196, %add3A_197 : vector<512x512xf32>
        %sub3A_199 = arith.subf %add3A_198, %mul3A_195 : vector<512x512xf32>
        %add3A_200 = arith.constant 9.99999971E-10 : f32
        %add3A_201 = vector.broadcast %add3A_200 : f32 to vector<512x512xf32>
        %add3A_202 = arith.addf %sub3A_199, %add3A_201 : vector<512x512xf32>
        %div3A_203 = arith.divf %mul3A_195, %add3A_202 : vector<512x512xf32>
        %gt3A_204 = arith.constant 4.500000e-01 : f32
        %gt3A_205 = vector.broadcast %gt3A_204 : f32 to vector<512x512xf32>
        %gt3A_206 = arith.cmpf ogt, %div3A_203, %gt3A_205 : vector<512x512xf32>
        %jit3A_207 = arith.constant 1.000000e+00 : f32
        %jit3A_208 = arith.constant 0.000000e+00 : f32
        %broadcast_in_dim3A_209 = vector.broadcast %jit3A_207 : f32 to vector<512x512xf32>
        %broadcast_in_dim3A_210 = vector.broadcast %jit3A_208 : f32 to vector<512x512xf32>
        %select_n3A_211 = arith.select %gt3A_206, %broadcast_in_dim3A_209, %broadcast_in_dim3A_210 : vector<512x512xi1>, vector<512x512xf32>
        %dot_general3A = arith.constant dense<0.000000e+00> : vector<1x512xf32>
        %dot_general3A_212 = tpu.matmul %while3A_138#0, %select_n3A_211, %dot_general3A {dimension_numbers = #tpu.dot_dimension_numbers<[1], [0], [0], [1], [0, 0, 1, 1], [], []>, transpose_lhs_hint = false} : vector<1x512xf32>, vector<512x512xf32>, vector<1x512xf32> -> vector<1x512xf32>
        %gt3A_213 = arith.constant 0.000000e+00 : f32
        %gt3A_214 = vector.broadcast %gt3A_213 : f32 to vector<1x512xf32>
        %gt3A_215 = arith.cmpf ogt, %dot_general3A_212, %gt3A_214 : vector<1x512xf32>
        %get3A_216 = arith.constant 0 : index
        %get3A_217 = arith.index_cast %mul3A_159 : i32 to index
        %get3A_218 = vector.load %arg3[%get3A_216, %get3A_217] : memref<1x5120xf32, #tpu.memory_space<vmem>>, vector<1x512xf32>
        %convert_element_type3A_219 = arith.extui %gt3A_215 : vector<1x512xi1> to vector<1x512xi32>
        %convert_element_type3A_220 = arith.sitofp %convert_element_type3A_219 : vector<1x512xi32> to vector<1x512xf32>
        %sub3A_221 = arith.constant 1.000000e+00 : f32
        %sub3A_222 = vector.broadcast %sub3A_221 : f32 to vector<1x512xf32>
        %sub3A_223 = arith.subf %sub3A_222, %convert_element_type3A_220 : vector<1x512xf32>
        %mul3A_224 = arith.mulf %get3A_218, %sub3A_223 : vector<1x512xf32>
        %swap3A_225 = arith.constant 0 : index
        %swap3A_226 = arith.index_cast %mul3A_159 : i32 to index
        %swap3A_227 = vector.load %arg3[%swap3A_225, %swap3A_226] : memref<1x5120xf32, #tpu.memory_space<vmem>>, vector<1x512xf32>
        tpu.vector_store %arg3[%swap3A_225, %swap3A_226], %mul3A_224 {strides = array<i32>} : memref<1x5120xf32, #tpu.memory_space<vmem>>, vector<1x512xf32>,
        %while3A_228 = arith.constant 0 : i32
        scf.yield %while3A_228 : i32
      }
      %while3A_155 = arith.constant 0 : i32
      scf.yield %while3A_155 : i32
    }
    %while3A_61 = arith.constant 1 : i32
    %while3A_62 = scf.for %while3A_63 = %while3A_58 to %while3A_54 step %while3A_61 iter_args(%while3A_64 = %while3A_60) -> (i32)  : i32 {
      %mul3A_65 = arith.constant 512 : i32
      %mul3A_66 = arith.muli %while3A_63, %mul3A_65 : i32
      %get3A_67 = arith.index_cast %mul3A_66 : i32 to index
      %get3A_68 = arith.constant 0 : index
      %get3A_69 = vector.load %arg0[%get3A_67, %get3A_68] : memref<5120x4xf32, #tpu.memory_space<vmem>>, vector<512x1xf32>
      %get3A_70 = arith.index_cast %mul3A_66 : i32 to index
      %get3A_71 = arith.constant 1 : index
      %get3A_72 = vector.load %arg0[%get3A_70, %get3A_71] : memref<5120x4xf32, #tpu.memory_space<vmem>>, vector<512x1xf32>
      %get3A_73 = arith.index_cast %mul3A_66 : i32 to index
      %get3A_74 = arith.constant 2 : index
      %get3A_75 = vector.load %arg0[%get3A_73, %get3A_74] : memref<5120x4xf32, #tpu.memory_space<vmem>>, vector<512x1xf32>
      %get3A_76 = arith.index_cast %mul3A_66 : i32 to index
      %get3A_77 = arith.constant 3 : index
      %get3A_78 = vector.load %arg0[%get3A_76, %get3A_77] : memref<5120x4xf32, #tpu.memory_space<vmem>>, vector<512x1xf32>
      %get3A_79 = arith.constant 0 : index
      %get3A_80 = arith.index_cast %mul3A_66 : i32 to index
      %get3A_81 = vector.load %arg1[%get3A_79, %get3A_80] : memref<4x5120xf32, #tpu.memory_space<vmem>>, vector<1x512xf32>
      %get3A_82 = arith.constant 1 : index
      %get3A_83 = arith.index_cast %mul3A_66 : i32 to index
      %get3A_84 = vector.load %arg1[%get3A_82, %get3A_83] : memref<4x5120xf32, #tpu.memory_space<vmem>>, vector<1x512xf32>
      %get3A_85 = arith.constant 2 : index
      %get3A_86 = arith.index_cast %mul3A_66 : i32 to index
      %get3A_87 = vector.load %arg1[%get3A_85, %get3A_86] : memref<4x5120xf32, #tpu.memory_space<vmem>>, vector<1x512xf32>
      %get3A_88 = arith.constant 3 : index
      %get3A_89 = arith.index_cast %mul3A_66 : i32 to index
      %get3A_90 = vector.load %arg1[%get3A_88, %get3A_89] : memref<4x5120xf32, #tpu.memory_space<vmem>>, vector<1x512xf32>
      %sub3A_91 = arith.subf %get3A_87, %get3A_81 : vector<1x512xf32>
      %sub3A_92 = arith.subf %get3A_90, %get3A_84 : vector<1x512xf32>
      %mul3A_93 = arith.mulf %sub3A_91, %sub3A_92 : vector<1x512xf32>
      %sub3A_94 = arith.subf %get3A_75, %get3A_69 : vector<512x1xf32>
      %sub3A_95 = arith.subf %get3A_78, %get3A_72 : vector<512x1xf32>
      %mul3A_96 = arith.mulf %sub3A_94, %sub3A_95 : vector<512x1xf32>
      %min3A_97 = vector.broadcast %get3A_75 : vector<512x1xf32> to vector<512x512xf32>
      %min3A_98 = vector.broadcast %get3A_87 : vector<1x512xf32> to vector<512x512xf32>
      %min3A_99 = arith.minimumf %min3A_97, %min3A_98 : vector<512x512xf32>
      %max3A = vector.broadcast %get3A_69 : vector<512x1xf32> to vector<512x512xf32>
      %max3A_100 = vector.broadcast %get3A_81 : vector<1x512xf32> to vector<512x512xf32>
      %max3A_101 = arith.maximumf %max3A, %max3A_100 : vector<512x512xf32>
      %sub3A_102 = arith.subf %min3A_99, %max3A_101 : vector<512x512xf32>
      %jit3A_103 = arith.constant 0.000000e+00 : f32
      %max3A_104 = vector.broadcast %jit3A_103 : f32 to vector<512x512xf32>
      %max3A_105 = arith.maximumf %max3A_104, %sub3A_102 : vector<512x512xf32>
      %min3A_106 = vector.broadcast %get3A_78 : vector<512x1xf32> to vector<512x512xf32>
      %min3A_107 = vector.broadcast %get3A_90 : vector<1x512xf32> to vector<512x512xf32>
      %min3A_108 = arith.minimumf %min3A_106, %min3A_107 : vector<512x512xf32>
      %max3A_109 = vector.broadcast %get3A_72 : vector<512x1xf32> to vector<512x512xf32>
      %max3A_110 = vector.broadcast %get3A_84 : vector<1x512xf32> to vector<512x512xf32>
      %max3A_111 = arith.maximumf %max3A_109, %max3A_110 : vector<512x512xf32>
      %sub3A_112 = arith.subf %min3A_108, %max3A_111 : vector<512x512xf32>
      %jit3A_113 = arith.constant 0.000000e+00 : f32
      %max3A_114 = vector.broadcast %jit3A_113 : f32 to vector<512x512xf32>
      %max3A_115 = arith.maximumf %max3A_114, %sub3A_112 : vector<512x512xf32>
      %mul3A_116 = arith.mulf %max3A_105, %max3A_115 : vector<512x512xf32>
      %add3A_117 = vector.broadcast %mul3A_96 : vector<512x1xf32> to vector<512x512xf32>
      %add3A_118 = vector.broadcast %mul3A_93 : vector<1x512xf32> to vector<512x512xf32>
      %add3A_119 = arith.addf %add3A_117, %add3A_118 : vector<512x512xf32>
      %sub3A_120 = arith.subf %add3A_119, %mul3A_116 : vector<512x512xf32>
      %add3A_121 = arith.constant 9.99999971E-10 : f32
      %add3A_122 = vector.broadcast %add3A_121 : f32 to vector<512x512xf32>
      %add3A_123 = arith.addf %sub3A_120, %add3A_122 : vector<512x512xf32>
      %div3A_124 = arith.divf %mul3A_116, %add3A_123 : vector<512x512xf32>
      %gt3A_125 = arith.constant 4.500000e-01 : f32
      %gt3A_126 = vector.broadcast %gt3A_125 : f32 to vector<512x512xf32>
      %gt3A_127 = arith.cmpf ogt, %div3A_124, %gt3A_126 : vector<512x512xf32>
      %and3A_128 = arith.andi %gt3A_127, %lt3A : vector<512x512xi1>
      %jit3A_129 = arith.constant 1.000000e+00 : f32
      %jit3A_130 = arith.constant 0.000000e+00 : f32
      %broadcast_in_dim3A_131 = vector.broadcast %jit3A_129 : f32 to vector<512x512xf32>
      %broadcast_in_dim3A_132 = vector.broadcast %jit3A_130 : f32 to vector<512x512xf32>
      %select_n3A_133 = arith.select %and3A_128, %broadcast_in_dim3A_131, %broadcast_in_dim3A_132 : vector<512x512xi1>, vector<512x512xf32>
      %get3A_134 = arith.constant 0 : index
      %get3A_135 = arith.index_cast %mul3A_66 : i32 to index
      %get3A_136 = vector.load %arg3[%get3A_134, %get3A_135] : memref<1x5120xf32, #tpu.memory_space<vmem>>, vector<1x512xf32>
      %while3A_137 = arith.constant 1 : i32
      %while3A_138:2 = scf.while (%while3A_156 = %get3A_136, %while3A_157 = %while3A_137) : (vector<1x512xf32>, i32) -> (vector<1x512xf32>, i32) {
        %gt3A_158 = arith.constant 0 : i32
        %gt3A_159 = arith.cmpi sgt, %while3A_157, %gt3A_158 : i32
        scf.condition(%gt3A_159) %while3A_156, %while3A_157 : vector<1x512xf32>, i32
      } do {
      ^bb0(%while3A_156: vector<1x512xf32>, %while3A_157: i32):
        %dot_general3A = arith.constant dense<0.000000e+00> : vector<1x512xf32>
        %dot_general3A_158 = tpu.matmul %while3A_156, %select_n3A_133, %dot_general3A {dimension_numbers = #tpu.dot_dimension_numbers<[1], [0], [0], [1], [0, 0, 1, 1], [], []>, transpose_lhs_hint = false} : vector<1x512xf32>, vector<512x512xf32>, vector<1x512xf32> -> vector<1x512xf32>
        %gt3A_159 = arith.constant 0.000000e+00 : f32
        %gt3A_160 = vector.broadcast %gt3A_159 : f32 to vector<1x512xf32>
        %gt3A_161 = arith.cmpf ogt, %dot_general3A_158, %gt3A_160 : vector<1x512xf32>
        %jit3A_162 = arith.constant 1.000000e+00 : f32
        %jit3A_163 = arith.constant 0.000000e+00 : f32
        %broadcast_in_dim3A_164 = vector.broadcast %jit3A_162 : f32 to vector<1x512xf32>
        %broadcast_in_dim3A_165 = vector.broadcast %jit3A_163 : f32 to vector<1x512xf32>
        %select_n3A_166 = arith.select %gt3A_161, %broadcast_in_dim3A_164, %broadcast_in_dim3A_165 : vector<1x512xi1>, vector<1x512xf32>
        %sub3A_167 = arith.constant 1.000000e+00 : f32
        %sub3A_168 = vector.broadcast %sub3A_167 : f32 to vector<1x512xf32>
        %sub3A_169 = arith.subf %sub3A_168, %select_n3A_166 : vector<1x512xf32>
        %mul3A_170 = arith.mulf %get3A_136, %sub3A_169 : vector<1x512xf32>
        %sub3A_171 = arith.subf %mul3A_170, %while3A_156 : vector<1x512xf32>
        %abs3A = math.absf %sub3A_171 : vector<1x512xf32>
        %reduce_sum3A_172 = vector.shape_cast %abs3A : vector<1x512xf32> to vector<1x1x512xf32>
        %reduce_sum3A_173 = arith.constant dense<0.000000e+00> : vector<1xf32>
        %reduce_sum3A_174 = vector.multi_reduction <add>, %reduce_sum3A_172, %reduce_sum3A_173 [1, 2] : vector<1x1x512xf32> to vector<1xf32>
        %reduce_sum3A_175 = vector.shape_cast %reduce_sum3A_174 : vector<1xf32> to vector<1x1x1xf32>
        %reduce_sum3A_176 = vector.extract %reduce_sum3A_175[0, 0, 0] : f32 from vector<1x1x1xf32>
        %gt3A_177 = arith.constant 0.000000e+00 : f32
        %gt3A_178 = arith.cmpf ogt, %reduce_sum3A_176, %gt3A_177 : f32
        %convert_element_type3A_179 = arith.extui %gt3A_178 : i1 to i32
        scf.yield %mul3A_170, %convert_element_type3A_179 : vector<1x512xf32>, i32
      }
      %swap3A_139 = arith.constant 0 : index
      %swap3A_140 = arith.index_cast %mul3A_66 : i32 to index
      %swap3A_141 = vector.load %arg3[%swap3A_139, %swap3A_140] : memref<1x5120xf32, #tpu.memory_space<vmem>>, vector<1x512xf32>
      tpu.vector_store %arg3[%swap3A_139, %swap3A_140], %while3A_138#0 {strides = array<i32>} : memref<1x5120xf32, #tpu.memory_space<vmem>>, vector<1x512xf32>,
      %add3A_142 = arith.constant 1 : i32
      %add3A_143 = arith.addi %while3A_63, %add3A_142 : i32
      %while3A_144 = arith.constant 0 : i32
      %while3A_145 = arith.subi %min3A_50, %add3A_143 : i32
      %while3A_146 = arith.addi %add3A_143, %while3A_145 : i32
      %while3A_147 = arith.constant 1 : i32
      %while3A_148 = arith.divsi %while3A_145, %while3A_147 : i32
      %while3A_149 = arith.muli %while3A_148, %while3A_147 : i32
      %while3A_150 = arith.addi %add3A_143, %while3A_149 : i32
      %while3A_151 = arith.constant 1 : i32
      %while3A_152 = scf.for %while3A_156 = %add3A_143 to %while3A_150 step %while3A_151 iter_args(%while3A_157 = %while3A_144) -> (i32)  : i32 {
        %mul3A_158 = arith.constant 512 : i32
        %mul3A_159 = arith.muli %while3A_156, %mul3A_158 : i32
        %get3A_160 = arith.constant 0 : index
        %get3A_161 = arith.index_cast %mul3A_159 : i32 to index
        %get3A_162 = vector.load %arg1[%get3A_160, %get3A_161] : memref<4x5120xf32, #tpu.memory_space<vmem>>, vector<1x512xf32>
        %get3A_163 = arith.constant 1 : index
        %get3A_164 = arith.index_cast %mul3A_159 : i32 to index
        %get3A_165 = vector.load %arg1[%get3A_163, %get3A_164] : memref<4x5120xf32, #tpu.memory_space<vmem>>, vector<1x512xf32>
        %get3A_166 = arith.constant 2 : index
        %get3A_167 = arith.index_cast %mul3A_159 : i32 to index
        %get3A_168 = vector.load %arg1[%get3A_166, %get3A_167] : memref<4x5120xf32, #tpu.memory_space<vmem>>, vector<1x512xf32>
        %get3A_169 = arith.constant 3 : index
        %get3A_170 = arith.index_cast %mul3A_159 : i32 to index
        %get3A_171 = vector.load %arg1[%get3A_169, %get3A_170] : memref<4x5120xf32, #tpu.memory_space<vmem>>, vector<1x512xf32>
        %get3A_172 = arith.constant 0 : index
        %get3A_173 = arith.index_cast %mul3A_159 : i32 to index
        %get3A_174 = vector.load %arg4[%get3A_172, %get3A_173] : memref<1x5120xf32, #tpu.memory_space<vmem>>, vector<1x512xf32>
        %min3A_175 = vector.broadcast %get3A_75 : vector<512x1xf32> to vector<512x512xf32>
        %min3A_176 = vector.broadcast %get3A_168 : vector<1x512xf32> to vector<512x512xf32>
        %min3A_177 = arith.minimumf %min3A_175, %min3A_176 : vector<512x512xf32>
        %max3A_178 = vector.broadcast %get3A_69 : vector<512x1xf32> to vector<512x512xf32>
        %max3A_179 = vector.broadcast %get3A_162 : vector<1x512xf32> to vector<512x512xf32>
        %max3A_180 = arith.maximumf %max3A_178, %max3A_179 : vector<512x512xf32>
        %sub3A_181 = arith.subf %min3A_177, %max3A_180 : vector<512x512xf32>
        %jit3A_182 = arith.constant 0.000000e+00 : f32
        %max3A_183 = vector.broadcast %jit3A_182 : f32 to vector<512x512xf32>
        %max3A_184 = arith.maximumf %max3A_183, %sub3A_181 : vector<512x512xf32>
        %min3A_185 = vector.broadcast %get3A_78 : vector<512x1xf32> to vector<512x512xf32>
        %min3A_186 = vector.broadcast %get3A_171 : vector<1x512xf32> to vector<512x512xf32>
        %min3A_187 = arith.minimumf %min3A_185, %min3A_186 : vector<512x512xf32>
        %max3A_188 = vector.broadcast %get3A_72 : vector<512x1xf32> to vector<512x512xf32>
        %max3A_189 = vector.broadcast %get3A_165 : vector<1x512xf32> to vector<512x512xf32>
        %max3A_190 = arith.maximumf %max3A_188, %max3A_189 : vector<512x512xf32>
        %sub3A_191 = arith.subf %min3A_187, %max3A_190 : vector<512x512xf32>
        %jit3A_192 = arith.constant 0.000000e+00 : f32
        %max3A_193 = vector.broadcast %jit3A_192 : f32 to vector<512x512xf32>
        %max3A_194 = arith.maximumf %max3A_193, %sub3A_191 : vector<512x512xf32>
        %mul3A_195 = arith.mulf %max3A_184, %max3A_194 : vector<512x512xf32>
        %add3A_196 = vector.broadcast %mul3A_96 : vector<512x1xf32> to vector<512x512xf32>
        %add3A_197 = vector.broadcast %get3A_174 : vector<1x512xf32> to vector<512x512xf32>
        %add3A_198 = arith.addf %add3A_196, %add3A_197 : vector<512x512xf32>
        %sub3A_199 = arith.subf %add3A_198, %mul3A_195 : vector<512x512xf32>
        %add3A_200 = arith.constant 9.99999971E-10 : f32
        %add3A_201 = vector.broadcast %add3A_200 : f32 to vector<512x512xf32>
        %add3A_202 = arith.addf %sub3A_199, %add3A_201 : vector<512x512xf32>
        %div3A_203 = arith.divf %mul3A_195, %add3A_202 : vector<512x512xf32>
        %gt3A_204 = arith.constant 4.500000e-01 : f32
        %gt3A_205 = vector.broadcast %gt3A_204 : f32 to vector<512x512xf32>
        %gt3A_206 = arith.cmpf ogt, %div3A_203, %gt3A_205 : vector<512x512xf32>
        %jit3A_207 = arith.constant 1.000000e+00 : f32
        %jit3A_208 = arith.constant 0.000000e+00 : f32
        %broadcast_in_dim3A_209 = vector.broadcast %jit3A_207 : f32 to vector<512x512xf32>
        %broadcast_in_dim3A_210 = vector.broadcast %jit3A_208 : f32 to vector<512x512xf32>
        %select_n3A_211 = arith.select %gt3A_206, %broadcast_in_dim3A_209, %broadcast_in_dim3A_210 : vector<512x512xi1>, vector<512x512xf32>
        %dot_general3A = arith.constant dense<0.000000e+00> : vector<1x512xf32>
        %dot_general3A_212 = tpu.matmul %while3A_138#0, %select_n3A_211, %dot_general3A {dimension_numbers = #tpu.dot_dimension_numbers<[1], [0], [0], [1], [0, 0, 1, 1], [], []>, transpose_lhs_hint = false} : vector<1x512xf32>, vector<512x512xf32>, vector<1x512xf32> -> vector<1x512xf32>
        %gt3A_213 = arith.constant 0.000000e+00 : f32
        %gt3A_214 = vector.broadcast %gt3A_213 : f32 to vector<1x512xf32>
        %gt3A_215 = arith.cmpf ogt, %dot_general3A_212, %gt3A_214 : vector<1x512xf32>
        %get3A_216 = arith.constant 0 : index
        %get3A_217 = arith.index_cast %mul3A_159 : i32 to index
        %get3A_218 = vector.load %arg3[%get3A_216, %get3A_217] : memref<1x5120xf32, #tpu.memory_space<vmem>>, vector<1x512xf32>
        %convert_element_type3A_219 = arith.extui %gt3A_215 : vector<1x512xi1> to vector<1x512xi32>
        %convert_element_type3A_220 = arith.sitofp %convert_element_type3A_219 : vector<1x512xi32> to vector<1x512xf32>
        %sub3A_221 = arith.constant 1.000000e+00 : f32
        %sub3A_222 = vector.broadcast %sub3A_221 : f32 to vector<1x512xf32>
        %sub3A_223 = arith.subf %sub3A_222, %convert_element_type3A_220 : vector<1x512xf32>
        %mul3A_224 = arith.mulf %get3A_218, %sub3A_223 : vector<1x512xf32>
        %swap3A_225 = arith.constant 0 : index
        %swap3A_226 = arith.index_cast %mul3A_159 : i32 to index
        %swap3A_227 = vector.load %arg3[%swap3A_225, %swap3A_226] : memref<1x5120xf32, #tpu.memory_space<vmem>>, vector<1x512xf32>
        tpu.vector_store %arg3[%swap3A_225, %swap3A_226], %mul3A_224 {strides = array<i32>} : memref<1x5120xf32, #tpu.memory_space<vmem>>, vector<1x512xf32>,
        %while3A_228 = arith.constant 0 : i32
        scf.yield %while3A_228 : i32
      }
      %while3A_153 = arith.constant 1 : i32
      %while3A_154 = scf.for %while3A_156 = %while3A_150 to %while3A_146 step %while3A_153 iter_args(%while3A_157 = %while3A_152) -> (i32)  : i32 {
        %mul3A_158 = arith.constant 512 : i32
        %mul3A_159 = arith.muli %while3A_156, %mul3A_158 : i32
        %get3A_160 = arith.constant 0 : index
        %get3A_161 = arith.index_cast %mul3A_159 : i32 to index
        %get3A_162 = vector.load %arg1[%get3A_160, %get3A_161] : memref<4x5120xf32, #tpu.memory_space<vmem>>, vector<1x512xf32>
        %get3A_163 = arith.constant 1 : index
        %get3A_164 = arith.index_cast %mul3A_159 : i32 to index
        %get3A_165 = vector.load %arg1[%get3A_163, %get3A_164] : memref<4x5120xf32, #tpu.memory_space<vmem>>, vector<1x512xf32>
        %get3A_166 = arith.constant 2 : index
        %get3A_167 = arith.index_cast %mul3A_159 : i32 to index
        %get3A_168 = vector.load %arg1[%get3A_166, %get3A_167] : memref<4x5120xf32, #tpu.memory_space<vmem>>, vector<1x512xf32>
        %get3A_169 = arith.constant 3 : index
        %get3A_170 = arith.index_cast %mul3A_159 : i32 to index
        %get3A_171 = vector.load %arg1[%get3A_169, %get3A_170] : memref<4x5120xf32, #tpu.memory_space<vmem>>, vector<1x512xf32>
        %get3A_172 = arith.constant 0 : index
        %get3A_173 = arith.index_cast %mul3A_159 : i32 to index
        %get3A_174 = vector.load %arg4[%get3A_172, %get3A_173] : memref<1x5120xf32, #tpu.memory_space<vmem>>, vector<1x512xf32>
        %min3A_175 = vector.broadcast %get3A_75 : vector<512x1xf32> to vector<512x512xf32>
        %min3A_176 = vector.broadcast %get3A_168 : vector<1x512xf32> to vector<512x512xf32>
        %min3A_177 = arith.minimumf %min3A_175, %min3A_176 : vector<512x512xf32>
        %max3A_178 = vector.broadcast %get3A_69 : vector<512x1xf32> to vector<512x512xf32>
        %max3A_179 = vector.broadcast %get3A_162 : vector<1x512xf32> to vector<512x512xf32>
        %max3A_180 = arith.maximumf %max3A_178, %max3A_179 : vector<512x512xf32>
        %sub3A_181 = arith.subf %min3A_177, %max3A_180 : vector<512x512xf32>
        %jit3A_182 = arith.constant 0.000000e+00 : f32
        %max3A_183 = vector.broadcast %jit3A_182 : f32 to vector<512x512xf32>
        %max3A_184 = arith.maximumf %max3A_183, %sub3A_181 : vector<512x512xf32>
        %min3A_185 = vector.broadcast %get3A_78 : vector<512x1xf32> to vector<512x512xf32>
        %min3A_186 = vector.broadcast %get3A_171 : vector<1x512xf32> to vector<512x512xf32>
        %min3A_187 = arith.minimumf %min3A_185, %min3A_186 : vector<512x512xf32>
        %max3A_188 = vector.broadcast %get3A_72 : vector<512x1xf32> to vector<512x512xf32>
        %max3A_189 = vector.broadcast %get3A_165 : vector<1x512xf32> to vector<512x512xf32>
        %max3A_190 = arith.maximumf %max3A_188, %max3A_189 : vector<512x512xf32>
        %sub3A_191 = arith.subf %min3A_187, %max3A_190 : vector<512x512xf32>
        %jit3A_192 = arith.constant 0.000000e+00 : f32
        %max3A_193 = vector.broadcast %jit3A_192 : f32 to vector<512x512xf32>
        %max3A_194 = arith.maximumf %max3A_193, %sub3A_191 : vector<512x512xf32>
        %mul3A_195 = arith.mulf %max3A_184, %max3A_194 : vector<512x512xf32>
        %add3A_196 = vector.broadcast %mul3A_96 : vector<512x1xf32> to vector<512x512xf32>
        %add3A_197 = vector.broadcast %get3A_174 : vector<1x512xf32> to vector<512x512xf32>
        %add3A_198 = arith.addf %add3A_196, %add3A_197 : vector<512x512xf32>
        %sub3A_199 = arith.subf %add3A_198, %mul3A_195 : vector<512x512xf32>
        %add3A_200 = arith.constant 9.99999971E-10 : f32
        %add3A_201 = vector.broadcast %add3A_200 : f32 to vector<512x512xf32>
        %add3A_202 = arith.addf %sub3A_199, %add3A_201 : vector<512x512xf32>
        %div3A_203 = arith.divf %mul3A_195, %add3A_202 : vector<512x512xf32>
        %gt3A_204 = arith.constant 4.500000e-01 : f32
        %gt3A_205 = vector.broadcast %gt3A_204 : f32 to vector<512x512xf32>
        %gt3A_206 = arith.cmpf ogt, %div3A_203, %gt3A_205 : vector<512x512xf32>
        %jit3A_207 = arith.constant 1.000000e+00 : f32
        %jit3A_208 = arith.constant 0.000000e+00 : f32
        %broadcast_in_dim3A_209 = vector.broadcast %jit3A_207 : f32 to vector<512x512xf32>
        %broadcast_in_dim3A_210 = vector.broadcast %jit3A_208 : f32 to vector<512x512xf32>
        %select_n3A_211 = arith.select %gt3A_206, %broadcast_in_dim3A_209, %broadcast_in_dim3A_210 : vector<512x512xi1>, vector<512x512xf32>
        %dot_general3A = arith.constant dense<0.000000e+00> : vector<1x512xf32>
        %dot_general3A_212 = tpu.matmul %while3A_138#0, %select_n3A_211, %dot_general3A {dimension_numbers = #tpu.dot_dimension_numbers<[1], [0], [0], [1], [0, 0, 1, 1], [], []>, transpose_lhs_hint = false} : vector<1x512xf32>, vector<512x512xf32>, vector<1x512xf32> -> vector<1x512xf32>
        %gt3A_213 = arith.constant 0.000000e+00 : f32
        %gt3A_214 = vector.broadcast %gt3A_213 : f32 to vector<1x512xf32>
        %gt3A_215 = arith.cmpf ogt, %dot_general3A_212, %gt3A_214 : vector<1x512xf32>
        %get3A_216 = arith.constant 0 : index
        %get3A_217 = arith.index_cast %mul3A_159 : i32 to index
        %get3A_218 = vector.load %arg3[%get3A_216, %get3A_217] : memref<1x5120xf32, #tpu.memory_space<vmem>>, vector<1x512xf32>
        %convert_element_type3A_219 = arith.extui %gt3A_215 : vector<1x512xi1> to vector<1x512xi32>
        %convert_element_type3A_220 = arith.sitofp %convert_element_type3A_219 : vector<1x512xi32> to vector<1x512xf32>
        %sub3A_221 = arith.constant 1.000000e+00 : f32
        %sub3A_222 = vector.broadcast %sub3A_221 : f32 to vector<1x512xf32>
        %sub3A_223 = arith.subf %sub3A_222, %convert_element_type3A_220 : vector<1x512xf32>
        %mul3A_224 = arith.mulf %get3A_218, %sub3A_223 : vector<1x512xf32>
        %swap3A_225 = arith.constant 0 : index
        %swap3A_226 = arith.index_cast %mul3A_159 : i32 to index
        %swap3A_227 = vector.load %arg3[%swap3A_225, %swap3A_226] : memref<1x5120xf32, #tpu.memory_space<vmem>>, vector<1x512xf32>
        tpu.vector_store %arg3[%swap3A_225, %swap3A_226], %mul3A_224 {strides = array<i32>} : memref<1x5120xf32, #tpu.memory_space<vmem>>, vector<1x512xf32>,
        %while3A_228 = arith.constant 0 : i32
        scf.yield %while3A_228 : i32
      }
      %while3A_155 = arith.constant 0 : i32
      scf.yield %while3A_155 : i32
    }
    return
  }
}

</mosaic_0001>

<sc_bundles>
// kernel: kernel.4.cloned.1.call-start
scs
__scs_entry_jumppad:
0x0: {  	(pc) =	sbr.rel $0x88, $3  }
0x1: {  	(tag) =	ssettag $0x0;
	lr =	simm.s32 $0x1  }
0x2: {  	[smem:$0x3F9F] =	sst lr;
	_ =	strace $0xD0000000  }
0x3: {  	_ = 	snop  }
0x4: {  	_ = 	snop  }
0x5: {  	_ = 	snop  }
0x6: {  	_ = 	snop  }
0x7: {  	_ = 	snop  }
__scs_overlays_trampoline_lowered:
0x8: {  	[smem:$0x3FAE] =	sst s0  }
0x9: {  	[smem:$0x3FAF] =	sst s1  }
0xa: {  	[smem:$0x3FB0] =	sst s2  }
0xb: {  	[smem:$0x3FB1] =	sst s3  }
0xc: {  	[smem:$0x3FB2] =	sst s4  }
0xd: {  	[smem:$0x3FB3] =	sst s5  }
0xe: {  	[smem:$0x3FB4] =	sst s6  }
0xf: {  	[smem:$0x3FB5] =	sst s7  }
0x10: {  	[smem:$0x3FB6] =	sst s8  }
0x11: {  	[smem:$0x3FB7] =	sst s9;
	s0 =	simm.s32 @!p0 $0x0  }
0x12: {  	s1 =	sld [smem:$0x3F9D];
	s0 =	simm.s32 @p0 $0x1  }
0x13: {  	[smem:$0x3FB8] =	sst s0;
	s0 =	simm.s32 @!p1 $0x0  }
0x14: {  	s2 =	sld [smem:$0x3F9C];
	s0 =	simm.s32 @p1 $0x1  }
0x15: {  	[smem:$0x3FB9] =	sst s0;
	s0 =	simm.s32 @!p2 $0x0  }
0x16: {  	s3 =	sld [smem:$0x3FDB];
	s0 =	simm.s32 @p2 $0x1  }
0x17: {  	s4 =	simm.s32 $0x1BF5;
	[smem:$0x3FBB] =	sst s0  }
0x18: {  	s0 =	sld [smem:$0x3F9E];
	_ =	swait.ge [sflag:s4], $0x0  }
0x19: {  	s7 =	sld [smem:$0x3F9F]  }
0x1a: {  	s8 =	sadd.s32 $0xFFFFE003, lr  }
0x1b: {  	s9 =	sadd.s32 $0xFFFFFEF7, lr;
	s5 =	simm.s32 $0xFFFFFFFF;
	p2 =	slt.u32 s8, $0xFFFFF086  }
0x1c: {  	p1 =	slt.u32 s9, $0xF7A;
	s5 =	simm.s32 @!p2 $0x0  }
0x1d: {  	s5 =	simm.s32 @p1 $0x1;
	p0 =	seq.s32 s7, s2  }
0x1e: {  	s7 =	smul.u32 @!p0 $0xF7A, s2;
	p2 =	seq.s32 @!p0 s5, $0x0  }
0x1f: {  	s9 =	smul.u32 $0xF7A, s1;
	s8 =	simm.s32 @!p0 $0x1BF5;
	p2 =	por !p2, p0  }
0x20: {  	[sflag:s8] =	ssyncset.s32 @!p0 $0xFFFFF086;
	s6 =	sadd.s32 @!p0 s3, s7;
	s7 =	simm.s32 @!p0 $0x108  }
0x21: {  	s3 =	sadd.s32 s3, s9;
	s6 =	sadd.s32 @!p0 $0x88, s6;
	s7 =	simm.s32 @p2 $0x1082  }
0x22: {  	[simem:s7], [sflag:s8] =	dma.local @!p0 [hbm:s6], $0xF7A  }
0x23: {  	s9 =	sor.u32 $0xD0000000, s2;
	s6 =	simm.s32 $0x108;
	_ =	swait.ge @!p0 [sflag:s8], $0x0  }
0x24: {  	s3 =	sadd.s32 $0x88, s3;
	s6 =	simm.s32 @!p1 $0x1082;
	[sflag:s4] =	ssyncset.s32 $0xFFFFF086  }
0x25: {  	[simem:s6], [sflag:s4] =	dma.local [hbm:s3], $0xF7A  }
0x26: {  	[smem:$0x3F9F] =	sst s1;
	(tag) =	ssettag s2;
	_ =	strace s9  }
0x27: {  	s1 =	sld [smem:$0x3FAF]  }
0x28: {  	s2 =	sld [smem:$0x3FB0]  }
0x29: {  	s4 =	sld [smem:$0x3FB2]  }
0x2a: {  	p0 =	seq.s32 s5, $0x0;
	s5 =	sld [smem:$0x3FB3]  }
0x2b: {  	s6 =	sld [smem:$0x3FB4]  }
0x2c: {  	s7 =	sld [smem:$0x3FB5]  }
0x2d: {  	s3 =	simm.s32 $0x108;
	s8 =	sld [smem:$0x3FB6]  }
0x2e: {  	s3 =	simm.s32 @!p0 $0x1082;
	s9 =	sld [smem:$0x3FB7]  }
0x2f: {  	lr =	sadd.s32 s0, s3;
	s0 =	sld [smem:$0x3FAE]  }
0x30: {  	s3 =	sld [smem:$0x3FB1]  }
0x31: {  	[smem:$0x3FBA] =	sst s10  }
0x32: {  	s10 =	sld [smem:$0x3FB8];
	_ =	sdelay $0x3  }
0x33: {  	p0 =	seq.s32 s10, $0x1;
	s10 =	sld [smem:$0x3FBA];
	_ =	sdelay $0x3  }
0x34: {  	[smem:$0x3FBA] =	sst s10  }
0x35: {  	s10 =	sld [smem:$0x3FB9];
	_ =	sdelay $0x3  }
0x36: {  	p1 =	seq.s32 s10, $0x1;
	s10 =	sld [smem:$0x3FBA];
	_ =	sdelay $0x3  }
0x37: {  	[smem:$0x3FBA] =	sst s10  }
0x38: {  	s10 =	sld [smem:$0x3FBB]  }
0x39: {  	_ = 	snop;
	(pc) =	sbr.ind lr, $3  }
0x3a: {  	_ = 	snop  }
0x3b: {  	_ = 	snop  }
0x3c: {  	p2 =	seq.s32 s10, $0x1;
	s10 =	sld [smem:$0x3FBA]  }
0x3d: {  	_ =	shalt  }
0x3e: {  	_ =	shalt  }
0x3f: {  	_ =	shalt  }
0x40: {  	_ =	shalt  }
0x41: {  	_ =	shalt  }
0x42: {  	_ =	shalt  }
0x43: {  	_ =	shalt  }
0x44: {  	_ =	shalt  }
0x45: {  	_ =	shalt  }
0x46: {  	_ =	shalt  }
0x47: {  	_ =	shalt  }
0x48: {  	_ =	shalt  }
0x49: {  	_ =	shalt  }
0x4a: {  	_ =	shalt  }
0x4b: {  	_ =	shalt  }
0x4c: {  	_ =	shalt  }
0x4d: {  	_ =	shalt  }
0x4e: {  	_ =	shalt  }
0x4f: {  	_ =	shalt  }
0x50: {  	_ =	shalt  }
0x51: {  	_ =	shalt  }
0x52: {  	_ =	shalt  }
0x53: {  	_ =	shalt  }
0x54: {  	_ =	shalt  }
0x55: {  	_ =	shalt  }
0x56: {  	_ =	shalt  }
0x57: {  	_ =	shalt  }
0x58: {  	_ =	shalt  }
0x59: {  	_ =	shalt  }
0x5a: {  	_ =	shalt  }
0x5b: {  	_ =	shalt  }
0x5c: {  	_ =	shalt  }
0x5d: {  	_ =	shalt  }
0x5e: {  	_ =	shalt  }
0x5f: {  	_ =	shalt  }
0x60: {  	_ =	shalt  }
0x61: {  	_ =	shalt  }
0x62: {  	_ =	shalt  }
0x63: {  	_ =	shalt  }
0x64: {  	_ =	shalt  }
0x65: {  	_ =	shalt  }
0x66: {  	_ =	shalt  }
0x67: {  	_ =	shalt  }
0x68: {  	_ =	shalt  }
0x69: {  	_ =	shalt  }
0x6a: {  	_ =	shalt  }
0x6b: {  	_ =	shalt  }
0x6c: {  	_ =	shalt  }
0x6d: {  	_ =	shalt  }
0x6e: {  	_ =	shalt  }
0x6f: {  	_ =	shalt  }
0x70: {  	_ =	shalt  }
0x71: {  	_ =	shalt  }
0x72: {  	_ =	shalt  }
0x73: {  	_ =	shalt  }
0x74: {  	_ =	shalt  }
0x75: {  	_ =	shalt  }
0x76: {  	_ =	shalt  }
0x77: {  	_ =	shalt  }
0x78: {  	_ =	shalt  }
0x79: {  	_ =	shalt  }
0x7a: {  	_ =	shalt  }
0x7b: {  	_ =	shalt  }
0x7c: {  	_ =	shalt  }
0x7d: {  	_ =	shalt  }
0x7e: {  	_ =	shalt  }
0x7f: {  	_ =	shalt  }
0x80: {  	_ =	shalt  }
0x81: {  	_ =	shalt  }
0x82: {  	_ =	shalt  }
0x83: {  	_ =	shalt  }
0x84: {  	_ =	shalt  }
0x85: {  	_ =	shalt  }
0x86: {  	_ =	shalt  }
0x87: {  	_ =	shalt  }
.Lfunc_end0:
.L_simem_size_0:
called_computation_lowered:
.L_overlay_start_0:
0x88: {  	s2 =	sld [smem:$0x3FD9]  }
0x89: {  	s3 =	sld [smem:$0x3FFE];
	_ =	sdelay $0x1  }
0x8a: {  	s1 =	srdreg.scid  }
0x8b: {  	s0 =	sand.u32 $0x1, s1  }
0x8c: {  	s17 =	sshll.u32 s0, $0xA;
	s2 =	sadd.s32 s3, s2  }
0x8d: {  	s2 =	sadd.s32 s2, s17  }
0x8e: {  	[smem:$0x3FC6] =	sst s2  }
0x8f: {  	_ = 	snop  }
0x90: {  	s2 =	sld [smem:$0x3FD0];
	(tm) =	ssettm $0x1  }
0x91: {  	s18 =	sld [smem:$0x3FFB];
	_ =	sdelay $0x3  }
0x92: {  	_ =	strace s18  }
0x93: {  	s3 =	sld [smem:$0x3FFC];
	_ =	sdelay $0x3  }
0x94: {  	_ =	strace s3  }
0x95: {  	s3 =	sld [smem:$0x3FFD];
	_ =	sdelay $0x3  }
0x96: {  	_ =	strace s3  }
0x97: {  	_ =	strace $0x8FFFFFFF  }
0x98: {  	s19 =	sld [smem:$0x3FDB];
	_ =	sdelay $0x1  }
0x99: {  	s4 =	simm.s32 $_scs_section_size  }
0x9a: {  	s5 =	simm.s32 $_size__tile_overlayer_lowered;
	s6 =	simm.s32 $_tile_overlayer_lowered  }
0x9b: {  	s22 =	simm.s32 $0x1BFF;
	s21 =	sshll.u32 s6, $0x1;
	s3 =	sadd.s32 s4, s19  }
0x9c: {  	s7 =	simm.s32 $0x0;
	s20 =	sshll.u32 s5, $0x1;
	s5 =	sadd.s32 s21, s3  }
0x9d: {  	[timem:s7], [sflag:s22] =	dma.local [hbm:s5], s20  }
0x9e: {  	_ =	swait.ge [sflag:s22], s20  }
0x9f: {  	s4 =	ssub.s32 $0x0, s20;
	[sflag:s22] =	ssyncset.done $0x0  }
0xa0: {  	[sflag:s22] =	ssyncadd.s32 s4;
	_ =	sdelay $0x1  }
0xa1: {  	s23 =	simm.s32 $0x1B8B  }
0xa2: {  	_ =	swait.ge [sflag:s23], $0x1  }
0xa3: {  	[sflag:s23] =	ssyncset.done $0x0  }
0xa4: {  	s25 =	simm.s32 $0x1B8E;
	s24 =	sld [smem:$0x3FFE];
	[sflag:s23] =	ssyncadd.s32 $0xFFFFFFFF  }
0xa5: {  	s26 =	simm.s32 $execute0_lowered;
	[smem:$0x3FD2] =	sst s25  }
0xa6: {  	s5 =	sshll.u32 s26, $0x1;
	_ =	strace $0x80000046;
	[dreg:$0x1] =	wrdreg $0xFFFFFFFF  }
0xa7: {  	s28 =	simm.s32 $_size_execute0_lowered;
	s3 =	sadd.s32 s3, s5;
	[dreg:$0x0] =	wrdreg $0x0  }
0xa8: {  	s5 =	sshll.u32 s28, $0x1;
	[dreg:$0x2] =	wrdreg s3  }
0xa9: {  	[dreg:$0x3] =	wrdreg s5  }
0xaa: {  	[dreg:$0x4] =	wrdreg $0xC0  }
0xab: {  	_ =	task [dreg:s7], $0x5FFFF  }
0xac: {  	[dreg:$0x1] =	wrdreg $0xFFFFFFFF  }
0xad: {  	[dreg:$0x0] =	wrdreg $0x60  }
0xae: {  	[dreg:$0x2] =	wrdreg s2  }
0xaf: {  	[dreg:$0x3] =	wrdreg s24  }
0xb0: {  	[dreg:$0x4] =	wrdreg $0x9  }
0xb1: {  	_ =	task.clear_ibuf [dreg:s7], $0x5FFFF;
	_ =	strace $0x90000046  }
0xb2: {  	s29 =	simm.s32 $0x9;
	_ =	strace $0x80000048  }
0xb3: {  	_ =	swait.ge [sflag:s29], $0x1  }
0xb4: {  	[sflag:s29] =	ssyncadd.s32 $0xFFFFFFFF  }
0xb5: {  	_ =	strace $0x90000048  }
0xb6: {  	_ =	sfence  }
0xb7: {  	s30 =	sld [smem:$0x0];
	_ =	sdelay $0x2  }
0xb8: {  	s31 =	sshll.u32 s1, $0xD;
	s1 =	sshrl.u32 s1, $0x2  }
0xb9: {  	s3 =	sand.u32 $0x4000, s31;
	s1 =	sadd.s32 s1, s30  }
0xba: {  	s0 =	sor.u32 s3, s0;
	s1 =	sshll.u32 s1, $0x11  }
0xbb: {  	s0 =	sor.u32 s1, s0  }
0xbc: {  	s0 =	sadd.s32 $0x8F2B, s0  }
0xbd: {  	[sflag:s0] =	ssyncadd.remote.s32 $0x1  }
0xbe: {  	_ =	sfence.sel $0xFFFF  }
0xbf: {  	[dreg:$0x0] =	wrdreg $0xFFFFFFFF;
	(pc) =	sbr.abs _section_cstart, $3  }
0xc0: {  	[dreg:$0x1] =	wrdreg $0xFFFFFFFF  }
0xc1: {  	_ =	task.clear_ibuf [dreg:s7], $0x2FFFF;
	_ =	strace $0x9FFFFFFF  }
0xc2: {  	(tm) =	ssettm $0x7FFFFFFF  }
0xc3: {  	_ =	shalt  }
tec
execute0_lowered:
.L_overlay_start_1:
0x0: {  	(tag) =	ssettag $0x1  }
0x1: {  	s1 =	stileid.u32  }
0x2: {  	p0 =	sgt.u32 s1, $0x9  }
.Ltmp0:
0x3: {  	_ = 	snop;
	(pc) =	sbr.rel @p0 .LBB2_3-.Ltmp0, $4  }
0x4: {  	s2 =	rddreg [dreg:$0x0]  }
0x5: {  	s7 =	rddreg [dreg:$0x1];
	s3 =	simm.s32 $0x0  }
0x6: {  	[smem:$0x7FF] =	sst s3  }
0x7: {  	s0 =	rddreg [dreg:$0x2];
	_ =	strace $0x80000047  }
0x8: {  	v0 =	vlaneseq.u32  }
0x9: {  	v0 =	vmul.u32 $0x4, v0;
	_ =	sdelay $0x1  }
0xa: {  	v1 =	vor.u32 $0x1, v0  }
0xb: {  	v5 =	vor.u32 $0x41, v0;
	v6 =	vor.u32 $0x42, v0;
	v7 =	vor.u32 $0x43, v0  }
0xc: {  	v8 =	vor.u32 $0x80, v0;
	v9 =	vor.u32 $0x81, v0;
	v10 =	vor.u32 $0x82, v0  }
0xd: {  	v11 =	vor.u32 $0x83, v0;
	v12 =	vor.u32 $0xC0, v0;
	v13 =	vor.u32 $0xC1, v0  }
0xe: {  	v14 =	vor.u32 $0xC2, v0;
	v15 =	vor.u32 $0xC3, v0;
	v16 =	vor.u32 $0x100, v0  }
0xf: {  	v17 =	vor.u32 $0x101, v0;
	v18 =	vor.u32 $0x102, v0;
	v19 =	vor.u32 $0x103, v0  }
0x10: {  	v20 =	vor.u32 $0x140, v0;
	v21 =	vor.u32 $0x141, v0;
	v22 =	vor.u32 $0x142, v0  }
0x11: {  	v23 =	vor.u32 $0x143, v0;
	v24 =	vor.u32 $0x180, v0;
	v25 =	vor.u32 $0x181, v0  }
0x12: {  	v26 =	vor.u32 $0x182, v0;
	v27 =	vor.u32 $0x183, v0;
	v28 =	vor.u32 $0x1C0, v0  }
0x13: {  	v29 =	vor.u32 $0x1C1, v0;
	v30 =	vor.u32 $0x1C2, v0;
	v31 =	vor.u32 $0x1C3, v0  }
0x14: {  	v32 =	vor.u32 $0x200, v0;
	v33 =	vor.u32 $0x201, v0;
	v34 =	vor.u32 $0x202, v0  }
0x15: {  	v35 =	vor.u32 $0x203, v0;
	v36 =	vor.u32 $0x240, v0;
	v37 =	vor.u32 $0x241, v0  }
0x16: {  	v38 =	vor.u32 $0x242, v0;
	v39 =	vor.u32 $0x243, v0;
	v40 =	vor.u32 $0x280, v0  }
0x17: {  	v41 =	vor.u32 $0x281, v0;
	v42 =	vor.u32 $0x282, v0;
	v43 =	vor.u32 $0x283, v0  }
0x18: {  	s4 =	srdreg.scid;
	s31 =	sshll.u32 s1, $0x1;
	v44 =	vor.u32 $0x2C0, v0;
	v45 =	vor.u32 $0x2C1, v0;
	v46 =	vor.u32 $0x2C2, v0  }
0x19: {  	s6 =	sadd.s32 $0x660, s7;
	s14 =	simm.s32 $0x5380;
	s8 =	sand.u32 $0x1, s4;
	v47 =	vor.u32 $0x2C3, v0;
	v48 =	vor.u32 $0x300, v0;
	v49 =	vor.u32 $0x301, v0  }
0x1a: {  	s15 =	simm.s32 $0x5780;
	s12 =	sor.u32 s8, s31;
	s11 =	ssub.s32 $0x2, s8;
	v50 =	vor.u32 $0x302, v0;
	v51 =	vor.u32 $0x303, v0;
	v52 =	vor.u32 $0x340, v0  }
0x1b: {  	s4 =	sshll.u32 s12, $0x7;
	s5 =	sshll.u32 s12, $0x5;
	s13 =	sshrl.u32 s11, $0x1;
	v53 =	vor.u32 $0x341, v0;
	v54 =	vor.u32 $0x342, v0;
	v55 =	vor.u32 $0x343, v0  }
0x1c: {  	v56 =	vor.u32 $0x380, v0;
	v57 =	vor.u32 $0x381, v0;
	p0 =	seq.s32 s12, $0x13;
	s12 =	simm.s32 $0x1;
	[tilespmem:$0x1FFC0] =	vst v1;
	v1 =	vor.u32 $0x2, v0;
	s9 =	sadd.s32 s4, s7  }
0x1d: {  	v58 =	vor.u32 $0x382, v0;
	v59 =	vor.u32 $0x383, v0;
	s4 =	sadd.s32 s7, s5;
	s7 =	sadd.s32 $0x260, s7;
	s11 =	ssub.s32 s11, s13;
	[tilespmem:$0x1FFD0] =	vst v1;
	v1 =	vor.u32 $0x3, v0  }
0x1e: {  	v60 =	vor.u32 $0x3C0, v0;
	s13 =	simm.s32 $0x4F80;
	s5 =	sadd.s32 $0x400, s4;
	s8 =	sadd.s32 $0x800, s9;
	[tilespmem:$0x1FFE0] =	vst v1;
	v1 =	vor.u32 $0x40, v0  }
0x1f: {  	v61 =	vor.u32 $0x3C1, v0;
	v62 =	vor.u32 $0x3C2, v0;
	v63 =	vor.u32 $0x3C3, v0;
	s9 =	sadd.s32 $0x1200, s9;
	s10 =	sadd.s32 $0x1C00, s4;
	s11 =	smax.u32 s11, $0x1;
	[tilespmem:$0x1FFF0] =	vst v1  }
.LBB2_2:
0x20: {  	[tilespmem:s3], [sflag:$0x1] =	stream.linear.gather [hbm4b:s2+s3], $0x4E80, $0x38;
	[tilespmem:$0x5880] =	vst v63  }
0x21: {  	_ =	swait.ge [sflag:s12], $0x4E80  }
0x22: {  	[sflag:s12] =	ssyncset.done $0x0  }
0x23: {  	v1 =	vimm.s32 @p0 $0x0;
	[sflag:s12] =	ssyncadd.s32 $0xFFFFB180  }
0x24: {  	v2 =	vimm.f32 @p0 $0.0e+00;
	[tilespmem:$0x4E80] =	vst @p0 v1  }
0x25: {  	[tilespmem:$0x5780] =	vst @p0 v2  }
0x26: {  	[tilespmem:$0x4E90] =	vst @p0 v1  }
0x27: {  	[tilespmem:$0x5790] =	vst @p0 v2  }
0x28: {  	[tilespmem:$0x4EA0] =	vst @p0 v1  }
0x29: {  	[tilespmem:$0x57A0] =	vst @p0 v2  }
0x2a: {  	[tilespmem:$0x4EB0] =	vst @p0 v1  }
0x2b: {  	[tilespmem:$0x57B0] =	vst @p0 v2  }
0x2c: {  	[tilespmem:$0x4EC0] =	vst @p0 v1  }
0x2d: {  	[tilespmem:$0x57C0] =	vst @p0 v2  }
0x2e: {  	[tilespmem:$0x4ED0] =	vst @p0 v1  }
0x2f: {  	[tilespmem:$0x57D0] =	vst @p0 v2  }
0x30: {  	[tilespmem:$0x4EE0] =	vst @p0 v1  }
0x31: {  	[tilespmem:$0x57E0] =	vst @p0 v2  }
0x32: {  	[tilespmem:$0x4EF0] =	vst @p0 v1  }
0x33: {  	[tilespmem:$0x57F0] =	vst @p0 v2  }
0x34: {  	[tilespmem:$0x4F00] =	vst @p0 v1  }
0x35: {  	[tilespmem:$0x5800] =	vst @p0 v2  }
0x36: {  	[tilespmem:$0x4F10] =	vst @p0 v1  }
0x37: {  	[tilespmem:$0x5810] =	vst @p0 v2  }
0x38: {  	[tilespmem:$0x4F20] =	vst @p0 v1  }
0x39: {  	[tilespmem:$0x5820] =	vst @p0 v2  }
0x3a: {  	[tilespmem:$0x4F30] =	vst @p0 v1  }
0x3b: {  	[tilespmem:$0x5830] =	vst @p0 v2  }
0x3c: {  	[tilespmem:$0x4F40] =	vst @p0 v1  }
0x3d: {  	[tilespmem:$0x5840] =	vst @p0 v2  }
0x3e: {  	[tilespmem:$0x4F50] =	vst @p0 v1  }
0x3f: {  	[tilespmem:$0x5850] =	vst @p0 v2  }
0x40: {  	[tilespmem:$0x4F60] =	vst @p0 v1  }
0x41: {  	[tilespmem:$0x5860] =	vst @p0 v2  }
0x42: {  	[tilespmem:$0x4F70] =	vst @p0 v1  }
0x43: {  	s16 =	simm.s32 @p0 $0x0;
	s17 =	simm.s32 @p0 $0x4E80;
	[tilespmem:$0x5870] =	vst @p0 v2  }
0x44: {  	[tilespmem:s17], [sflag:$0x1] =	stream.linear.gather @p0 [hbm4b:s6+s16], $0x88, $0x38;
	[tilespmem:$0x5880] =	vst v63  }
0x45: {  	s17 =	simm.s32 @p0 $0x1  }
0x46: {  	_ =	swait.ge @p0 [sflag:s17], $0x88  }
0x47: {  	[sflag:s17] =	ssyncset.done @p0 $0x0  }
0x48: {  	s18 =	simm.s32 @p0 $0x5780;
	[sflag:s17] =	ssyncadd.s32 @p0 $0xFFFFFF78  }
0x49: {  	[tilespmem:s18], [sflag:$0x1] =	stream.linear.gather @p0 [hbm4b:s7+s16], $0x88, $0x38;
	[tilespmem:$0x5880] =	vst v63  }
0x4a: {  	_ =	swait.ge @p0 [sflag:s17], $0x88  }
0x4b: {  	[sflag:s17] =	ssyncset.done @p0 $0x0  }
0x4c: {  	s16 =	simm.s32 @!p0 $0x0;
	[sflag:s17] =	ssyncadd.s32 @p0 $0xFFFFFF78;
	s17 =	simm.s32 @!p0 $0x4E80  }
0x4d: {  	[tilespmem:s17], [sflag:$0x1] =	stream.linear.gather @!p0 [hbm4b:s5+s16], $0x100, $0x38;
	[tilespmem:$0x5880] =	vst v63  }
0x4e: {  	s17 =	simm.s32 @!p0 $0x1  }
0x4f: {  	_ =	swait.ge @!p0 [sflag:s17], $0x100  }
0x50: {  	[sflag:s17] =	ssyncset.done @!p0 $0x0  }
0x51: {  	s18 =	simm.s32 @!p0 $0x5780;
	[sflag:s17] =	ssyncadd.s32 @!p0 $0xFFFFFF00  }
0x52: {  	[tilespmem:s18], [sflag:$0x1] =	stream.linear.gather @!p0 [hbm4b:s4+s16], $0x100, $0x38;
	[tilespmem:$0x5880] =	vst v63  }
0x53: {  	_ =	swait.ge @!p0 [sflag:s17], $0x100  }
0x54: {  	[sflag:s17] =	ssyncset.done @!p0 $0x0  }
0x55: {  	[sflag:s17] =	ssyncadd.s32 @!p0 $0xFFFFFF00  }
0x56: {  	v1 =	vld [tilespmem:$0x4E80];
	_ =	sdelay $0x1  }
0x57: {  	v2 =	vld [tilespmem:$0x5780];
	_ =	sdelay $0x2  }
0x58: {  	v1 =	vshll.u32 v1, $0x2;
	_ =	sdelay $0x1  }
0x59: {  	v2 =	vsub.f32 $0.0e+00, v2;
	_ =	sdelay $0x1  }
0x5a: {  	[tilespmem:$0x5780] =	vst v2  }
0x5b: {  	v2 =	vld.idx.msk [tilespmem:v1+s3+$0x0], $0xffff;
	_ =	sdelay $0x1  }
0x5c: {  	v3 =	vor.u32 $0x1, v1;
	_ =	sdelay $0x2  }
0x5d: {  	v4 =	vld [tilespmem:$0x1FFC0];
	[tilespmem:$0x5380] =	vst v2  }
0x5e: {  	[tilespmem:v0+s13+$0x0] =	vst.idx.msk $0xffff, v2  }
0x5f: {  	v2 =	vld.idx.msk [tilespmem:v3+s3+$0x0], $0xffff;
	_ =	sdelay $0x1  }
0x60: {  	v3 =	vor.u32 $0x2, v1;
	_ =	sdelay $0x2  }
0x61: {  	[tilespmem:$0x5400] =	vst v2  }
0x62: {  	[tilespmem:v4+s13+$0x0] =	vst.idx.msk $0xffff, v2  }
0x63: {  	v2 =	vld.idx.msk [tilespmem:v3+s3+$0x0], $0xffff  }
0x64: {  	v3 =	vld [tilespmem:$0x1FFD0];
	_ =	sdelay $0x4  }
0x65: {  	v1 =	vor.u32 $0x3, v1;
	_ =	sdelay $0x1  }
0x66: {  	[tilespmem:$0x5480] =	vst v2  }
0x67: {  	[tilespmem:v3+s13+$0x0] =	vst.idx.msk $0xffff, v2;
	v2 =	vld [tilespmem:$0x1FFE0];
	_ =	sdelay $0x1  }
0x68: {  	v1 =	vld.idx.msk [tilespmem:v1+s3+$0x0], $0xffff;
	_ =	sdelay $0x4  }
0x69: {  	[tilespmem:$0x5500] =	vst v1  }
0x6a: {  	[tilespmem:v2+s13+$0x0] =	vst.idx.msk $0xffff, v1  }
0x6b: {  	v1 =	vld [tilespmem:$0x4E90];
	_ =	sdelay $0x1  }
0x6c: {  	v2 =	vld [tilespmem:$0x5790];
	_ =	sdelay $0x2  }
0x6d: {  	v1 =	vshll.u32 v1, $0x2;
	_ =	sdelay $0x1  }
0x6e: {  	v2 =	vsub.f32 $0.0e+00, v2  }
0x6f: {  	v4 =	vld [tilespmem:$0x1FFF0]  }
0x70: {  	[tilespmem:$0x5790] =	vst v2  }
0x71: {  	v2 =	vld.idx.msk [tilespmem:v1+s3+$0x0], $0xffff;
	_ =	sdelay $0x1  }
0x72: {  	v3 =	vor.u32 $0x1, v1;
	_ =	sdelay $0x2  }
0x73: {  	[tilespmem:$0x5390] =	vst v2  }
0x74: {  	[tilespmem:v4+s13+$0x0] =	vst.idx.msk $0xffff, v2  }
0x75: {  	v2 =	vld.idx.msk [tilespmem:v3+s3+$0x0], $0xffff;
	_ =	sdelay $0x1  }
0x76: {  	v3 =	vor.u32 $0x2, v1;
	_ =	sdelay $0x2  }
0x77: {  	[tilespmem:$0x5410] =	vst v2  }
0x78: {  	[tilespmem:v5+s13+$0x0] =	vst.idx.msk $0xffff, v2  }
0x79: {  	v2 =	vld.idx.msk [tilespmem:v3+s3+$0x0], $0xffff;
	_ =	sdelay $0x1  }
0x7a: {  	v1 =	vor.u32 $0x3, v1;
	_ =	sdelay $0x2  }
0x7b: {  	[tilespmem:$0x5490] =	vst v2  }
0x7c: {  	[tilespmem:v6+s13+$0x0] =	vst.idx.msk $0xffff, v2  }
0x7d: {  	v1 =	vld.idx.msk [tilespmem:v1+s3+$0x0], $0xffff;
	_ =	sdelay $0x4  }
0x7e: {  	[tilespmem:$0x5510] =	vst v1  }
0x7f: {  	[tilespmem:v7+s13+$0x0] =	vst.idx.msk $0xffff, v1  }
0x80: {  	v1 =	vld [tilespmem:$0x4EA0];
	_ =	sdelay $0x1  }
0x81: {  	v2 =	vld [tilespmem:$0x57A0];
	_ =	sdelay $0x2  }
0x82: {  	v1 =	vshll.u32 v1, $0x2;
	_ =	sdelay $0x1  }
0x83: {  	v2 =	vsub.f32 $0.0e+00, v2;
	_ =	sdelay $0x1  }
0x84: {  	[tilespmem:$0x57A0] =	vst v2  }
0x85: {  	v2 =	vld.idx.msk [tilespmem:v1+s3+$0x0], $0xffff;
	_ =	sdelay $0x1  }
0x86: {  	v3 =	vor.u32 $0x1, v1;
	_ =	sdelay $0x2  }
0x87: {  	[tilespmem:$0x53A0] =	vst v2  }
0x88: {  	[tilespmem:v8+s13+$0x0] =	vst.idx.msk $0xffff, v2  }
0x89: {  	v2 =	vld.idx.msk [tilespmem:v3+s3+$0x0], $0xffff;
	_ =	sdelay $0x1  }
0x8a: {  	v3 =	vor.u32 $0x2, v1;
	_ =	sdelay $0x2  }
0x8b: {  	[tilespmem:$0x5420] =	vst v2  }
0x8c: {  	[tilespmem:v9+s13+$0x0] =	vst.idx.msk $0xffff, v2  }
0x8d: {  	v2 =	vld.idx.msk [tilespmem:v3+s3+$0x0], $0xffff;
	_ =	sdelay $0x1  }
0x8e: {  	v1 =	vor.u32 $0x3, v1;
	_ =	sdelay $0x2  }
0x8f: {  	[tilespmem:$0x54A0] =	vst v2  }
0x90: {  	[tilespmem:v10+s13+$0x0] =	vst.idx.msk $0xffff, v2  }
0x91: {  	v1 =	vld.idx.msk [tilespmem:v1+s3+$0x0], $0xffff;
	_ =	sdelay $0x4  }
0x92: {  	[tilespmem:$0x5520] =	vst v1  }
0x93: {  	[tilespmem:v11+s13+$0x0] =	vst.idx.msk $0xffff, v1  }
0x94: {  	v1 =	vld [tilespmem:$0x4EB0];
	_ =	sdelay $0x1  }
0x95: {  	v2 =	vld [tilespmem:$0x57B0];
	_ =	sdelay $0x2  }
0x96: {  	v1 =	vshll.u32 v1, $0x2;
	_ =	sdelay $0x1  }
0x97: {  	v2 =	vsub.f32 $0.0e+00, v2;
	_ =	sdelay $0x1  }
0x98: {  	[tilespmem:$0x57B0] =	vst v2  }
0x99: {  	v2 =	vld.idx.msk [tilespmem:v1+s3+$0x0], $0xffff;
	_ =	sdelay $0x1  }
0x9a: {  	v3 =	vor.u32 $0x1, v1;
	_ =	sdelay $0x2  }
0x9b: {  	[tilespmem:$0x53B0] =	vst v2  }
0x9c: {  	[tilespmem:v12+s13+$0x0] =	vst.idx.msk $0xffff, v2  }
0x9d: {  	v2 =	vld.idx.msk [tilespmem:v3+s3+$0x0], $0xffff;
	_ =	sdelay $0x1  }
0x9e: {  	v3 =	vor.u32 $0x2, v1;
	_ =	sdelay $0x2  }
0x9f: {  	[tilespmem:$0x5430] =	vst v2  }
0xa0: {  	[tilespmem:v13+s13+$0x0] =	vst.idx.msk $0xffff, v2  }
0xa1: {  	v2 =	vld.idx.msk [tilespmem:v3+s3+$0x0], $0xffff;
	_ =	sdelay $0x1  }
0xa2: {  	v1 =	vor.u32 $0x3, v1;
	_ =	sdelay $0x2  }
0xa3: {  	[tilespmem:$0x54B0] =	vst v2  }
0xa4: {  	[tilespmem:v14+s13+$0x0] =	vst.idx.msk $0xffff, v2  }
0xa5: {  	v1 =	vld.idx.msk [tilespmem:v1+s3+$0x0], $0xffff;
	_ =	sdelay $0x4  }
0xa6: {  	[tilespmem:$0x5530] =	vst v1  }
0xa7: {  	[tilespmem:v15+s13+$0x0] =	vst.idx.msk $0xffff, v1  }
0xa8: {  	v1 =	vld [tilespmem:$0x4EC0];
	_ =	sdelay $0x1  }
0xa9: {  	v2 =	vld [tilespmem:$0x57C0];
	_ =	sdelay $0x2  }
0xaa: {  	v1 =	vshll.u32 v1, $0x2;
	_ =	sdelay $0x1  }
0xab: {  	v2 =	vsub.f32 $0.0e+00, v2;
	_ =	sdelay $0x1  }
0xac: {  	[tilespmem:$0x57C0] =	vst v2  }
0xad: {  	v2 =	vld.idx.msk [tilespmem:v1+s3+$0x0], $0xffff;
	_ =	sdelay $0x1  }
0xae: {  	v3 =	vor.u32 $0x1, v1;
	_ =	sdelay $0x2  }
0xaf: {  	[tilespmem:$0x53C0] =	vst v2  }
0xb0: {  	[tilespmem:v16+s13+$0x0] =	vst.idx.msk $0xffff, v2  }
0xb1: {  	v2 =	vld.idx.msk [tilespmem:v3+s3+$0x0], $0xffff;
	_ =	sdelay $0x1  }
0xb2: {  	v3 =	vor.u32 $0x2, v1;
	_ =	sdelay $0x2  }
0xb3: {  	[tilespmem:$0x5440] =	vst v2  }
0xb4: {  	[tilespmem:v17+s13+$0x0] =	vst.idx.msk $0xffff, v2  }
0xb5: {  	v2 =	vld.idx.msk [tilespmem:v3+s3+$0x0], $0xffff;
	_ =	sdelay $0x1  }
0xb6: {  	v1 =	vor.u32 $0x3, v1;
	_ =	sdelay $0x2  }
0xb7: {  	[tilespmem:$0x54C0] =	vst v2  }
0xb8: {  	[tilespmem:v18+s13+$0x0] =	vst.idx.msk $0xffff, v2  }
0xb9: {  	v1 =	vld.idx.msk [tilespmem:v1+s3+$0x0], $0xffff;
	_ =	sdelay $0x4  }
0xba: {  	[tilespmem:$0x5540] =	vst v1  }
0xbb: {  	[tilespmem:v19+s13+$0x0] =	vst.idx.msk $0xffff, v1  }
0xbc: {  	v1 =	vld [tilespmem:$0x4ED0];
	_ =	sdelay $0x1  }
0xbd: {  	v2 =	vld [tilespmem:$0x57D0];
	_ =	sdelay $0x2  }
0xbe: {  	v1 =	vshll.u32 v1, $0x2;
	_ =	sdelay $0x1  }
0xbf: {  	v2 =	vsub.f32 $0.0e+00, v2;
	_ =	sdelay $0x1  }
0xc0: {  	[tilespmem:$0x57D0] =	vst v2  }
0xc1: {  	v2 =	vld.idx.msk [tilespmem:v1+s3+$0x0], $0xffff;
	_ =	sdelay $0x1  }
0xc2: {  	v3 =	vor.u32 $0x1, v1;
	_ =	sdelay $0x2  }
0xc3: {  	[tilespmem:$0x53D0] =	vst v2  }
0xc4: {  	[tilespmem:v20+s13+$0x0] =	vst.idx.msk $0xffff, v2  }
0xc5: {  	v2 =	vld.idx.msk [tilespmem:v3+s3+$0x0], $0xffff;
	_ =	sdelay $0x1  }
0xc6: {  	v3 =	vor.u32 $0x2, v1;
	_ =	sdelay $0x2  }
0xc7: {  	[tilespmem:$0x5450] =	vst v2  }
0xc8: {  	[tilespmem:v21+s13+$0x0] =	vst.idx.msk $0xffff, v2  }
0xc9: {  	v2 =	vld.idx.msk [tilespmem:v3+s3+$0x0], $0xffff;
	_ =	sdelay $0x1  }
0xca: {  	v1 =	vor.u32 $0x3, v1;
	_ =	sdelay $0x2  }
0xcb: {  	[tilespmem:$0x54D0] =	vst v2  }
0xcc: {  	[tilespmem:v22+s13+$0x0] =	vst.idx.msk $0xffff, v2  }
0xcd: {  	v1 =	vld.idx.msk [tilespmem:v1+s3+$0x0], $0xffff;
	_ =	sdelay $0x4  }
0xce: {  	[tilespmem:$0x5550] =	vst v1  }
0xcf: {  	[tilespmem:v23+s13+$0x0] =	vst.idx.msk $0xffff, v1  }
0xd0: {  	v1 =	vld [tilespmem:$0x4EE0];
	_ =	sdelay $0x1  }
0xd1: {  	v2 =	vld [tilespmem:$0x57E0];
	_ =	sdelay $0x2  }
0xd2: {  	v1 =	vshll.u32 v1, $0x2;
	_ =	sdelay $0x1  }
0xd3: {  	v2 =	vsub.f32 $0.0e+00, v2;
	_ =	sdelay $0x1  }
0xd4: {  	[tilespmem:$0x57E0] =	vst v2  }
0xd5: {  	v2 =	vld.idx.msk [tilespmem:v1+s3+$0x0], $0xffff;
	_ =	sdelay $0x1  }
0xd6: {  	v3 =	vor.u32 $0x1, v1;
	_ =	sdelay $0x2  }
0xd7: {  	[tilespmem:$0x53E0] =	vst v2  }
0xd8: {  	[tilespmem:v24+s13+$0x0] =	vst.idx.msk $0xffff, v2  }
0xd9: {  	v2 =	vld.idx.msk [tilespmem:v3+s3+$0x0], $0xffff;
	_ =	sdelay $0x1  }
0xda: {  	v3 =	vor.u32 $0x2, v1;
	_ =	sdelay $0x2  }
0xdb: {  	[tilespmem:$0x5460] =	vst v2  }
0xdc: {  	[tilespmem:v25+s13+$0x0] =	vst.idx.msk $0xffff, v2  }
0xdd: {  	v2 =	vld.idx.msk [tilespmem:v3+s3+$0x0], $0xffff;
	_ =	sdelay $0x1  }
0xde: {  	v1 =	vor.u32 $0x3, v1;
	_ =	sdelay $0x2  }
0xdf: {  	[tilespmem:$0x54E0] =	vst v2  }
0xe0: {  	[tilespmem:v26+s13+$0x0] =	vst.idx.msk $0xffff, v2  }
0xe1: {  	v1 =	vld.idx.msk [tilespmem:v1+s3+$0x0], $0xffff;
	_ =	sdelay $0x4  }
0xe2: {  	[tilespmem:$0x5560] =	vst v1  }
0xe3: {  	[tilespmem:v27+s13+$0x0] =	vst.idx.msk $0xffff, v1  }
0xe4: {  	v1 =	vld [tilespmem:$0x4EF0];
	_ =	sdelay $0x1  }
0xe5: {  	v2 =	vld [tilespmem:$0x57F0];
	_ =	sdelay $0x2  }
0xe6: {  	v1 =	vshll.u32 v1, $0x2;
	_ =	sdelay $0x1  }
0xe7: {  	v2 =	vsub.f32 $0.0e+00, v2;
	_ =	sdelay $0x1  }
0xe8: {  	[tilespmem:$0x57F0] =	vst v2  }
0xe9: {  	v2 =	vld.idx.msk [tilespmem:v1+s3+$0x0], $0xffff;
	_ =	sdelay $0x1  }
0xea: {  	v3 =	vor.u32 $0x1, v1;
	_ =	sdelay $0x2  }
0xeb: {  	[tilespmem:$0x53F0] =	vst v2  }
0xec: {  	[tilespmem:v28+s13+$0x0] =	vst.idx.msk $0xffff, v2  }
0xed: {  	v2 =	vld.idx.msk [tilespmem:v3+s3+$0x0], $0xffff;
	_ =	sdelay $0x1  }
0xee: {  	v3 =	vor.u32 $0x2, v1;
	_ =	sdelay $0x2  }
0xef: {  	[tilespmem:$0x5470] =	vst v2  }
0xf0: {  	[tilespmem:v29+s13+$0x0] =	vst.idx.msk $0xffff, v2  }
0xf1: {  	v2 =	vld.idx.msk [tilespmem:v3+s3+$0x0], $0xffff;
	_ =	sdelay $0x1  }
0xf2: {  	v1 =	vor.u32 $0x3, v1;
	_ =	sdelay $0x2  }
0xf3: {  	[tilespmem:$0x54F0] =	vst v2  }
0xf4: {  	[tilespmem:v30+s13+$0x0] =	vst.idx.msk $0xffff, v2  }
0xf5: {  	v1 =	vld.idx.msk [tilespmem:v1+s3+$0x0], $0xffff;
	_ =	sdelay $0x4  }
0xf6: {  	[tilespmem:$0x5570] =	vst v1  }
0xf7: {  	[tilespmem:v31+s13+$0x0] =	vst.idx.msk $0xffff, v1  }
0xf8: {  	v1 =	vld [tilespmem:$0x4F00];
	_ =	sdelay $0x1  }
0xf9: {  	v2 =	vld [tilespmem:$0x5800];
	_ =	sdelay $0x2  }
0xfa: {  	v1 =	vshll.u32 v1, $0x2;
	_ =	sdelay $0x1  }
0xfb: {  	v2 =	vsub.f32 $0.0e+00, v2;
	_ =	sdelay $0x1  }
0xfc: {  	[tilespmem:$0x5800] =	vst v2  }
0xfd: {  	v2 =	vld.idx.msk [tilespmem:v1+s3+$0x0], $0xffff;
	_ =	sdelay $0x1  }
0xfe: {  	v3 =	vor.u32 $0x1, v1;
	_ =	sdelay $0x2  }
0xff: {  	[tilespmem:$0x5580] =	vst v2  }
0x100: {  	[tilespmem:v32+s13+$0x0] =	vst.idx.msk $0xffff, v2  }
0x101: {  	v2 =	vld.idx.msk [tilespmem:v3+s3+$0x0], $0xffff;
	_ =	sdelay $0x1  }
0x102: {  	v3 =	vor.u32 $0x2, v1;
	_ =	sdelay $0x2  }
0x103: {  	[tilespmem:$0x5600] =	vst v2  }
0x104: {  	[tilespmem:v33+s13+$0x0] =	vst.idx.msk $0xffff, v2  }
0x105: {  	v2 =	vld.idx.msk [tilespmem:v3+s3+$0x0], $0xffff;
	_ =	sdelay $0x1  }
0x106: {  	v1 =	vor.u32 $0x3, v1;
	_ =	sdelay $0x2  }
0x107: {  	[tilespmem:$0x5680] =	vst v2  }
0x108: {  	[tilespmem:v34+s13+$0x0] =	vst.idx.msk $0xffff, v2  }
0x109: {  	v1 =	vld.idx.msk [tilespmem:v1+s3+$0x0], $0xffff;
	_ =	sdelay $0x4  }
0x10a: {  	[tilespmem:$0x5700] =	vst v1  }
0x10b: {  	[tilespmem:v35+s13+$0x0] =	vst.idx.msk $0xffff, v1  }
0x10c: {  	v1 =	vld [tilespmem:$0x4F10];
	_ =	sdelay $0x1  }
0x10d: {  	v2 =	vld [tilespmem:$0x5810];
	_ =	sdelay $0x2  }
0x10e: {  	v1 =	vshll.u32 v1, $0x2;
	_ =	sdelay $0x1  }
0x10f: {  	v2 =	vsub.f32 $0.0e+00, v2;
	_ =	sdelay $0x1  }
0x110: {  	[tilespmem:$0x5810] =	vst v2  }
0x111: {  	v2 =	vld.idx.msk [tilespmem:v1+s3+$0x0], $0xffff;
	_ =	sdelay $0x1  }
0x112: {  	v3 =	vor.u32 $0x1, v1;
	_ =	sdelay $0x2  }
0x113: {  	[tilespmem:$0x5590] =	vst v2  }
0x114: {  	[tilespmem:v36+s13+$0x0] =	vst.idx.msk $0xffff, v2  }
0x115: {  	v2 =	vld.idx.msk [tilespmem:v3+s3+$0x0], $0xffff;
	_ =	sdelay $0x1  }
0x116: {  	v3 =	vor.u32 $0x2, v1;
	_ =	sdelay $0x2  }
0x117: {  	[tilespmem:$0x5610] =	vst v2  }
0x118: {  	[tilespmem:v37+s13+$0x0] =	vst.idx.msk $0xffff, v2  }
0x119: {  	v2 =	vld.idx.msk [tilespmem:v3+s3+$0x0], $0xffff;
	_ =	sdelay $0x1  }
0x11a: {  	v1 =	vor.u32 $0x3, v1;
	_ =	sdelay $0x2  }
0x11b: {  	[tilespmem:$0x5690] =	vst v2  }
0x11c: {  	[tilespmem:v38+s13+$0x0] =	vst.idx.msk $0xffff, v2  }
0x11d: {  	v1 =	vld.idx.msk [tilespmem:v1+s3+$0x0], $0xffff;
	_ =	sdelay $0x4  }
0x11e: {  	[tilespmem:$0x5710] =	vst v1  }
0x11f: {  	[tilespmem:v39+s13+$0x0] =	vst.idx.msk $0xffff, v1  }
0x120: {  	v1 =	vld [tilespmem:$0x4F20];
	_ =	sdelay $0x1  }
0x121: {  	v2 =	vld [tilespmem:$0x5820];
	_ =	sdelay $0x2  }
0x122: {  	v1 =	vshll.u32 v1, $0x2;
	_ =	sdelay $0x1  }
0x123: {  	v2 =	vsub.f32 $0.0e+00, v2;
	_ =	sdelay $0x1  }
0x124: {  	[tilespmem:$0x5820] =	vst v2  }
0x125: {  	v2 =	vld.idx.msk [tilespmem:v1+s3+$0x0], $0xffff;
	_ =	sdelay $0x1  }
0x126: {  	v3 =	vor.u32 $0x1, v1;
	_ =	sdelay $0x2  }
0x127: {  	[tilespmem:$0x55A0] =	vst v2  }
0x128: {  	[tilespmem:v40+s13+$0x0] =	vst.idx.msk $0xffff, v2  }
0x129: {  	v2 =	vld.idx.msk [tilespmem:v3+s3+$0x0], $0xffff;
	_ =	sdelay $0x1  }
0x12a: {  	v3 =	vor.u32 $0x2, v1;
	_ =	sdelay $0x2  }
0x12b: {  	[tilespmem:$0x5620] =	vst v2  }
0x12c: {  	[tilespmem:v41+s13+$0x0] =	vst.idx.msk $0xffff, v2  }
0x12d: {  	v2 =	vld.idx.msk [tilespmem:v3+s3+$0x0], $0xffff;
	_ =	sdelay $0x1  }
0x12e: {  	v1 =	vor.u32 $0x3, v1;
	_ =	sdelay $0x2  }
0x12f: {  	[tilespmem:$0x56A0] =	vst v2  }
0x130: {  	[tilespmem:v42+s13+$0x0] =	vst.idx.msk $0xffff, v2  }
0x131: {  	v1 =	vld.idx.msk [tilespmem:v1+s3+$0x0], $0xffff;
	_ =	sdelay $0x4  }
0x132: {  	[tilespmem:$0x5720] =	vst v1  }
0x133: {  	[tilespmem:v43+s13+$0x0] =	vst.idx.msk $0xffff, v1  }
0x134: {  	v1 =	vld [tilespmem:$0x4F30];
	_ =	sdelay $0x1  }
0x135: {  	v2 =	vld [tilespmem:$0x5830];
	_ =	sdelay $0x2  }
0x136: {  	v1 =	vshll.u32 v1, $0x2;
	_ =	sdelay $0x1  }
0x137: {  	v2 =	vsub.f32 $0.0e+00, v2;
	_ =	sdelay $0x1  }
0x138: {  	[tilespmem:$0x5830] =	vst v2  }
0x139: {  	v2 =	vld.idx.msk [tilespmem:v1+s3+$0x0], $0xffff;
	_ =	sdelay $0x1  }
0x13a: {  	v3 =	vor.u32 $0x1, v1;
	_ =	sdelay $0x2  }
0x13b: {  	[tilespmem:$0x55B0] =	vst v2  }
0x13c: {  	[tilespmem:v44+s13+$0x0] =	vst.idx.msk $0xffff, v2  }
0x13d: {  	v2 =	vld.idx.msk [tilespmem:v3+s3+$0x0], $0xffff;
	_ =	sdelay $0x1  }
0x13e: {  	v3 =	vor.u32 $0x2, v1;
	_ =	sdelay $0x2  }
0x13f: {  	[tilespmem:$0x5630] =	vst v2  }
0x140: {  	[tilespmem:v45+s13+$0x0] =	vst.idx.msk $0xffff, v2  }
0x141: {  	v2 =	vld.idx.msk [tilespmem:v3+s3+$0x0], $0xffff;
	_ =	sdelay $0x1  }
0x142: {  	v1 =	vor.u32 $0x3, v1;
	_ =	sdelay $0x2  }
0x143: {  	[tilespmem:$0x56B0] =	vst v2  }
0x144: {  	[tilespmem:v46+s13+$0x0] =	vst.idx.msk $0xffff, v2  }
0x145: {  	v1 =	vld.idx.msk [tilespmem:v1+s3+$0x0], $0xffff;
	_ =	sdelay $0x4  }
0x146: {  	[tilespmem:$0x5730] =	vst v1  }
0x147: {  	[tilespmem:v47+s13+$0x0] =	vst.idx.msk $0xffff, v1  }
0x148: {  	v1 =	vld [tilespmem:$0x4F40];
	_ =	sdelay $0x1  }
0x149: {  	v2 =	vld [tilespmem:$0x5840];
	_ =	sdelay $0x2  }
0x14a: {  	v1 =	vshll.u32 v1, $0x2;
	_ =	sdelay $0x1  }
0x14b: {  	v2 =	vsub.f32 $0.0e+00, v2;
	_ =	sdelay $0x1  }
0x14c: {  	[tilespmem:$0x5840] =	vst v2  }
0x14d: {  	v2 =	vld.idx.msk [tilespmem:v1+s3+$0x0], $0xffff;
	_ =	sdelay $0x1  }
0x14e: {  	v3 =	vor.u32 $0x1, v1;
	_ =	sdelay $0x2  }
0x14f: {  	[tilespmem:$0x55C0] =	vst v2  }
0x150: {  	[tilespmem:v48+s13+$0x0] =	vst.idx.msk $0xffff, v2  }
0x151: {  	v2 =	vld.idx.msk [tilespmem:v3+s3+$0x0], $0xffff;
	_ =	sdelay $0x1  }
0x152: {  	v3 =	vor.u32 $0x2, v1;
	_ =	sdelay $0x2  }
0x153: {  	[tilespmem:$0x5640] =	vst v2  }
0x154: {  	[tilespmem:v49+s13+$0x0] =	vst.idx.msk $0xffff, v2  }
0x155: {  	v2 =	vld.idx.msk [tilespmem:v3+s3+$0x0], $0xffff;
	_ =	sdelay $0x1  }
0x156: {  	v1 =	vor.u32 $0x3, v1;
	_ =	sdelay $0x2  }
0x157: {  	[tilespmem:$0x56C0] =	vst v2  }
0x158: {  	[tilespmem:v50+s13+$0x0] =	vst.idx.msk $0xffff, v2  }
0x159: {  	v1 =	vld.idx.msk [tilespmem:v1+s3+$0x0], $0xffff;
	_ =	sdelay $0x4  }
0x15a: {  	[tilespmem:$0x5740] =	vst v1  }
0x15b: {  	[tilespmem:v51+s13+$0x0] =	vst.idx.msk $0xffff, v1  }
0x15c: {  	v1 =	vld [tilespmem:$0x4F50];
	_ =	sdelay $0x1  }
0x15d: {  	v2 =	vld [tilespmem:$0x5850];
	_ =	sdelay $0x2  }
0x15e: {  	v1 =	vshll.u32 v1, $0x2;
	_ =	sdelay $0x1  }
0x15f: {  	v2 =	vsub.f32 $0.0e+00, v2;
	_ =	sdelay $0x1  }
0x160: {  	[tilespmem:$0x5850] =	vst v2  }
0x161: {  	v2 =	vld.idx.msk [tilespmem:v1+s3+$0x0], $0xffff;
	_ =	sdelay $0x1  }
0x162: {  	v3 =	vor.u32 $0x1, v1;
	_ =	sdelay $0x2  }
0x163: {  	[tilespmem:$0x55D0] =	vst v2  }
0x164: {  	[tilespmem:v52+s13+$0x0] =	vst.idx.msk $0xffff, v2  }
0x165: {  	v2 =	vld.idx.msk [tilespmem:v3+s3+$0x0], $0xffff;
	_ =	sdelay $0x1  }
0x166: {  	v3 =	vor.u32 $0x2, v1;
	_ =	sdelay $0x2  }
0x167: {  	[tilespmem:$0x5650] =	vst v2  }
0x168: {  	[tilespmem:v53+s13+$0x0] =	vst.idx.msk $0xffff, v2  }
0x169: {  	v2 =	vld.idx.msk [tilespmem:v3+s3+$0x0], $0xffff;
	_ =	sdelay $0x1  }
0x16a: {  	v1 =	vor.u32 $0x3, v1;
	_ =	sdelay $0x2  }
0x16b: {  	[tilespmem:$0x56D0] =	vst v2  }
0x16c: {  	[tilespmem:v54+s13+$0x0] =	vst.idx.msk $0xffff, v2  }
0x16d: {  	v1 =	vld.idx.msk [tilespmem:v1+s3+$0x0], $0xffff;
	_ =	sdelay $0x4  }
0x16e: {  	[tilespmem:$0x5750] =	vst v1  }
0x16f: {  	[tilespmem:v55+s13+$0x0] =	vst.idx.msk $0xffff, v1  }
0x170: {  	v1 =	vld [tilespmem:$0x4F60];
	_ =	sdelay $0x1  }
0x171: {  	v2 =	vld [tilespmem:$0x5860];
	_ =	sdelay $0x2  }
0x172: {  	v1 =	vshll.u32 v1, $0x2;
	_ =	sdelay $0x1  }
0x173: {  	v2 =	vsub.f32 $0.0e+00, v2;
	_ =	sdelay $0x1  }
0x174: {  	[tilespmem:$0x5860] =	vst v2  }
0x175: {  	v2 =	vld.idx.msk [tilespmem:v1+s3+$0x0], $0xffff;
	_ =	sdelay $0x1  }
0x176: {  	v3 =	vor.u32 $0x1, v1;
	_ =	sdelay $0x2  }
0x177: {  	[tilespmem:$0x55E0] =	vst v2  }
0x178: {  	[tilespmem:v56+s13+$0x0] =	vst.idx.msk $0xffff, v2  }
0x179: {  	v2 =	vld.idx.msk [tilespmem:v3+s3+$0x0], $0xffff;
	_ =	sdelay $0x1  }
0x17a: {  	v3 =	vor.u32 $0x2, v1;
	_ =	sdelay $0x2  }
0x17b: {  	[tilespmem:$0x5660] =	vst v2  }
0x17c: {  	[tilespmem:v57+s13+$0x0] =	vst.idx.msk $0xffff, v2  }
0x17d: {  	v2 =	vld.idx.msk [tilespmem:v3+s3+$0x0], $0xffff;
	_ =	sdelay $0x1  }
0x17e: {  	v1 =	vor.u32 $0x3, v1;
	_ =	sdelay $0x2  }
0x17f: {  	[tilespmem:$0x56E0] =	vst v2  }
0x180: {  	[tilespmem:v58+s13+$0x0] =	vst.idx.msk $0xffff, v2  }
0x181: {  	v1 =	vld.idx.msk [tilespmem:v1+s3+$0x0], $0xffff;
	_ =	sdelay $0x4  }
0x182: {  	[tilespmem:$0x5760] =	vst v1  }
0x183: {  	[tilespmem:v59+s13+$0x0] =	vst.idx.msk $0xffff, v1  }
0x184: {  	v1 =	vld [tilespmem:$0x4F70];
	_ =	sdelay $0x1  }
0x185: {  	v2 =	vld [tilespmem:$0x5870];
	_ =	sdelay $0x2  }
0x186: {  	v1 =	vshll.u32 v1, $0x2;
	_ =	sdelay $0x1  }
0x187: {  	v2 =	vsub.f32 $0.0e+00, v2;
	_ =	sdelay $0x1  }
0x188: {  	[tilespmem:$0x5870] =	vst v2  }
0x189: {  	v2 =	vld.idx.msk [tilespmem:v1+s3+$0x0], $0xffff;
	_ =	sdelay $0x1  }
0x18a: {  	v3 =	vor.u32 $0x1, v1;
	_ =	sdelay $0x2  }
0x18b: {  	[tilespmem:$0x55F0] =	vst v2  }
0x18c: {  	[tilespmem:v60+s13+$0x0] =	vst.idx.msk $0xffff, v2  }
0x18d: {  	v2 =	vld.idx.msk [tilespmem:v3+s3+$0x0], $0xffff;
	_ =	sdelay $0x1  }
0x18e: {  	v3 =	vor.u32 $0x2, v1;
	_ =	sdelay $0x2  }
0x18f: {  	[tilespmem:$0x5670] =	vst v2  }
0x190: {  	[tilespmem:v61+s13+$0x0] =	vst.idx.msk $0xffff, v2  }
0x191: {  	v2 =	vld.idx.msk [tilespmem:v3+s3+$0x0], $0xffff;
	_ =	sdelay $0x1  }
0x192: {  	v1 =	vor.u32 $0x3, v1;
	_ =	sdelay $0x2  }
0x193: {  	[tilespmem:$0x56F0] =	vst v2  }
0x194: {  	[tilespmem:v62+s13+$0x0] =	vst.idx.msk $0xffff, v2  }
0x195: {  	v1 =	vld.idx.msk [tilespmem:v1+s3+$0x0], $0xffff;
	_ =	sdelay $0x4  }
0x196: {  	[tilespmem:$0x5770] =	vst v1  }
0x197: {  	[tilespmem:v63+s13+$0x0] =	vst.idx.msk $0xffff, v1  }
0x198: {  	[hbm4b:s8+s3] =	stream.linear.scatter [tilespmem:s13], [sflag:$0x1], $0x400, $0x38;
	[tilespmem:$0x5880] =	vst v63  }
0x199: {  	_ =	swait.ge [sflag:s12], $0x400  }
0x19a: {  	[sflag:s12] =	ssyncset.done $0x0  }
0x19b: {  	[sflag:s12] =	ssyncadd.s32 $0xFFFFFC00  }
0x19c: {  	[hbm4b:s9+s3] =	stream.linear.scatter [tilespmem:s14], [sflag:$0x1], $0x400, $0x38;
	[tilespmem:$0x5880] =	vst v63  }
0x19d: {  	s11 =	sadd.s32 $0xFFFFFFFF, s11;
	_ =	swait.ge [sflag:s12], $0x400  }
0x19e: {  	p1 =	sne.s32 s11, $0x0;
	[sflag:s12] =	ssyncset.done $0x0  }
.Ltmp1:
0x19f: {  	[sflag:s12] =	ssyncadd.s32 $0xFFFFFC00;
	(pc) =	sbr.rel @p1 .LBB2_2-.Ltmp1, $4  }
0x1a0: {  	[hbm4b:s10+s3] =	stream.linear.scatter [tilespmem:s15], [sflag:$0x1], $0x100, $0x38;
	[tilespmem:$0x5880] =	vst v63  }
0x1a1: {  	_ =	swait.ge [sflag:s12], $0x100  }
0x1a2: {  	[sflag:s12] =	ssyncset.done $0x0  }
0x1a3: {  	[sflag:s12] =	ssyncadd.s32 $0xFFFFFF00  }
.LBB2_3:
0x1a4: {  	_ =	sfence.sel $0x180000  }
0x1a5: {  	[bflag:$0x0] =	sbarrier.arrive $0xFFFF  }
0x1a6: {  	p0 =	sne.s32 s1, $0x0;
	_ =	strace $0x90000047  }
0x1a7: {  	s0 =	sadd.s32 @!p0 $0x100000, s0;
	[bflag:$0x2] =	sbarrier.arrive $0xFFFF  }
0x1a8: {  	[sflag:s0] =	ssyncadd.tile.s32 @!p0 $0x1;
	_ =	shalt  }
.Lfunc_end2:
_tile_overlayer_lowered:
.L_overlay_start_2:
0x1a9: {  	(tag) =	ssettag $0x2  }
0x1aa: {  	s0 =	rddreg [dreg:$0x0];
	s2 =	stileid.u32  }
0x1ab: {  	s1 =	rddreg [dreg:$0x1];
	p0 =	sne.s32 s2, $0x0  }
0x1ac: {  	s3 =	rddreg [dreg:$0x2];
	[bflag:$0x3] =	sbarrier.arrive $0xFFFF;
	s2 =	simm.s32 @!p0 $0x1C01  }
0x1ad: {  	[timem:s3], [sflag:s2] =	dma.local @!p0 [hbm:s0], s1  }
0x1ae: {  	s0 =	simm.s32 @!p0 $0x1  }
0x1af: {  	_ =	swait.ge @!p0 [sflag:s0], s1  }
0x1b0: {  	s1 =	ssub.s32 @!p0 $0x0, s1;
	[sflag:s0] =	ssyncset.done @!p0 $0x0  }
0x1b1: {  	[sflag:s0] =	ssyncadd.s32 @!p0 s1  }
0x1b2: {  	[bflag:$0x3] =	sbarrier.arrive $0xFFFF  }
0x1b3: {  	_ =	shalt  }

</sc_bundles>
